<compile_context>
chip_gen: v7x
topology: tpu7x:2x2x1
jax: 0.10.2.dev20260603
libtpu: 0.0.44.dev20260713+nightly
codegen_flags: <defaults>
</compile_context>

<pallas_src>
import jax
import jax.numpy as jnp
from jax import lax
from jax.experimental import pallas as pl
from jax.experimental.pallas import tpu as pltpu
from jax.experimental.pallas import tpu_sc as plsc

_DELTA_VAR = 0.1
_DELTA_DIST = 2.0
_C = 64
_F = 8
_N = 16 * 48 * 48
_E = 256
_NS = 16
_L = 16
_PPT = _N // _NS
_CHUNKS = _PPT // _L
_ACC = (_F + 1) * _C * _L
_RED = (_F + 1) * _C


def _vsqrt(x):
    i = plsc.bitcast(x, jnp.int32)
    i = jnp.int32(0x5F3759DF) - (i >> 1)
    y = plsc.bitcast(i, jnp.float32)
    for _ in range(3):
        y = y * (jnp.float32(1.5) - jnp.float32(0.5) * x * y * y)
    return x * y


def _loss_body(emb_hbm, seg_hbm, edges_hbm, out_hbm,
               emb2_v, seg_v, edges_v, accum, red_v, all_s, tot_v,
               means_v, invn_v, part_v, partall_s, partstage_v, loss_v,
               sem_e, sem_s, sem_g):
    sid = lax.axis_index("s")
    lane = jnp.arange(16, dtype=jnp.int32)
    zeros = jnp.zeros((16,), jnp.float32)
    ones = jnp.ones((16,), jnp.float32)

    cp_e = pltpu.async_copy(
        emb_hbm.at[:, pl.ds(sid * _PPT, _PPT)], emb2_v, sem_e)
    cp_s = pltpu.async_copy(seg_hbm.at[pl.ds(sid * _PPT, _PPT)], seg_v, sem_s)
    cp_g = pltpu.async_copy(edges_hbm, edges_v, sem_g)

    def zero_body(i, _):
        for u in range(8):
            accum[pl.ds(i * 128 + u * 16, 16)] = zeros
        return 0
    lax.fori_loop(0, _ACC // 128, zero_body, 0)
    cp_s.wait()
    cp_e.wait()

    def p1_body(i, _):
        for u in range(4):
            base = i * 64 + u * 16
            labels = seg_v[pl.ds(base, 16)]
            idx0 = labels * 16 + lane
            vals = [emb2_v[f, pl.ds(base, 16)] for f in range(_F)]
            for f in range(_F):
                plsc.addupdate_scatter(accum, [idx0 + f * (_C * _L)], vals[f])
            plsc.addupdate_scatter(accum, [idx0 + _F * (_C * _L)], ones)
        return 0
    lax.fori_loop(0, _CHUNKS // 4, p1_body, 0)

    def lr_body(j, _):
        base = j * 256
        g = [plsc.load_gather(accum, [base + ((lane + l) & 15) + lane * 16])
             for l in range(16)]
        while len(g) > 1:
            g = [g[k] + g[k + 1] for k in range(0, len(g), 2)]
        red_v[pl.ds(j * 16, 16)] = g[0]
        return 0
    lax.fori_loop(0, _RED // 16, lr_body, 0)

    pltpu.sync_copy(red_v, all_s.at[pl.ds(sid * _RED, _RED)])
    plsc.subcore_barrier()
    pltpu.sync_copy(all_s, tot_v)

    def ct_body(j, _):
        g = [tot_v[pl.ds(t * _RED + j * 16, 16)] for t in range(_NS)]
        while len(g) > 1:
            g = [g[k] + g[k + 1] for k in range(0, len(g), 2)]
        red_v[pl.ds(j * 16, 16)] = g[0]
        return 0
    lax.fori_loop(0, _RED // 16, ct_body, 0)

    for cc in range(_C // 16):
        cnt = red_v[pl.ds(_F * _C + cc * 16, 16)]
        inv = jnp.float32(1.0) / cnt
        invn_v[pl.ds(cc * 16, 16)] = inv
        for f in range(_F):
            means_v[pl.ds(f * _C + cc * 16, 16)] = \
                red_v[pl.ds(f * _C + cc * 16, 16)] * inv

    def p2_body(i, intra):
        for u in range(4):
            base = i * 64 + u * 16
            labels = seg_v[pl.ds(base, 16)]
            acc = jnp.full((16,), 1e-12, jnp.float32)
            for f in range(_F):
                g = plsc.load_gather(means_v, [labels + f * _C])
                d = g - emb2_v[f, pl.ds(base, 16)]
                acc = acc + d * d
            dist = _vsqrt(acc)
            w = plsc.load_gather(invn_v, [labels])
            intra = intra + jnp.maximum(dist - _DELTA_VAR, 0.0) * w
        return intra
    intra_acc = lax.fori_loop(0, _CHUNKS // 4, p2_body, zeros)

    cp_g.wait()
    la = edges_v[pl.ds(sid * 16, 16)]
    lb = edges_v[pl.ds(_E + sid * 16, 16)]
    eacc = jnp.full((16,), 1e-12, jnp.float32)
    for f in range(_F):
        d = (plsc.load_gather(means_v, [la + f * _C])
             - plsc.load_gather(means_v, [lb + f * _C]))
        eacc = eacc + d * d
    edist = _vsqrt(eacc)
    inter_acc = jnp.maximum(_DELTA_DIST - edist, 0.0)

    part_v[...] = (intra_acc * jnp.float32(1.0 / _C)
                   + inter_acc * jnp.float32(1.0 / _E))
    pltpu.sync_copy(part_v, partall_s.at[pl.ds(sid * 16, 16)])
    plsc.subcore_barrier()

    @pl.when(sid == 0)
    def _():
        pltpu.sync_copy(partall_s, partstage_v)
        acc = zeros
        for t in range(_NS):
            acc = acc + partstage_v[pl.ds(t * 16, 16)]
        loss_v[...] = jnp.broadcast_to(jnp.sum(acc), (16,))
        pltpu.sync_copy(loss_v, out_hbm)


def kernel(embeddings, sp_seg, edges):
    emb = embeddings.reshape(_F, _N)
    seg = sp_seg.reshape(_N)
    edg = edges.reshape(2 * _E)

    mesh = plsc.VectorSubcoreMesh(core_axis_name="c", subcore_axis_name="s",
                                  num_cores=1)
    k = pl.kernel(
        _loss_body,
        out_type=jax.ShapeDtypeStruct((16,), jnp.float32),
        mesh=mesh,
        compiler_params=pltpu.CompilerParams(needs_layout_passes=False),
        scratch_types=[
            pltpu.VMEM((_F, _PPT), jnp.float32),
            pltpu.VMEM((_PPT,), jnp.int32),
            pltpu.VMEM((2 * _E,), jnp.int32),
            pltpu.VMEM((_ACC,), jnp.float32),
            pltpu.VMEM((_RED,), jnp.float32),
            pltpu.VMEM_SHARED((_NS * _RED,), jnp.float32),
            pltpu.VMEM((_NS * _RED,), jnp.float32),
            pltpu.VMEM((_C * _F,), jnp.float32),
            pltpu.VMEM((_C,), jnp.float32),
            pltpu.VMEM((16,), jnp.float32),
            pltpu.VMEM_SHARED((_NS * 16,), jnp.float32),
            pltpu.VMEM((_NS * 16,), jnp.float32),
            pltpu.VMEM((16,), jnp.float32),
            pltpu.SemaphoreType.DMA,
            pltpu.SemaphoreType.DMA,
            pltpu.SemaphoreType.DMA,
        ],
    )
    out = k(emb, seg, edg)
    return out[0]

# --- scband reference (transcript-rebuilt; emitter-appended) ---
"""Pipeline reference for scband-rag-contrastive-loss-2886218023668 (READ-ONLY COPY).

The authoritative reference and input builder live on the scoring server;
editing this copy changes nothing except your own understanding.
"""

import jax, jax.numpy as jnp
import numpy as np

DELTA_VAR = 0.1
DELTA_DIST = 2.0
ALPHA = 1.0
BETA = 1.0
C = 64


def l2_distance(a, b, dim, kd=True):
    return jnp.sqrt(jnp.sum((a - b) ** 2, axis=dim, keepdims=kd) + 1e-12)


def setup_inputs(seed: int = 0) -> dict:
    key = jax.random.key(seed)
    k1, k2, k3 = jax.random.split(key, 3)
    embeddings = jax.random.normal(k1, (1, 8, 16, 48, 48), dtype=jnp.float32)
    sp_seg = jax.random.randint(k2, (1, 1, 16, 48, 48), 0, C, dtype=jnp.int32)
    # guarantee the max label C-1 is present so C = sp_seg.max()+1 holds
    sp_seg = sp_seg.at[0, 0, 0, 0, 0].set(C - 1)
    edges = jax.random.randint(k3, (2, 256), 0, C, dtype=jnp.int32)
    return {"embeddings": embeddings, "sp_seg": sp_seg, "edges": edges}


def reference(embeddings, sp_seg, edges):
    # C = int(sp_seg.max()) + 1, statically known = 64 (guaranteed by setup_inputs)
    F = embeddings.shape[1]
    # mask.scatter_(0, sp_seg[None], 1) -> dense one-hot over superpixel labels
    lbl = jnp.arange(C, dtype=sp_seg.dtype).reshape((C,) + (1,) * sp_seg.ndim)
    mask = (sp_seg[None] == lbl).astype(embeddings.dtype)  # (C, B, 1, D, H, W)
    masked_embeddings = mask * embeddings[None]  # (C, B, F, D, H, W)
    n_pix_per_sp = mask.reshape(C, -1).sum(axis=1, keepdims=True)  # (C, 1)
    sp_means = jnp.swapaxes(masked_embeddings, 1, 2).reshape(C, F, -1).sum(axis=2) / n_pix_per_sp  # (C, F)
    # intra-superpixel variance term
    intra = l2_distance(sp_means[:, None, :, None, None, None], masked_embeddings, dim=2, kd=True)  # (C, B, 1, D, H, W)
    intra = jnp.maximum(intra - DELTA_VAR, 0.0) / n_pix_per_sp[..., None, None, None, None]
    # torch: intra[mask.bool()].sum() == sum over masked positions
    intra = jnp.sum(intra * mask) / C
    # inter-superpixel (RAG edge) term
    edge_feats = sp_means[edges]  # (2, E, F)
    inter = l2_distance(edge_feats[0], edge_feats[1], dim=1, kd=False)  # (E,)
    inter = jnp.sum(jnp.maximum(DELTA_DIST - inter, 0.0)) / edges.shape[1]
    loss = ALPHA * inter + BETA * intra
    return loss

if __name__ == "__main__":
    import jax
    _d = setup_inputs()
    print(jax.jit(kernel)(*tuple(_d.values())))

</pallas_src>

<mosaic_0001>
#map = affine_map<(d0, d1) -> (0, 0)>
#map1 = affine_map<(d0, d1) -> (0)>
module attributes {stable_mosaic.version = 14 : i64} {
  func.func @_loss_body(%arg0: i32, %arg1: i32, %arg2: memref<8x36864xf32, #tpu.memory_space<hbm>>, %arg3: memref<36864xi32, #tpu.memory_space<hbm>>, %arg4: memref<512xi32, #tpu.memory_space<hbm>>, %arg5: memref<16xf32, #tpu.memory_space<hbm>>, %arg6: memref<8x2304xf32, #tpu.memory_space<vmem>>, %arg7: memref<2304xi32, #tpu.memory_space<vmem>>, %arg8: memref<512xi32, #tpu.memory_space<vmem>>, %arg9: memref<9216xf32, #tpu.memory_space<vmem>>, %arg10: memref<576xf32, #tpu.memory_space<vmem>>, %arg11: memref<9216xf32, #tpu.memory_space<vmem_shared>>, %arg12: memref<9216xf32, #tpu.memory_space<vmem>>, %arg13: memref<512xf32, #tpu.memory_space<vmem>>, %arg14: memref<64xf32, #tpu.memory_space<vmem>>, %arg15: memref<16xf32, #tpu.memory_space<vmem>>, %arg16: memref<256xf32, #tpu.memory_space<vmem_shared>>, %arg17: memref<256xf32, #tpu.memory_space<vmem>>, %arg18: memref<16xf32, #tpu.memory_space<vmem>>, %arg19: memref<!tpu.dma_semaphore, #tpu.memory_space<semaphore_mem>>, %arg20: memref<!tpu.dma_semaphore, #tpu.memory_space<semaphore_mem>>, %arg21: memref<!tpu.dma_semaphore, #tpu.memory_space<semaphore_mem>>) attributes {dimension_semantics = [#tpu.dimension_semantics<core_parallel>, #tpu.dimension_semantics<subcore_parallel>], iteration_bounds = array<i64: 1, 16>, scalar_prefetch = 0 : i64, scratch_operands = 16 : i64, tpu.core_type = #tpu.core_type<sc_vector_subcore>, window_params = [{transform_indices = #map}, {transform_indices = #map1}, {transform_indices = #map1}, {transform_indices = #map1}]} {
    %iota3A = tpu.iota {dimensions = array<i32: 0>} : vector<16xi32>
    %broadcast_in_dim3A = arith.constant 0.000000e+00 : f32
    %broadcast_in_dim3A_0 = vector.broadcast %broadcast_in_dim3A : f32 to vector<16xf32>
    %broadcast_in_dim3A_1 = arith.constant 1.000000e+00 : f32
    %broadcast_in_dim3A_2 = vector.broadcast %broadcast_in_dim3A_1 : f32 to vector<16xf32>
    %mul3A = arith.constant 2304 : i32
    %mul3A_3 = arith.muli %arg1, %mul3A : i32
    %dma_start3A = arith.constant 0 : i32
    %dma_start3A_4 = tpu.memref_slice %arg2[%dma_start3A, %mul3A_3] : memref<8x36864xf32, #tpu.memory_space<hbm>> -> memref<8x2304xf32, #tpu.memory_space<hbm>>
    %dma_start3A_5 = arith.constant 0 : i32
    %dma_start3A_6 = tpu.memref_slice %arg2[%dma_start3A_5, %mul3A_3] : memref<8x36864xf32, #tpu.memory_space<hbm>> -> memref<8x2304xf32, #tpu.memory_space<hbm>>
    tpu.enqueue_dma source(%dma_start3A_6 : memref<8x2304xf32, #tpu.memory_space<hbm>>) target(%arg6 : memref<8x2304xf32, #tpu.memory_space<vmem>>) target_semaphore(%arg19 : memref<!tpu.dma_semaphore, #tpu.memory_space<semaphore_mem>>)
    %mul3A_7 = arith.constant 2304 : i32
    %mul3A_8 = arith.muli %arg1, %mul3A_7 : i32
    %dma_start3A_9 = tpu.memref_slice %arg3[%mul3A_8] : memref<36864xi32, #tpu.memory_space<hbm>> -> memref<2304xi32, #tpu.memory_space<hbm>>
    %dma_start3A_10 = tpu.memref_slice %arg3[%mul3A_8] : memref<36864xi32, #tpu.memory_space<hbm>> -> memref<2304xi32, #tpu.memory_space<hbm>>
    tpu.enqueue_dma source(%dma_start3A_10 : memref<2304xi32, #tpu.memory_space<hbm>>) target(%arg7 : memref<2304xi32, #tpu.memory_space<vmem>>) target_semaphore(%arg20 : memref<!tpu.dma_semaphore, #tpu.memory_space<semaphore_mem>>)
    tpu.enqueue_dma source(%arg4 : memref<512xi32, #tpu.memory_space<hbm>>) target(%arg8 : memref<512xi32, #tpu.memory_space<vmem>>) target_semaphore(%arg21 : memref<!tpu.dma_semaphore, #tpu.memory_space<semaphore_mem>>)
    %scan3A = arith.constant 0 : i32
    %scan3A_11 = arith.constant 0 : i32
    %scan3A_12 = arith.constant 72 : i32
    %scan3A_13 = arith.addi %scan3A_11, %scan3A_12 : i32
    %scan3A_14 = arith.constant 1 : i32
    %scan3A_15 = scf.for %scan3A_386 = %scan3A_11 to %scan3A_13 step %scan3A_14 iter_args(%scan3A_387 = %scan3A) -> (i32)  : i32 {
      %mul3A_388 = arith.constant 128 : i32
      %mul3A_389 = arith.muli %scan3A_386, %mul3A_388 : i32
      %add3A_390 = arith.constant 0 : i32
      %add3A_391 = arith.addi %mul3A_389, %add3A_390 : i32
      %swap3A_392 = arith.index_cast %add3A_391 : i32 to index
      %swap3A_393 = tpu.vector_load %arg9[%swap3A_392] {strides = array<i32>} : memref<9216xf32, #tpu.memory_space<vmem>>, vector<16xf32>,
      tpu.vector_store %arg9[%swap3A_392], %broadcast_in_dim3A_0 {strides = array<i32>} : memref<9216xf32, #tpu.memory_space<vmem>>, vector<16xf32>,
      %mul3A_394 = arith.constant 128 : i32
      %mul3A_395 = arith.muli %scan3A_386, %mul3A_394 : i32
      %add3A_396 = arith.constant 16 : i32
      %add3A_397 = arith.addi %mul3A_395, %add3A_396 : i32
      %swap3A_398 = arith.index_cast %add3A_397 : i32 to index
      %swap3A_399 = tpu.vector_load %arg9[%swap3A_398] {strides = array<i32>} : memref<9216xf32, #tpu.memory_space<vmem>>, vector<16xf32>,
      tpu.vector_store %arg9[%swap3A_398], %broadcast_in_dim3A_0 {strides = array<i32>} : memref<9216xf32, #tpu.memory_space<vmem>>, vector<16xf32>,
      %mul3A_400 = arith.constant 128 : i32
      %mul3A_401 = arith.muli %scan3A_386, %mul3A_400 : i32
      %add3A_402 = arith.constant 32 : i32
      %add3A_403 = arith.addi %mul3A_401, %add3A_402 : i32
      %swap3A_404 = arith.index_cast %add3A_403 : i32 to index
      %swap3A_405 = tpu.vector_load %arg9[%swap3A_404] {strides = array<i32>} : memref<9216xf32, #tpu.memory_space<vmem>>, vector<16xf32>,
      tpu.vector_store %arg9[%swap3A_404], %broadcast_in_dim3A_0 {strides = array<i32>} : memref<9216xf32, #tpu.memory_space<vmem>>, vector<16xf32>,
      %mul3A_406 = arith.constant 128 : i32
      %mul3A_407 = arith.muli %scan3A_386, %mul3A_406 : i32
      %add3A_408 = arith.constant 48 : i32
      %add3A_409 = arith.addi %mul3A_407, %add3A_408 : i32
      %swap3A_410 = arith.index_cast %add3A_409 : i32 to index
      %swap3A_411 = tpu.vector_load %arg9[%swap3A_410] {strides = array<i32>} : memref<9216xf32, #tpu.memory_space<vmem>>, vector<16xf32>,
      tpu.vector_store %arg9[%swap3A_410], %broadcast_in_dim3A_0 {strides = array<i32>} : memref<9216xf32, #tpu.memory_space<vmem>>, vector<16xf32>,
      %mul3A_412 = arith.constant 128 : i32
      %mul3A_413 = arith.muli %scan3A_386, %mul3A_412 : i32
      %add3A_414 = arith.constant 64 : i32
      %add3A_415 = arith.addi %mul3A_413, %add3A_414 : i32
      %swap3A_416 = arith.index_cast %add3A_415 : i32 to index
      %swap3A_417 = tpu.vector_load %arg9[%swap3A_416] {strides = array<i32>} : memref<9216xf32, #tpu.memory_space<vmem>>, vector<16xf32>,
      tpu.vector_store %arg9[%swap3A_416], %broadcast_in_dim3A_0 {strides = array<i32>} : memref<9216xf32, #tpu.memory_space<vmem>>, vector<16xf32>,
      %mul3A_418 = arith.constant 128 : i32
      %mul3A_419 = arith.muli %scan3A_386, %mul3A_418 : i32
      %add3A_420 = arith.constant 80 : i32
      %add3A_421 = arith.addi %mul3A_419, %add3A_420 : i32
      %swap3A_422 = arith.index_cast %add3A_421 : i32 to index
      %swap3A_423 = tpu.vector_load %arg9[%swap3A_422] {strides = array<i32>} : memref<9216xf32, #tpu.memory_space<vmem>>, vector<16xf32>,
      tpu.vector_store %arg9[%swap3A_422], %broadcast_in_dim3A_0 {strides = array<i32>} : memref<9216xf32, #tpu.memory_space<vmem>>, vector<16xf32>,
      %mul3A_424 = arith.constant 128 : i32
      %mul3A_425 = arith.muli %scan3A_386, %mul3A_424 : i32
      %add3A_426 = arith.constant 96 : i32
      %add3A_427 = arith.addi %mul3A_425, %add3A_426 : i32
      %swap3A_428 = arith.index_cast %add3A_427 : i32 to index
      %swap3A_429 = tpu.vector_load %arg9[%swap3A_428] {strides = array<i32>} : memref<9216xf32, #tpu.memory_space<vmem>>, vector<16xf32>,
      tpu.vector_store %arg9[%swap3A_428], %broadcast_in_dim3A_0 {strides = array<i32>} : memref<9216xf32, #tpu.memory_space<vmem>>, vector<16xf32>,
      %mul3A_430 = arith.constant 128 : i32
      %mul3A_431 = arith.muli %scan3A_386, %mul3A_430 : i32
      %add3A_432 = arith.constant 112 : i32
      %add3A_433 = arith.addi %mul3A_431, %add3A_432 : i32
      %swap3A_434 = arith.index_cast %add3A_433 : i32 to index
      %swap3A_435 = tpu.vector_load %arg9[%swap3A_434] {strides = array<i32>} : memref<9216xf32, #tpu.memory_space<vmem>>, vector<16xf32>,
      tpu.vector_store %arg9[%swap3A_434], %broadcast_in_dim3A_0 {strides = array<i32>} : memref<9216xf32, #tpu.memory_space<vmem>>, vector<16xf32>,
      %scan3A_436 = arith.constant 0 : i32
      scf.yield %scan3A_436 : i32
    }
    %scan3A_16 = arith.constant 72 : i32
    %dma_wait3A = tpu.memref_slice %arg3[%mul3A_8] : memref<36864xi32, #tpu.memory_space<hbm>> -> memref<2304xi32, #tpu.memory_space<hbm>>
    %dma_wait3A_17 = tpu.memref_slice %arg3[%mul3A_8] : memref<36864xi32, #tpu.memory_space<hbm>> -> memref<2304xi32, #tpu.memory_space<hbm>>
    tpu.wait_dma2 semaphore(%arg20 : memref<!tpu.dma_semaphore, #tpu.memory_space<semaphore_mem>>) src(%dma_wait3A_17 : memref<2304xi32, #tpu.memory_space<hbm>>) dst(%arg7 : memref<2304xi32, #tpu.memory_space<vmem>>)
    %dma_wait3A_18 = arith.constant 0 : i32
    %dma_wait3A_19 = tpu.memref_slice %arg2[%dma_wait3A_18, %mul3A_3] : memref<8x36864xf32, #tpu.memory_space<hbm>> -> memref<8x2304xf32, #tpu.memory_space<hbm>>
    %dma_wait3A_20 = arith.constant 0 : i32
    %dma_wait3A_21 = tpu.memref_slice %arg2[%dma_wait3A_20, %mul3A_3] : memref<8x36864xf32, #tpu.memory_space<hbm>> -> memref<8x2304xf32, #tpu.memory_space<hbm>>
    tpu.wait_dma2 semaphore(%arg19 : memref<!tpu.dma_semaphore, #tpu.memory_space<semaphore_mem>>) src(%dma_wait3A_21 : memref<8x2304xf32, #tpu.memory_space<hbm>>) dst(%arg6 : memref<8x2304xf32, #tpu.memory_space<vmem>>)
    %scan3A_22 = arith.constant 0 : i32
    %scan3A_23 = arith.constant 0 : i32
    %scan3A_24 = arith.constant 36 : i32
    %scan3A_25 = arith.addi %scan3A_23, %scan3A_24 : i32
    %scan3A_26 = arith.constant 1 : i32
    %scan3A_27 = scf.for %scan3A_386 = %scan3A_23 to %scan3A_25 step %scan3A_26 iter_args(%scan3A_387 = %scan3A_22) -> (i32)  : i32 {
      %mul3A_388 = arith.constant 64 : i32
      %mul3A_389 = arith.muli %scan3A_386, %mul3A_388 : i32
      %add3A_390 = arith.constant 0 : i32
      %add3A_391 = arith.addi %mul3A_389, %add3A_390 : i32
      %get3A_392 = arith.index_cast %add3A_391 : i32 to index
      %get3A_393 = tpu.vector_load %arg7[%get3A_392] {strides = array<i32>} : memref<2304xi32, #tpu.memory_space<vmem>>, vector<16xi32>,
      %mul3A_394 = arith.constant 16 : i32
      %mul3A_395 = vector.broadcast %mul3A_394 : i32 to vector<16xi32>
      %mul3A_396 = arith.muli %get3A_393, %mul3A_395 : vector<16xi32>
      %add3A_397 = arith.addi %mul3A_396, %iota3A : vector<16xi32>
      %get3A_398 = arith.constant 0 : i32
      %get3A_399 = arith.index_cast %get3A_398 : i32 to index
      %get3A_400 = arith.index_cast %add3A_391 : i32 to index
      %get3A_401 = tpu.vector_load %arg6[%get3A_399, %get3A_400] {strides = array<i32>} : memref<8x2304xf32, #tpu.memory_space<vmem>>, vector<16xf32>,
      %get3A_402 = arith.constant 1 : i32
      %get3A_403 = arith.index_cast %get3A_402 : i32 to index
      %get3A_404 = arith.index_cast %add3A_391 : i32 to index
      %get3A_405 = tpu.vector_load %arg6[%get3A_403, %get3A_404] {strides = array<i32>} : memref<8x2304xf32, #tpu.memory_space<vmem>>, vector<16xf32>,
      %get3A_406 = arith.constant 2 : i32
      %get3A_407 = arith.index_cast %get3A_406 : i32 to index
      %get3A_408 = arith.index_cast %add3A_391 : i32 to index
      %get3A_409 = tpu.vector_load %arg6[%get3A_407, %get3A_408] {strides = array<i32>} : memref<8x2304xf32, #tpu.memory_space<vmem>>, vector<16xf32>,
      %get3A_410 = arith.constant 3 : i32
      %get3A_411 = arith.index_cast %get3A_410 : i32 to index
      %get3A_412 = arith.index_cast %add3A_391 : i32 to index
      %get3A_413 = tpu.vector_load %arg6[%get3A_411, %get3A_412] {strides = array<i32>} : memref<8x2304xf32, #tpu.memory_space<vmem>>, vector<16xf32>,
      %get3A_414 = arith.constant 4 : i32
      %get3A_415 = arith.index_cast %get3A_414 : i32 to index
      %get3A_416 = arith.index_cast %add3A_391 : i32 to index
      %get3A_417 = tpu.vector_load %arg6[%get3A_415, %get3A_416] {strides = array<i32>} : memref<8x2304xf32, #tpu.memory_space<vmem>>, vector<16xf32>,
      %get3A_418 = arith.constant 5 : i32
      %get3A_419 = arith.index_cast %get3A_418 : i32 to index
      %get3A_420 = arith.index_cast %add3A_391 : i32 to index
      %get3A_421 = tpu.vector_load %arg6[%get3A_419, %get3A_420] {strides = array<i32>} : memref<8x2304xf32, #tpu.memory_space<vmem>>, vector<16xf32>,
      %get3A_422 = arith.constant 6 : i32
      %get3A_423 = arith.index_cast %get3A_422 : i32 to index
      %get3A_424 = arith.index_cast %add3A_391 : i32 to index
      %get3A_425 = tpu.vector_load %arg6[%get3A_423, %get3A_424] {strides = array<i32>} : memref<8x2304xf32, #tpu.memory_space<vmem>>, vector<16xf32>,
      %get3A_426 = arith.constant 7 : i32
      %get3A_427 = arith.index_cast %get3A_426 : i32 to index
      %get3A_428 = arith.index_cast %add3A_391 : i32 to index
      %get3A_429 = tpu.vector_load %arg6[%get3A_427, %get3A_428] {strides = array<i32>} : memref<8x2304xf32, #tpu.memory_space<vmem>>, vector<16xf32>,
      %add3A_430 = arith.constant 0 : i32
      %add3A_431 = vector.broadcast %add3A_430 : i32 to vector<16xi32>
      %add3A_432 = arith.addi %add3A_397, %add3A_431 : vector<16xi32>
      tpu.vector_store_idx %arg9[%add3A_432], %get3A_401 {add = true} : memref<9216xf32, #tpu.memory_space<vmem>>[vector<16xi32>], vector<16xf32>,
      %add3A_433 = arith.constant 1024 : i32
      %add3A_434 = vector.broadcast %add3A_433 : i32 to vector<16xi32>
      %add3A_435 = arith.addi %add3A_397, %add3A_434 : vector<16xi32>
      tpu.vector_store_idx %arg9[%add3A_435], %get3A_405 {add = true} : memref<9216xf32, #tpu.memory_space<vmem>>[vector<16xi32>], vector<16xf32>,
      %add3A_436 = arith.constant 2048 : i32
      %add3A_437 = vector.broadcast %add3A_436 : i32 to vector<16xi32>
      %add3A_438 = arith.addi %add3A_397, %add3A_437 : vector<16xi32>
      tpu.vector_store_idx %arg9[%add3A_438], %get3A_409 {add = true} : memref<9216xf32, #tpu.memory_space<vmem>>[vector<16xi32>], vector<16xf32>,
      %add3A_439 = arith.constant 3072 : i32
      %add3A_440 = vector.broadcast %add3A_439 : i32 to vector<16xi32>
      %add3A_441 = arith.addi %add3A_397, %add3A_440 : vector<16xi32>
      tpu.vector_store_idx %arg9[%add3A_441], %get3A_413 {add = true} : memref<9216xf32, #tpu.memory_space<vmem>>[vector<16xi32>], vector<16xf32>,
      %add3A_442 = arith.constant 4096 : i32
      %add3A_443 = vector.broadcast %add3A_442 : i32 to vector<16xi32>
      %add3A_444 = arith.addi %add3A_397, %add3A_443 : vector<16xi32>
      tpu.vector_store_idx %arg9[%add3A_444], %get3A_417 {add = true} : memref<9216xf32, #tpu.memory_space<vmem>>[vector<16xi32>], vector<16xf32>,
      %add3A_445 = arith.constant 5120 : i32
      %add3A_446 = vector.broadcast %add3A_445 : i32 to vector<16xi32>
      %add3A_447 = arith.addi %add3A_397, %add3A_446 : vector<16xi32>
      tpu.vector_store_idx %arg9[%add3A_447], %get3A_421 {add = true} : memref<9216xf32, #tpu.memory_space<vmem>>[vector<16xi32>], vector<16xf32>,
      %add3A_448 = arith.constant 6144 : i32
      %add3A_449 = vector.broadcast %add3A_448 : i32 to vector<16xi32>
      %add3A_450 = arith.addi %add3A_397, %add3A_449 : vector<16xi32>
      tpu.vector_store_idx %arg9[%add3A_450], %get3A_425 {add = true} : memref<9216xf32, #tpu.memory_space<vmem>>[vector<16xi32>], vector<16xf32>,
      %add3A_451 = arith.constant 7168 : i32
      %add3A_452 = vector.broadcast %add3A_451 : i32 to vector<16xi32>
      %add3A_453 = arith.addi %add3A_397, %add3A_452 : vector<16xi32>
      tpu.vector_store_idx %arg9[%add3A_453], %get3A_429 {add = true} : memref<9216xf32, #tpu.memory_space<vmem>>[vector<16xi32>], vector<16xf32>,
      %add3A_454 = arith.constant 8192 : i32
      %add3A_455 = vector.broadcast %add3A_454 : i32 to vector<16xi32>
      %add3A_456 = arith.addi %add3A_397, %add3A_455 : vector<16xi32>
      tpu.vector_store_idx %arg9[%add3A_456], %broadcast_in_dim3A_2 {add = true} : memref<9216xf32, #tpu.memory_space<vmem>>[vector<16xi32>], vector<16xf32>,
      %mul3A_457 = arith.constant 64 : i32
      %mul3A_458 = arith.muli %scan3A_386, %mul3A_457 : i32
      %add3A_459 = arith.constant 16 : i32
      %add3A_460 = arith.addi %mul3A_458, %add3A_459 : i32
      %get3A_461 = arith.index_cast %add3A_460 : i32 to index
      %get3A_462 = tpu.vector_load %arg7[%get3A_461] {strides = array<i32>} : memref<2304xi32, #tpu.memory_space<vmem>>, vector<16xi32>,
      %mul3A_463 = arith.constant 16 : i32
      %mul3A_464 = vector.broadcast %mul3A_463 : i32 to vector<16xi32>
      %mul3A_465 = arith.muli %get3A_462, %mul3A_464 : vector<16xi32>
      %add3A_466 = arith.addi %mul3A_465, %iota3A : vector<16xi32>
      %get3A_467 = arith.constant 0 : i32
      %get3A_468 = arith.index_cast %get3A_467 : i32 to index
      %get3A_469 = arith.index_cast %add3A_460 : i32 to index
      %get3A_470 = tpu.vector_load %arg6[%get3A_468, %get3A_469] {strides = array<i32>} : memref<8x2304xf32, #tpu.memory_space<vmem>>, vector<16xf32>,
      %get3A_471 = arith.constant 1 : i32
      %get3A_472 = arith.index_cast %get3A_471 : i32 to index
      %get3A_473 = arith.index_cast %add3A_460 : i32 to index
      %get3A_474 = tpu.vector_load %arg6[%get3A_472, %get3A_473] {strides = array<i32>} : memref<8x2304xf32, #tpu.memory_space<vmem>>, vector<16xf32>,
      %get3A_475 = arith.constant 2 : i32
      %get3A_476 = arith.index_cast %get3A_475 : i32 to index
      %get3A_477 = arith.index_cast %add3A_460 : i32 to index
      %get3A_478 = tpu.vector_load %arg6[%get3A_476, %get3A_477] {strides = array<i32>} : memref<8x2304xf32, #tpu.memory_space<vmem>>, vector<16xf32>,
      %get3A_479 = arith.constant 3 : i32
      %get3A_480 = arith.index_cast %get3A_479 : i32 to index
      %get3A_481 = arith.index_cast %add3A_460 : i32 to index
      %get3A_482 = tpu.vector_load %arg6[%get3A_480, %get3A_481] {strides = array<i32>} : memref<8x2304xf32, #tpu.memory_space<vmem>>, vector<16xf32>,
      %get3A_483 = arith.constant 4 : i32
      %get3A_484 = arith.index_cast %get3A_483 : i32 to index
      %get3A_485 = arith.index_cast %add3A_460 : i32 to index
      %get3A_486 = tpu.vector_load %arg6[%get3A_484, %get3A_485] {strides = array<i32>} : memref<8x2304xf32, #tpu.memory_space<vmem>>, vector<16xf32>,
      %get3A_487 = arith.constant 5 : i32
      %get3A_488 = arith.index_cast %get3A_487 : i32 to index
      %get3A_489 = arith.index_cast %add3A_460 : i32 to index
      %get3A_490 = tpu.vector_load %arg6[%get3A_488, %get3A_489] {strides = array<i32>} : memref<8x2304xf32, #tpu.memory_space<vmem>>, vector<16xf32>,
      %get3A_491 = arith.constant 6 : i32
      %get3A_492 = arith.index_cast %get3A_491 : i32 to index
      %get3A_493 = arith.index_cast %add3A_460 : i32 to index
      %get3A_494 = tpu.vector_load %arg6[%get3A_492, %get3A_493] {strides = array<i32>} : memref<8x2304xf32, #tpu.memory_space<vmem>>, vector<16xf32>,
      %get3A_495 = arith.constant 7 : i32
      %get3A_496 = arith.index_cast %get3A_495 : i32 to index
      %get3A_497 = arith.index_cast %add3A_460 : i32 to index
      %get3A_498 = tpu.vector_load %arg6[%get3A_496, %get3A_497] {strides = array<i32>} : memref<8x2304xf32, #tpu.memory_space<vmem>>, vector<16xf32>,
      %add3A_499 = arith.constant 0 : i32
      %add3A_500 = vector.broadcast %add3A_499 : i32 to vector<16xi32>
      %add3A_501 = arith.addi %add3A_466, %add3A_500 : vector<16xi32>
      tpu.vector_store_idx %arg9[%add3A_501], %get3A_470 {add = true} : memref<9216xf32, #tpu.memory_space<vmem>>[vector<16xi32>], vector<16xf32>,
      %add3A_502 = arith.constant 1024 : i32
      %add3A_503 = vector.broadcast %add3A_502 : i32 to vector<16xi32>
      %add3A_504 = arith.addi %add3A_466, %add3A_503 : vector<16xi32>
      tpu.vector_store_idx %arg9[%add3A_504], %get3A_474 {add = true} : memref<9216xf32, #tpu.memory_space<vmem>>[vector<16xi32>], vector<16xf32>,
      %add3A_505 = arith.constant 2048 : i32
      %add3A_506 = vector.broadcast %add3A_505 : i32 to vector<16xi32>
      %add3A_507 = arith.addi %add3A_466, %add3A_506 : vector<16xi32>
      tpu.vector_store_idx %arg9[%add3A_507], %get3A_478 {add = true} : memref<9216xf32, #tpu.memory_space<vmem>>[vector<16xi32>], vector<16xf32>,
      %add3A_508 = arith.constant 3072 : i32
      %add3A_509 = vector.broadcast %add3A_508 : i32 to vector<16xi32>
      %add3A_510 = arith.addi %add3A_466, %add3A_509 : vector<16xi32>
      tpu.vector_store_idx %arg9[%add3A_510], %get3A_482 {add = true} : memref<9216xf32, #tpu.memory_space<vmem>>[vector<16xi32>], vector<16xf32>,
      %add3A_511 = arith.constant 4096 : i32
      %add3A_512 = vector.broadcast %add3A_511 : i32 to vector<16xi32>
      %add3A_513 = arith.addi %add3A_466, %add3A_512 : vector<16xi32>
      tpu.vector_store_idx %arg9[%add3A_513], %get3A_486 {add = true} : memref<9216xf32, #tpu.memory_space<vmem>>[vector<16xi32>], vector<16xf32>,
      %add3A_514 = arith.constant 5120 : i32
      %add3A_515 = vector.broadcast %add3A_514 : i32 to vector<16xi32>
      %add3A_516 = arith.addi %add3A_466, %add3A_515 : vector<16xi32>
      tpu.vector_store_idx %arg9[%add3A_516], %get3A_490 {add = true} : memref<9216xf32, #tpu.memory_space<vmem>>[vector<16xi32>], vector<16xf32>,
      %add3A_517 = arith.constant 6144 : i32
      %add3A_518 = vector.broadcast %add3A_517 : i32 to vector<16xi32>
      %add3A_519 = arith.addi %add3A_466, %add3A_518 : vector<16xi32>
      tpu.vector_store_idx %arg9[%add3A_519], %get3A_494 {add = true} : memref<9216xf32, #tpu.memory_space<vmem>>[vector<16xi32>], vector<16xf32>,
      %add3A_520 = arith.constant 7168 : i32
      %add3A_521 = vector.broadcast %add3A_520 : i32 to vector<16xi32>
      %add3A_522 = arith.addi %add3A_466, %add3A_521 : vector<16xi32>
      tpu.vector_store_idx %arg9[%add3A_522], %get3A_498 {add = true} : memref<9216xf32, #tpu.memory_space<vmem>>[vector<16xi32>], vector<16xf32>,
      %add3A_523 = arith.constant 8192 : i32
      %add3A_524 = vector.broadcast %add3A_523 : i32 to vector<16xi32>
      %add3A_525 = arith.addi %add3A_466, %add3A_524 : vector<16xi32>
      tpu.vector_store_idx %arg9[%add3A_525], %broadcast_in_dim3A_2 {add = true} : memref<9216xf32, #tpu.memory_space<vmem>>[vector<16xi32>], vector<16xf32>,
      %mul3A_526 = arith.constant 64 : i32
      %mul3A_527 = arith.muli %scan3A_386, %mul3A_526 : i32
      %add3A_528 = arith.constant 32 : i32
      %add3A_529 = arith.addi %mul3A_527, %add3A_528 : i32
      %get3A_530 = arith.index_cast %add3A_529 : i32 to index
      %get3A_531 = tpu.vector_load %arg7[%get3A_530] {strides = array<i32>} : memref<2304xi32, #tpu.memory_space<vmem>>, vector<16xi32>,
      %mul3A_532 = arith.constant 16 : i32
      %mul3A_533 = vector.broadcast %mul3A_532 : i32 to vector<16xi32>
      %mul3A_534 = arith.muli %get3A_531, %mul3A_533 : vector<16xi32>
      %add3A_535 = arith.addi %mul3A_534, %iota3A : vector<16xi32>
      %get3A_536 = arith.constant 0 : i32
      %get3A_537 = arith.index_cast %get3A_536 : i32 to index
      %get3A_538 = arith.index_cast %add3A_529 : i32 to index
      %get3A_539 = tpu.vector_load %arg6[%get3A_537, %get3A_538] {strides = array<i32>} : memref<8x2304xf32, #tpu.memory_space<vmem>>, vector<16xf32>,
      %get3A_540 = arith.constant 1 : i32
      %get3A_541 = arith.index_cast %get3A_540 : i32 to index
      %get3A_542 = arith.index_cast %add3A_529 : i32 to index
      %get3A_543 = tpu.vector_load %arg6[%get3A_541, %get3A_542] {strides = array<i32>} : memref<8x2304xf32, #tpu.memory_space<vmem>>, vector<16xf32>,
      %get3A_544 = arith.constant 2 : i32
      %get3A_545 = arith.index_cast %get3A_544 : i32 to index
      %get3A_546 = arith.index_cast %add3A_529 : i32 to index
      %get3A_547 = tpu.vector_load %arg6[%get3A_545, %get3A_546] {strides = array<i32>} : memref<8x2304xf32, #tpu.memory_space<vmem>>, vector<16xf32>,
      %get3A_548 = arith.constant 3 : i32
      %get3A_549 = arith.index_cast %get3A_548 : i32 to index
      %get3A_550 = arith.index_cast %add3A_529 : i32 to index
      %get3A_551 = tpu.vector_load %arg6[%get3A_549, %get3A_550] {strides = array<i32>} : memref<8x2304xf32, #tpu.memory_space<vmem>>, vector<16xf32>,
      %get3A_552 = arith.constant 4 : i32
      %get3A_553 = arith.index_cast %get3A_552 : i32 to index
      %get3A_554 = arith.index_cast %add3A_529 : i32 to index
      %get3A_555 = tpu.vector_load %arg6[%get3A_553, %get3A_554] {strides = array<i32>} : memref<8x2304xf32, #tpu.memory_space<vmem>>, vector<16xf32>,
      %get3A_556 = arith.constant 5 : i32
      %get3A_557 = arith.index_cast %get3A_556 : i32 to index
      %get3A_558 = arith.index_cast %add3A_529 : i32 to index
      %get3A_559 = tpu.vector_load %arg6[%get3A_557, %get3A_558] {strides = array<i32>} : memref<8x2304xf32, #tpu.memory_space<vmem>>, vector<16xf32>,
      %get3A_560 = arith.constant 6 : i32
      %get3A_561 = arith.index_cast %get3A_560 : i32 to index
      %get3A_562 = arith.index_cast %add3A_529 : i32 to index
      %get3A_563 = tpu.vector_load %arg6[%get3A_561, %get3A_562] {strides = array<i32>} : memref<8x2304xf32, #tpu.memory_space<vmem>>, vector<16xf32>,
      %get3A_564 = arith.constant 7 : i32
      %get3A_565 = arith.index_cast %get3A_564 : i32 to index
      %get3A_566 = arith.index_cast %add3A_529 : i32 to index
      %get3A_567 = tpu.vector_load %arg6[%get3A_565, %get3A_566] {strides = array<i32>} : memref<8x2304xf32, #tpu.memory_space<vmem>>, vector<16xf32>,
      %add3A_568 = arith.constant 0 : i32
      %add3A_569 = vector.broadcast %add3A_568 : i32 to vector<16xi32>
      %add3A_570 = arith.addi %add3A_535, %add3A_569 : vector<16xi32>
      tpu.vector_store_idx %arg9[%add3A_570], %get3A_539 {add = true} : memref<9216xf32, #tpu.memory_space<vmem>>[vector<16xi32>], vector<16xf32>,
      %add3A_571 = arith.constant 1024 : i32
      %add3A_572 = vector.broadcast %add3A_571 : i32 to vector<16xi32>
      %add3A_573 = arith.addi %add3A_535, %add3A_572 : vector<16xi32>
      tpu.vector_store_idx %arg9[%add3A_573], %get3A_543 {add = true} : memref<9216xf32, #tpu.memory_space<vmem>>[vector<16xi32>], vector<16xf32>,
      %add3A_574 = arith.constant 2048 : i32
      %add3A_575 = vector.broadcast %add3A_574 : i32 to vector<16xi32>
      %add3A_576 = arith.addi %add3A_535, %add3A_575 : vector<16xi32>
      tpu.vector_store_idx %arg9[%add3A_576], %get3A_547 {add = true} : memref<9216xf32, #tpu.memory_space<vmem>>[vector<16xi32>], vector<16xf32>,
      %add3A_577 = arith.constant 3072 : i32
      %add3A_578 = vector.broadcast %add3A_577 : i32 to vector<16xi32>
      %add3A_579 = arith.addi %add3A_535, %add3A_578 : vector<16xi32>
      tpu.vector_store_idx %arg9[%add3A_579], %get3A_551 {add = true} : memref<9216xf32, #tpu.memory_space<vmem>>[vector<16xi32>], vector<16xf32>,
      %add3A_580 = arith.constant 4096 : i32
      %add3A_581 = vector.broadcast %add3A_580 : i32 to vector<16xi32>
      %add3A_582 = arith.addi %add3A_535, %add3A_581 : vector<16xi32>
      tpu.vector_store_idx %arg9[%add3A_582], %get3A_555 {add = true} : memref<9216xf32, #tpu.memory_space<vmem>>[vector<16xi32>], vector<16xf32>,
      %add3A_583 = arith.constant 5120 : i32
      %add3A_584 = vector.broadcast %add3A_583 : i32 to vector<16xi32>
      %add3A_585 = arith.addi %add3A_535, %add3A_584 : vector<16xi32>
      tpu.vector_store_idx %arg9[%add3A_585], %get3A_559 {add = true} : memref<9216xf32, #tpu.memory_space<vmem>>[vector<16xi32>], vector<16xf32>,
      %add3A_586 = arith.constant 6144 : i32
      %add3A_587 = vector.broadcast %add3A_586 : i32 to vector<16xi32>
      %add3A_588 = arith.addi %add3A_535, %add3A_587 : vector<16xi32>
      tpu.vector_store_idx %arg9[%add3A_588], %get3A_563 {add = true} : memref<9216xf32, #tpu.memory_space<vmem>>[vector<16xi32>], vector<16xf32>,
      %add3A_589 = arith.constant 7168 : i32
      %add3A_590 = vector.broadcast %add3A_589 : i32 to vector<16xi32>
      %add3A_591 = arith.addi %add3A_535, %add3A_590 : vector<16xi32>
      tpu.vector_store_idx %arg9[%add3A_591], %get3A_567 {add = true} : memref<9216xf32, #tpu.memory_space<vmem>>[vector<16xi32>], vector<16xf32>,
      %add3A_592 = arith.constant 8192 : i32
      %add3A_593 = vector.broadcast %add3A_592 : i32 to vector<16xi32>
      %add3A_594 = arith.addi %add3A_535, %add3A_593 : vector<16xi32>
      tpu.vector_store_idx %arg9[%add3A_594], %broadcast_in_dim3A_2 {add = true} : memref<9216xf32, #tpu.memory_space<vmem>>[vector<16xi32>], vector<16xf32>,
      %mul3A_595 = arith.constant 64 : i32
      %mul3A_596 = arith.muli %scan3A_386, %mul3A_595 : i32
      %add3A_597 = arith.constant 48 : i32
      %add3A_598 = arith.addi %mul3A_596, %add3A_597 : i32
      %get3A_599 = arith.index_cast %add3A_598 : i32 to index
      %get3A_600 = tpu.vector_load %arg7[%get3A_599] {strides = array<i32>} : memref<2304xi32, #tpu.memory_space<vmem>>, vector<16xi32>,
      %mul3A_601 = arith.constant 16 : i32
      %mul3A_602 = vector.broadcast %mul3A_601 : i32 to vector<16xi32>
      %mul3A_603 = arith.muli %get3A_600, %mul3A_602 : vector<16xi32>
      %add3A_604 = arith.addi %mul3A_603, %iota3A : vector<16xi32>
      %get3A_605 = arith.constant 0 : i32
      %get3A_606 = arith.index_cast %get3A_605 : i32 to index
      %get3A_607 = arith.index_cast %add3A_598 : i32 to index
      %get3A_608 = tpu.vector_load %arg6[%get3A_606, %get3A_607] {strides = array<i32>} : memref<8x2304xf32, #tpu.memory_space<vmem>>, vector<16xf32>,
      %get3A_609 = arith.constant 1 : i32
      %get3A_610 = arith.index_cast %get3A_609 : i32 to index
      %get3A_611 = arith.index_cast %add3A_598 : i32 to index
      %get3A_612 = tpu.vector_load %arg6[%get3A_610, %get3A_611] {strides = array<i32>} : memref<8x2304xf32, #tpu.memory_space<vmem>>, vector<16xf32>,
      %get3A_613 = arith.constant 2 : i32
      %get3A_614 = arith.index_cast %get3A_613 : i32 to index
      %get3A_615 = arith.index_cast %add3A_598 : i32 to index
      %get3A_616 = tpu.vector_load %arg6[%get3A_614, %get3A_615] {strides = array<i32>} : memref<8x2304xf32, #tpu.memory_space<vmem>>, vector<16xf32>,
      %get3A_617 = arith.constant 3 : i32
      %get3A_618 = arith.index_cast %get3A_617 : i32 to index
      %get3A_619 = arith.index_cast %add3A_598 : i32 to index
      %get3A_620 = tpu.vector_load %arg6[%get3A_618, %get3A_619] {strides = array<i32>} : memref<8x2304xf32, #tpu.memory_space<vmem>>, vector<16xf32>,
      %get3A_621 = arith.constant 4 : i32
      %get3A_622 = arith.index_cast %get3A_621 : i32 to index
      %get3A_623 = arith.index_cast %add3A_598 : i32 to index
      %get3A_624 = tpu.vector_load %arg6[%get3A_622, %get3A_623] {strides = array<i32>} : memref<8x2304xf32, #tpu.memory_space<vmem>>, vector<16xf32>,
      %get3A_625 = arith.constant 5 : i32
      %get3A_626 = arith.index_cast %get3A_625 : i32 to index
      %get3A_627 = arith.index_cast %add3A_598 : i32 to index
      %get3A_628 = tpu.vector_load %arg6[%get3A_626, %get3A_627] {strides = array<i32>} : memref<8x2304xf32, #tpu.memory_space<vmem>>, vector<16xf32>,
      %get3A_629 = arith.constant 6 : i32
      %get3A_630 = arith.index_cast %get3A_629 : i32 to index
      %get3A_631 = arith.index_cast %add3A_598 : i32 to index
      %get3A_632 = tpu.vector_load %arg6[%get3A_630, %get3A_631] {strides = array<i32>} : memref<8x2304xf32, #tpu.memory_space<vmem>>, vector<16xf32>,
      %get3A_633 = arith.constant 7 : i32
      %get3A_634 = arith.index_cast %get3A_633 : i32 to index
      %get3A_635 = arith.index_cast %add3A_598 : i32 to index
      %get3A_636 = tpu.vector_load %arg6[%get3A_634, %get3A_635] {strides = array<i32>} : memref<8x2304xf32, #tpu.memory_space<vmem>>, vector<16xf32>,
      %add3A_637 = arith.constant 0 : i32
      %add3A_638 = vector.broadcast %add3A_637 : i32 to vector<16xi32>
      %add3A_639 = arith.addi %add3A_604, %add3A_638 : vector<16xi32>
      tpu.vector_store_idx %arg9[%add3A_639], %get3A_608 {add = true} : memref<9216xf32, #tpu.memory_space<vmem>>[vector<16xi32>], vector<16xf32>,
      %add3A_640 = arith.constant 1024 : i32
      %add3A_641 = vector.broadcast %add3A_640 : i32 to vector<16xi32>
      %add3A_642 = arith.addi %add3A_604, %add3A_641 : vector<16xi32>
      tpu.vector_store_idx %arg9[%add3A_642], %get3A_612 {add = true} : memref<9216xf32, #tpu.memory_space<vmem>>[vector<16xi32>], vector<16xf32>,
      %add3A_643 = arith.constant 2048 : i32
      %add3A_644 = vector.broadcast %add3A_643 : i32 to vector<16xi32>
      %add3A_645 = arith.addi %add3A_604, %add3A_644 : vector<16xi32>
      tpu.vector_store_idx %arg9[%add3A_645], %get3A_616 {add = true} : memref<9216xf32, #tpu.memory_space<vmem>>[vector<16xi32>], vector<16xf32>,
      %add3A_646 = arith.constant 3072 : i32
      %add3A_647 = vector.broadcast %add3A_646 : i32 to vector<16xi32>
      %add3A_648 = arith.addi %add3A_604, %add3A_647 : vector<16xi32>
      tpu.vector_store_idx %arg9[%add3A_648], %get3A_620 {add = true} : memref<9216xf32, #tpu.memory_space<vmem>>[vector<16xi32>], vector<16xf32>,
      %add3A_649 = arith.constant 4096 : i32
      %add3A_650 = vector.broadcast %add3A_649 : i32 to vector<16xi32>
      %add3A_651 = arith.addi %add3A_604, %add3A_650 : vector<16xi32>
      tpu.vector_store_idx %arg9[%add3A_651], %get3A_624 {add = true} : memref<9216xf32, #tpu.memory_space<vmem>>[vector<16xi32>], vector<16xf32>,
      %add3A_652 = arith.constant 5120 : i32
      %add3A_653 = vector.broadcast %add3A_652 : i32 to vector<16xi32>
      %add3A_654 = arith.addi %add3A_604, %add3A_653 : vector<16xi32>
      tpu.vector_store_idx %arg9[%add3A_654], %get3A_628 {add = true} : memref<9216xf32, #tpu.memory_space<vmem>>[vector<16xi32>], vector<16xf32>,
      %add3A_655 = arith.constant 6144 : i32
      %add3A_656 = vector.broadcast %add3A_655 : i32 to vector<16xi32>
      %add3A_657 = arith.addi %add3A_604, %add3A_656 : vector<16xi32>
      tpu.vector_store_idx %arg9[%add3A_657], %get3A_632 {add = true} : memref<9216xf32, #tpu.memory_space<vmem>>[vector<16xi32>], vector<16xf32>,
      %add3A_658 = arith.constant 7168 : i32
      %add3A_659 = vector.broadcast %add3A_658 : i32 to vector<16xi32>
      %add3A_660 = arith.addi %add3A_604, %add3A_659 : vector<16xi32>
      tpu.vector_store_idx %arg9[%add3A_660], %get3A_636 {add = true} : memref<9216xf32, #tpu.memory_space<vmem>>[vector<16xi32>], vector<16xf32>,
      %add3A_661 = arith.constant 8192 : i32
      %add3A_662 = vector.broadcast %add3A_661 : i32 to vector<16xi32>
      %add3A_663 = arith.addi %add3A_604, %add3A_662 : vector<16xi32>
      tpu.vector_store_idx %arg9[%add3A_663], %broadcast_in_dim3A_2 {add = true} : memref<9216xf32, #tpu.memory_space<vmem>>[vector<16xi32>], vector<16xf32>,
      %scan3A_664 = arith.constant 0 : i32
      scf.yield %scan3A_664 : i32
    }
    %scan3A_28 = arith.constant 36 : i32
    %scan3A_29 = arith.constant 0 : i32
    %scan3A_30 = arith.constant 0 : i32
    %scan3A_31 = arith.constant 36 : i32
    %scan3A_32 = arith.addi %scan3A_30, %scan3A_31 : i32
    %scan3A_33 = arith.constant 1 : i32
    %scan3A_34 = scf.for %scan3A_386 = %scan3A_30 to %scan3A_32 step %scan3A_33 iter_args(%scan3A_387 = %scan3A_29) -> (i32)  : i32 {
      %mul3A_388 = arith.constant 256 : i32
      %mul3A_389 = arith.muli %scan3A_386, %mul3A_388 : i32
      %add3A_390 = arith.constant 0 : i32
      %add3A_391 = vector.broadcast %add3A_390 : i32 to vector<16xi32>
      %add3A_392 = arith.addi %iota3A, %add3A_391 : vector<16xi32>
      %and3A = arith.constant 15 : i32
      %and3A_393 = vector.broadcast %and3A : i32 to vector<16xi32>
      %and3A_394 = arith.andi %add3A_392, %and3A_393 : vector<16xi32>
      %add3A_395 = vector.broadcast %mul3A_389 : i32 to vector<16xi32>
      %add3A_396 = arith.addi %add3A_395, %and3A_394 : vector<16xi32>
      %mul3A_397 = arith.constant 16 : i32
      %mul3A_398 = vector.broadcast %mul3A_397 : i32 to vector<16xi32>
      %mul3A_399 = arith.muli %iota3A, %mul3A_398 : vector<16xi32>
      %add3A_400 = arith.addi %add3A_396, %mul3A_399 : vector<16xi32>
      %gather3A_401 = tpu.vector_load_idx %arg9[%add3A_400] : memref<9216xf32, #tpu.memory_space<vmem>>[vector<16xi32>], vector<16xf32>,
      %add3A_402 = arith.constant 1 : i32
      %add3A_403 = vector.broadcast %add3A_402 : i32 to vector<16xi32>
      %add3A_404 = arith.addi %iota3A, %add3A_403 : vector<16xi32>
      %and3A_405 = arith.constant 15 : i32
      %and3A_406 = vector.broadcast %and3A_405 : i32 to vector<16xi32>
      %and3A_407 = arith.andi %add3A_404, %and3A_406 : vector<16xi32>
      %add3A_408 = vector.broadcast %mul3A_389 : i32 to vector<16xi32>
      %add3A_409 = arith.addi %add3A_408, %and3A_407 : vector<16xi32>
      %mul3A_410 = arith.constant 16 : i32
      %mul3A_411 = vector.broadcast %mul3A_410 : i32 to vector<16xi32>
      %mul3A_412 = arith.muli %iota3A, %mul3A_411 : vector<16xi32>
      %add3A_413 = arith.addi %add3A_409, %mul3A_412 : vector<16xi32>
      %gather3A_414 = tpu.vector_load_idx %arg9[%add3A_413] : memref<9216xf32, #tpu.memory_space<vmem>>[vector<16xi32>], vector<16xf32>,
      %add3A_415 = arith.constant 2 : i32
      %add3A_416 = vector.broadcast %add3A_415 : i32 to vector<16xi32>
      %add3A_417 = arith.addi %iota3A, %add3A_416 : vector<16xi32>
      %and3A_418 = arith.constant 15 : i32
      %and3A_419 = vector.broadcast %and3A_418 : i32 to vector<16xi32>
      %and3A_420 = arith.andi %add3A_417, %and3A_419 : vector<16xi32>
      %add3A_421 = vector.broadcast %mul3A_389 : i32 to vector<16xi32>
      %add3A_422 = arith.addi %add3A_421, %and3A_420 : vector<16xi32>
      %mul3A_423 = arith.constant 16 : i32
      %mul3A_424 = vector.broadcast %mul3A_423 : i32 to vector<16xi32>
      %mul3A_425 = arith.muli %iota3A, %mul3A_424 : vector<16xi32>
      %add3A_426 = arith.addi %add3A_422, %mul3A_425 : vector<16xi32>
      %gather3A_427 = tpu.vector_load_idx %arg9[%add3A_426] : memref<9216xf32, #tpu.memory_space<vmem>>[vector<16xi32>], vector<16xf32>,
      %add3A_428 = arith.constant 3 : i32
      %add3A_429 = vector.broadcast %add3A_428 : i32 to vector<16xi32>
      %add3A_430 = arith.addi %iota3A, %add3A_429 : vector<16xi32>
      %and3A_431 = arith.constant 15 : i32
      %and3A_432 = vector.broadcast %and3A_431 : i32 to vector<16xi32>
      %and3A_433 = arith.andi %add3A_430, %and3A_432 : vector<16xi32>
      %add3A_434 = vector.broadcast %mul3A_389 : i32 to vector<16xi32>
      %add3A_435 = arith.addi %add3A_434, %and3A_433 : vector<16xi32>
      %mul3A_436 = arith.constant 16 : i32
      %mul3A_437 = vector.broadcast %mul3A_436 : i32 to vector<16xi32>
      %mul3A_438 = arith.muli %iota3A, %mul3A_437 : vector<16xi32>
      %add3A_439 = arith.addi %add3A_435, %mul3A_438 : vector<16xi32>
      %gather3A_440 = tpu.vector_load_idx %arg9[%add3A_439] : memref<9216xf32, #tpu.memory_space<vmem>>[vector<16xi32>], vector<16xf32>,
      %add3A_441 = arith.constant 4 : i32
      %add3A_442 = vector.broadcast %add3A_441 : i32 to vector<16xi32>
      %add3A_443 = arith.addi %iota3A, %add3A_442 : vector<16xi32>
      %and3A_444 = arith.constant 15 : i32
      %and3A_445 = vector.broadcast %and3A_444 : i32 to vector<16xi32>
      %and3A_446 = arith.andi %add3A_443, %and3A_445 : vector<16xi32>
      %add3A_447 = vector.broadcast %mul3A_389 : i32 to vector<16xi32>
      %add3A_448 = arith.addi %add3A_447, %and3A_446 : vector<16xi32>
      %mul3A_449 = arith.constant 16 : i32
      %mul3A_450 = vector.broadcast %mul3A_449 : i32 to vector<16xi32>
      %mul3A_451 = arith.muli %iota3A, %mul3A_450 : vector<16xi32>
      %add3A_452 = arith.addi %add3A_448, %mul3A_451 : vector<16xi32>
      %gather3A_453 = tpu.vector_load_idx %arg9[%add3A_452] : memref<9216xf32, #tpu.memory_space<vmem>>[vector<16xi32>], vector<16xf32>,
      %add3A_454 = arith.constant 5 : i32
      %add3A_455 = vector.broadcast %add3A_454 : i32 to vector<16xi32>
      %add3A_456 = arith.addi %iota3A, %add3A_455 : vector<16xi32>
      %and3A_457 = arith.constant 15 : i32
      %and3A_458 = vector.broadcast %and3A_457 : i32 to vector<16xi32>
      %and3A_459 = arith.andi %add3A_456, %and3A_458 : vector<16xi32>
      %add3A_460 = vector.broadcast %mul3A_389 : i32 to vector<16xi32>
      %add3A_461 = arith.addi %add3A_460, %and3A_459 : vector<16xi32>
      %mul3A_462 = arith.constant 16 : i32
      %mul3A_463 = vector.broadcast %mul3A_462 : i32 to vector<16xi32>
      %mul3A_464 = arith.muli %iota3A, %mul3A_463 : vector<16xi32>
      %add3A_465 = arith.addi %add3A_461, %mul3A_464 : vector<16xi32>
      %gather3A_466 = tpu.vector_load_idx %arg9[%add3A_465] : memref<9216xf32, #tpu.memory_space<vmem>>[vector<16xi32>], vector<16xf32>,
      %add3A_467 = arith.constant 6 : i32
      %add3A_468 = vector.broadcast %add3A_467 : i32 to vector<16xi32>
      %add3A_469 = arith.addi %iota3A, %add3A_468 : vector<16xi32>
      %and3A_470 = arith.constant 15 : i32
      %and3A_471 = vector.broadcast %and3A_470 : i32 to vector<16xi32>
      %and3A_472 = arith.andi %add3A_469, %and3A_471 : vector<16xi32>
      %add3A_473 = vector.broadcast %mul3A_389 : i32 to vector<16xi32>
      %add3A_474 = arith.addi %add3A_473, %and3A_472 : vector<16xi32>
      %mul3A_475 = arith.constant 16 : i32
      %mul3A_476 = vector.broadcast %mul3A_475 : i32 to vector<16xi32>
      %mul3A_477 = arith.muli %iota3A, %mul3A_476 : vector<16xi32>
      %add3A_478 = arith.addi %add3A_474, %mul3A_477 : vector<16xi32>
      %gather3A_479 = tpu.vector_load_idx %arg9[%add3A_478] : memref<9216xf32, #tpu.memory_space<vmem>>[vector<16xi32>], vector<16xf32>,
      %add3A_480 = arith.constant 7 : i32
      %add3A_481 = vector.broadcast %add3A_480 : i32 to vector<16xi32>
      %add3A_482 = arith.addi %iota3A, %add3A_481 : vector<16xi32>
      %and3A_483 = arith.constant 15 : i32
      %and3A_484 = vector.broadcast %and3A_483 : i32 to vector<16xi32>
      %and3A_485 = arith.andi %add3A_482, %and3A_484 : vector<16xi32>
      %add3A_486 = vector.broadcast %mul3A_389 : i32 to vector<16xi32>
      %add3A_487 = arith.addi %add3A_486, %and3A_485 : vector<16xi32>
      %mul3A_488 = arith.constant 16 : i32
      %mul3A_489 = vector.broadcast %mul3A_488 : i32 to vector<16xi32>
      %mul3A_490 = arith.muli %iota3A, %mul3A_489 : vector<16xi32>
      %add3A_491 = arith.addi %add3A_487, %mul3A_490 : vector<16xi32>
      %gather3A_492 = tpu.vector_load_idx %arg9[%add3A_491] : memref<9216xf32, #tpu.memory_space<vmem>>[vector<16xi32>], vector<16xf32>,
      %add3A_493 = arith.constant 8 : i32
      %add3A_494 = vector.broadcast %add3A_493 : i32 to vector<16xi32>
      %add3A_495 = arith.addi %iota3A, %add3A_494 : vector<16xi32>
      %and3A_496 = arith.constant 15 : i32
      %and3A_497 = vector.broadcast %and3A_496 : i32 to vector<16xi32>
      %and3A_498 = arith.andi %add3A_495, %and3A_497 : vector<16xi32>
      %add3A_499 = vector.broadcast %mul3A_389 : i32 to vector<16xi32>
      %add3A_500 = arith.addi %add3A_499, %and3A_498 : vector<16xi32>
      %mul3A_501 = arith.constant 16 : i32
      %mul3A_502 = vector.broadcast %mul3A_501 : i32 to vector<16xi32>
      %mul3A_503 = arith.muli %iota3A, %mul3A_502 : vector<16xi32>
      %add3A_504 = arith.addi %add3A_500, %mul3A_503 : vector<16xi32>
      %gather3A_505 = tpu.vector_load_idx %arg9[%add3A_504] : memref<9216xf32, #tpu.memory_space<vmem>>[vector<16xi32>], vector<16xf32>,
      %add3A_506 = arith.constant 9 : i32
      %add3A_507 = vector.broadcast %add3A_506 : i32 to vector<16xi32>
      %add3A_508 = arith.addi %iota3A, %add3A_507 : vector<16xi32>
      %and3A_509 = arith.constant 15 : i32
      %and3A_510 = vector.broadcast %and3A_509 : i32 to vector<16xi32>
      %and3A_511 = arith.andi %add3A_508, %and3A_510 : vector<16xi32>
      %add3A_512 = vector.broadcast %mul3A_389 : i32 to vector<16xi32>
      %add3A_513 = arith.addi %add3A_512, %and3A_511 : vector<16xi32>
      %mul3A_514 = arith.constant 16 : i32
      %mul3A_515 = vector.broadcast %mul3A_514 : i32 to vector<16xi32>
      %mul3A_516 = arith.muli %iota3A, %mul3A_515 : vector<16xi32>
      %add3A_517 = arith.addi %add3A_513, %mul3A_516 : vector<16xi32>
      %gather3A_518 = tpu.vector_load_idx %arg9[%add3A_517] : memref<9216xf32, #tpu.memory_space<vmem>>[vector<16xi32>], vector<16xf32>,
      %add3A_519 = arith.constant 10 : i32
      %add3A_520 = vector.broadcast %add3A_519 : i32 to vector<16xi32>
      %add3A_521 = arith.addi %iota3A, %add3A_520 : vector<16xi32>
      %and3A_522 = arith.constant 15 : i32
      %and3A_523 = vector.broadcast %and3A_522 : i32 to vector<16xi32>
      %and3A_524 = arith.andi %add3A_521, %and3A_523 : vector<16xi32>
      %add3A_525 = vector.broadcast %mul3A_389 : i32 to vector<16xi32>
      %add3A_526 = arith.addi %add3A_525, %and3A_524 : vector<16xi32>
      %mul3A_527 = arith.constant 16 : i32
      %mul3A_528 = vector.broadcast %mul3A_527 : i32 to vector<16xi32>
      %mul3A_529 = arith.muli %iota3A, %mul3A_528 : vector<16xi32>
      %add3A_530 = arith.addi %add3A_526, %mul3A_529 : vector<16xi32>
      %gather3A_531 = tpu.vector_load_idx %arg9[%add3A_530] : memref<9216xf32, #tpu.memory_space<vmem>>[vector<16xi32>], vector<16xf32>,
      %add3A_532 = arith.constant 11 : i32
      %add3A_533 = vector.broadcast %add3A_532 : i32 to vector<16xi32>
      %add3A_534 = arith.addi %iota3A, %add3A_533 : vector<16xi32>
      %and3A_535 = arith.constant 15 : i32
      %and3A_536 = vector.broadcast %and3A_535 : i32 to vector<16xi32>
      %and3A_537 = arith.andi %add3A_534, %and3A_536 : vector<16xi32>
      %add3A_538 = vector.broadcast %mul3A_389 : i32 to vector<16xi32>
      %add3A_539 = arith.addi %add3A_538, %and3A_537 : vector<16xi32>
      %mul3A_540 = arith.constant 16 : i32
      %mul3A_541 = vector.broadcast %mul3A_540 : i32 to vector<16xi32>
      %mul3A_542 = arith.muli %iota3A, %mul3A_541 : vector<16xi32>
      %add3A_543 = arith.addi %add3A_539, %mul3A_542 : vector<16xi32>
      %gather3A_544 = tpu.vector_load_idx %arg9[%add3A_543] : memref<9216xf32, #tpu.memory_space<vmem>>[vector<16xi32>], vector<16xf32>,
      %add3A_545 = arith.constant 12 : i32
      %add3A_546 = vector.broadcast %add3A_545 : i32 to vector<16xi32>
      %add3A_547 = arith.addi %iota3A, %add3A_546 : vector<16xi32>
      %and3A_548 = arith.constant 15 : i32
      %and3A_549 = vector.broadcast %and3A_548 : i32 to vector<16xi32>
      %and3A_550 = arith.andi %add3A_547, %and3A_549 : vector<16xi32>
      %add3A_551 = vector.broadcast %mul3A_389 : i32 to vector<16xi32>
      %add3A_552 = arith.addi %add3A_551, %and3A_550 : vector<16xi32>
      %mul3A_553 = arith.constant 16 : i32
      %mul3A_554 = vector.broadcast %mul3A_553 : i32 to vector<16xi32>
      %mul3A_555 = arith.muli %iota3A, %mul3A_554 : vector<16xi32>
      %add3A_556 = arith.addi %add3A_552, %mul3A_555 : vector<16xi32>
      %gather3A_557 = tpu.vector_load_idx %arg9[%add3A_556] : memref<9216xf32, #tpu.memory_space<vmem>>[vector<16xi32>], vector<16xf32>,
      %add3A_558 = arith.constant 13 : i32
      %add3A_559 = vector.broadcast %add3A_558 : i32 to vector<16xi32>
      %add3A_560 = arith.addi %iota3A, %add3A_559 : vector<16xi32>
      %and3A_561 = arith.constant 15 : i32
      %and3A_562 = vector.broadcast %and3A_561 : i32 to vector<16xi32>
      %and3A_563 = arith.andi %add3A_560, %and3A_562 : vector<16xi32>
      %add3A_564 = vector.broadcast %mul3A_389 : i32 to vector<16xi32>
      %add3A_565 = arith.addi %add3A_564, %and3A_563 : vector<16xi32>
      %mul3A_566 = arith.constant 16 : i32
      %mul3A_567 = vector.broadcast %mul3A_566 : i32 to vector<16xi32>
      %mul3A_568 = arith.muli %iota3A, %mul3A_567 : vector<16xi32>
      %add3A_569 = arith.addi %add3A_565, %mul3A_568 : vector<16xi32>
      %gather3A_570 = tpu.vector_load_idx %arg9[%add3A_569] : memref<9216xf32, #tpu.memory_space<vmem>>[vector<16xi32>], vector<16xf32>,
      %add3A_571 = arith.constant 14 : i32
      %add3A_572 = vector.broadcast %add3A_571 : i32 to vector<16xi32>
      %add3A_573 = arith.addi %iota3A, %add3A_572 : vector<16xi32>
      %and3A_574 = arith.constant 15 : i32
      %and3A_575 = vector.broadcast %and3A_574 : i32 to vector<16xi32>
      %and3A_576 = arith.andi %add3A_573, %and3A_575 : vector<16xi32>
      %add3A_577 = vector.broadcast %mul3A_389 : i32 to vector<16xi32>
      %add3A_578 = arith.addi %add3A_577, %and3A_576 : vector<16xi32>
      %mul3A_579 = arith.constant 16 : i32
      %mul3A_580 = vector.broadcast %mul3A_579 : i32 to vector<16xi32>
      %mul3A_581 = arith.muli %iota3A, %mul3A_580 : vector<16xi32>
      %add3A_582 = arith.addi %add3A_578, %mul3A_581 : vector<16xi32>
      %gather3A_583 = tpu.vector_load_idx %arg9[%add3A_582] : memref<9216xf32, #tpu.memory_space<vmem>>[vector<16xi32>], vector<16xf32>,
      %add3A_584 = arith.constant 15 : i32
      %add3A_585 = vector.broadcast %add3A_584 : i32 to vector<16xi32>
      %add3A_586 = arith.addi %iota3A, %add3A_585 : vector<16xi32>
      %and3A_587 = arith.constant 15 : i32
      %and3A_588 = vector.broadcast %and3A_587 : i32 to vector<16xi32>
      %and3A_589 = arith.andi %add3A_586, %and3A_588 : vector<16xi32>
      %add3A_590 = vector.broadcast %mul3A_389 : i32 to vector<16xi32>
      %add3A_591 = arith.addi %add3A_590, %and3A_589 : vector<16xi32>
      %mul3A_592 = arith.constant 16 : i32
      %mul3A_593 = vector.broadcast %mul3A_592 : i32 to vector<16xi32>
      %mul3A_594 = arith.muli %iota3A, %mul3A_593 : vector<16xi32>
      %add3A_595 = arith.addi %add3A_591, %mul3A_594 : vector<16xi32>
      %gather3A_596 = tpu.vector_load_idx %arg9[%add3A_595] : memref<9216xf32, #tpu.memory_space<vmem>>[vector<16xi32>], vector<16xf32>,
      %add3A_597 = arith.addf %gather3A_401, %gather3A_414 : vector<16xf32>
      %add3A_598 = arith.addf %gather3A_427, %gather3A_440 : vector<16xf32>
      %add3A_599 = arith.addf %gather3A_453, %gather3A_466 : vector<16xf32>
      %add3A_600 = arith.addf %gather3A_479, %gather3A_492 : vector<16xf32>
      %add3A_601 = arith.addf %gather3A_505, %gather3A_518 : vector<16xf32>
      %add3A_602 = arith.addf %gather3A_531, %gather3A_544 : vector<16xf32>
      %add3A_603 = arith.addf %gather3A_557, %gather3A_570 : vector<16xf32>
      %add3A_604 = arith.addf %gather3A_583, %gather3A_596 : vector<16xf32>
      %add3A_605 = arith.addf %add3A_597, %add3A_598 : vector<16xf32>
      %add3A_606 = arith.addf %add3A_599, %add3A_600 : vector<16xf32>
      %add3A_607 = arith.addf %add3A_601, %add3A_602 : vector<16xf32>
      %add3A_608 = arith.addf %add3A_603, %add3A_604 : vector<16xf32>
      %add3A_609 = arith.addf %add3A_605, %add3A_606 : vector<16xf32>
      %add3A_610 = arith.addf %add3A_607, %add3A_608 : vector<16xf32>
      %add3A_611 = arith.addf %add3A_609, %add3A_610 : vector<16xf32>
      %mul3A_612 = arith.constant 16 : i32
      %mul3A_613 = arith.muli %scan3A_386, %mul3A_612 : i32
      %swap3A_614 = arith.index_cast %mul3A_613 : i32 to index
      %swap3A_615 = tpu.vector_load %arg10[%swap3A_614] {strides = array<i32>} : memref<576xf32, #tpu.memory_space<vmem>>, vector<16xf32>,
      tpu.vector_store %arg10[%swap3A_614], %add3A_611 {strides = array<i32>} : memref<576xf32, #tpu.memory_space<vmem>>, vector<16xf32>,
      %scan3A_616 = arith.constant 0 : i32
      scf.yield %scan3A_616 : i32
    }
    %scan3A_35 = arith.constant 36 : i32
    %mul3A_36 = arith.constant 576 : i32
    %mul3A_37 = arith.muli %arg1, %mul3A_36 : i32
    "tpu.region"() ({
      %run_scoped3A = tpu.sem_alloc : memref<!tpu.dma_semaphore, #tpu.memory_space<semaphore_mem>>
      %dma_start3A_386 = tpu.memref_slice %arg11[%mul3A_37] : memref<9216xf32, #tpu.memory_space<vmem_shared>> -> memref<576xf32, #tpu.memory_space<vmem_shared>>
      %dma_start3A_387 = tpu.memref_slice %arg11[%mul3A_37] : memref<9216xf32, #tpu.memory_space<vmem_shared>> -> memref<576xf32, #tpu.memory_space<vmem_shared>>
      tpu.enqueue_dma source(%arg10 : memref<576xf32, #tpu.memory_space<vmem>>) target(%dma_start3A_387 : memref<576xf32, #tpu.memory_space<vmem_shared>>) target_semaphore(%run_scoped3A : memref<!tpu.dma_semaphore, #tpu.memory_space<semaphore_mem>>)
      %dma_wait3A_388 = tpu.memref_slice %arg11[%mul3A_37] : memref<9216xf32, #tpu.memory_space<vmem_shared>> -> memref<576xf32, #tpu.memory_space<vmem_shared>>
      %dma_wait3A_389 = tpu.memref_slice %arg11[%mul3A_37] : memref<9216xf32, #tpu.memory_space<vmem_shared>> -> memref<576xf32, #tpu.memory_space<vmem_shared>>
      tpu.wait_dma2 semaphore(%run_scoped3A : memref<!tpu.dma_semaphore, #tpu.memory_space<semaphore_mem>>) src(%arg10 : memref<576xf32, #tpu.memory_space<vmem>>) dst(%dma_wait3A_389 : memref<576xf32, #tpu.memory_space<vmem_shared>>)
      tpu.yield
    }) : () -> ()
    %barrier3A = arith.constant 0 : index
    tpu.barrier barrier_id(%barrier3A)
    "tpu.region"() ({
      %run_scoped3A = tpu.sem_alloc : memref<!tpu.dma_semaphore, #tpu.memory_space<semaphore_mem>>
      tpu.enqueue_dma source(%arg11 : memref<9216xf32, #tpu.memory_space<vmem_shared>>) target(%arg12 : memref<9216xf32, #tpu.memory_space<vmem>>) target_semaphore(%run_scoped3A : memref<!tpu.dma_semaphore, #tpu.memory_space<semaphore_mem>>)
      tpu.wait_dma2 semaphore(%run_scoped3A : memref<!tpu.dma_semaphore, #tpu.memory_space<semaphore_mem>>) src(%arg11 : memref<9216xf32, #tpu.memory_space<vmem_shared>>) dst(%arg12 : memref<9216xf32, #tpu.memory_space<vmem>>)
      tpu.yield
    }) : () -> ()
    %scan3A_38 = arith.constant 0 : i32
    %scan3A_39 = arith.constant 0 : i32
    %scan3A_40 = arith.constant 36 : i32
    %scan3A_41 = arith.addi %scan3A_39, %scan3A_40 : i32
    %scan3A_42 = arith.constant 1 : i32
    %scan3A_43 = scf.for %scan3A_386 = %scan3A_39 to %scan3A_41 step %scan3A_42 iter_args(%scan3A_387 = %scan3A_38) -> (i32)  : i32 {
      %mul3A_388 = arith.constant 16 : i32
      %mul3A_389 = arith.muli %scan3A_386, %mul3A_388 : i32
      %add3A_390 = arith.constant 0 : i32
      %add3A_391 = arith.addi %add3A_390, %mul3A_389 : i32
      %get3A_392 = arith.index_cast %add3A_391 : i32 to index
      %get3A_393 = tpu.vector_load %arg12[%get3A_392] {strides = array<i32>} : memref<9216xf32, #tpu.memory_space<vmem>>, vector<16xf32>,
      %mul3A_394 = arith.constant 16 : i32
      %mul3A_395 = arith.muli %scan3A_386, %mul3A_394 : i32
      %add3A_396 = arith.constant 576 : i32
      %add3A_397 = arith.addi %add3A_396, %mul3A_395 : i32
      %get3A_398 = arith.index_cast %add3A_397 : i32 to index
      %get3A_399 = tpu.vector_load %arg12[%get3A_398] {strides = array<i32>} : memref<9216xf32, #tpu.memory_space<vmem>>, vector<16xf32>,
      %mul3A_400 = arith.constant 16 : i32
      %mul3A_401 = arith.muli %scan3A_386, %mul3A_400 : i32
      %add3A_402 = arith.constant 1152 : i32
      %add3A_403 = arith.addi %add3A_402, %mul3A_401 : i32
      %get3A_404 = arith.index_cast %add3A_403 : i32 to index
      %get3A_405 = tpu.vector_load %arg12[%get3A_404] {strides = array<i32>} : memref<9216xf32, #tpu.memory_space<vmem>>, vector<16xf32>,
      %mul3A_406 = arith.constant 16 : i32
      %mul3A_407 = arith.muli %scan3A_386, %mul3A_406 : i32
      %add3A_408 = arith.constant 1728 : i32
      %add3A_409 = arith.addi %add3A_408, %mul3A_407 : i32
      %get3A_410 = arith.index_cast %add3A_409 : i32 to index
      %get3A_411 = tpu.vector_load %arg12[%get3A_410] {strides = array<i32>} : memref<9216xf32, #tpu.memory_space<vmem>>, vector<16xf32>,
      %mul3A_412 = arith.constant 16 : i32
      %mul3A_413 = arith.muli %scan3A_386, %mul3A_412 : i32
      %add3A_414 = arith.constant 2304 : i32
      %add3A_415 = arith.addi %add3A_414, %mul3A_413 : i32
      %get3A_416 = arith.index_cast %add3A_415 : i32 to index
      %get3A_417 = tpu.vector_load %arg12[%get3A_416] {strides = array<i32>} : memref<9216xf32, #tpu.memory_space<vmem>>, vector<16xf32>,
      %mul3A_418 = arith.constant 16 : i32
      %mul3A_419 = arith.muli %scan3A_386, %mul3A_418 : i32
      %add3A_420 = arith.constant 2880 : i32
      %add3A_421 = arith.addi %add3A_420, %mul3A_419 : i32
      %get3A_422 = arith.index_cast %add3A_421 : i32 to index
      %get3A_423 = tpu.vector_load %arg12[%get3A_422] {strides = array<i32>} : memref<9216xf32, #tpu.memory_space<vmem>>, vector<16xf32>,
      %mul3A_424 = arith.constant 16 : i32
      %mul3A_425 = arith.muli %scan3A_386, %mul3A_424 : i32
      %add3A_426 = arith.constant 3456 : i32
      %add3A_427 = arith.addi %add3A_426, %mul3A_425 : i32
      %get3A_428 = arith.index_cast %add3A_427 : i32 to index
      %get3A_429 = tpu.vector_load %arg12[%get3A_428] {strides = array<i32>} : memref<9216xf32, #tpu.memory_space<vmem>>, vector<16xf32>,
      %mul3A_430 = arith.constant 16 : i32
      %mul3A_431 = arith.muli %scan3A_386, %mul3A_430 : i32
      %add3A_432 = arith.constant 4032 : i32
      %add3A_433 = arith.addi %add3A_432, %mul3A_431 : i32
      %get3A_434 = arith.index_cast %add3A_433 : i32 to index
      %get3A_435 = tpu.vector_load %arg12[%get3A_434] {strides = array<i32>} : memref<9216xf32, #tpu.memory_space<vmem>>, vector<16xf32>,
      %mul3A_436 = arith.constant 16 : i32
      %mul3A_437 = arith.muli %scan3A_386, %mul3A_436 : i32
      %add3A_438 = arith.constant 4608 : i32
      %add3A_439 = arith.addi %add3A_438, %mul3A_437 : i32
      %get3A_440 = arith.index_cast %add3A_439 : i32 to index
      %get3A_441 = tpu.vector_load %arg12[%get3A_440] {strides = array<i32>} : memref<9216xf32, #tpu.memory_space<vmem>>, vector<16xf32>,
      %mul3A_442 = arith.constant 16 : i32
      %mul3A_443 = arith.muli %scan3A_386, %mul3A_442 : i32
      %add3A_444 = arith.constant 5184 : i32
      %add3A_445 = arith.addi %add3A_444, %mul3A_443 : i32
      %get3A_446 = arith.index_cast %add3A_445 : i32 to index
      %get3A_447 = tpu.vector_load %arg12[%get3A_446] {strides = array<i32>} : memref<9216xf32, #tpu.memory_space<vmem>>, vector<16xf32>,
      %mul3A_448 = arith.constant 16 : i32
      %mul3A_449 = arith.muli %scan3A_386, %mul3A_448 : i32
      %add3A_450 = arith.constant 5760 : i32
      %add3A_451 = arith.addi %add3A_450, %mul3A_449 : i32
      %get3A_452 = arith.index_cast %add3A_451 : i32 to index
      %get3A_453 = tpu.vector_load %arg12[%get3A_452] {strides = array<i32>} : memref<9216xf32, #tpu.memory_space<vmem>>, vector<16xf32>,
      %mul3A_454 = arith.constant 16 : i32
      %mul3A_455 = arith.muli %scan3A_386, %mul3A_454 : i32
      %add3A_456 = arith.constant 6336 : i32
      %add3A_457 = arith.addi %add3A_456, %mul3A_455 : i32
      %get3A_458 = arith.index_cast %add3A_457 : i32 to index
      %get3A_459 = tpu.vector_load %arg12[%get3A_458] {strides = array<i32>} : memref<9216xf32, #tpu.memory_space<vmem>>, vector<16xf32>,
      %mul3A_460 = arith.constant 16 : i32
      %mul3A_461 = arith.muli %scan3A_386, %mul3A_460 : i32
      %add3A_462 = arith.constant 6912 : i32
      %add3A_463 = arith.addi %add3A_462, %mul3A_461 : i32
      %get3A_464 = arith.index_cast %add3A_463 : i32 to index
      %get3A_465 = tpu.vector_load %arg12[%get3A_464] {strides = array<i32>} : memref<9216xf32, #tpu.memory_space<vmem>>, vector<16xf32>,
      %mul3A_466 = arith.constant 16 : i32
      %mul3A_467 = arith.muli %scan3A_386, %mul3A_466 : i32
      %add3A_468 = arith.constant 7488 : i32
      %add3A_469 = arith.addi %add3A_468, %mul3A_467 : i32
      %get3A_470 = arith.index_cast %add3A_469 : i32 to index
      %get3A_471 = tpu.vector_load %arg12[%get3A_470] {strides = array<i32>} : memref<9216xf32, #tpu.memory_space<vmem>>, vector<16xf32>,
      %mul3A_472 = arith.constant 16 : i32
      %mul3A_473 = arith.muli %scan3A_386, %mul3A_472 : i32
      %add3A_474 = arith.constant 8064 : i32
      %add3A_475 = arith.addi %add3A_474, %mul3A_473 : i32
      %get3A_476 = arith.index_cast %add3A_475 : i32 to index
      %get3A_477 = tpu.vector_load %arg12[%get3A_476] {strides = array<i32>} : memref<9216xf32, #tpu.memory_space<vmem>>, vector<16xf32>,
      %mul3A_478 = arith.constant 16 : i32
      %mul3A_479 = arith.muli %scan3A_386, %mul3A_478 : i32
      %add3A_480 = arith.constant 8640 : i32
      %add3A_481 = arith.addi %add3A_480, %mul3A_479 : i32
      %get3A_482 = arith.index_cast %add3A_481 : i32 to index
      %get3A_483 = tpu.vector_load %arg12[%get3A_482] {strides = array<i32>} : memref<9216xf32, #tpu.memory_space<vmem>>, vector<16xf32>,
      %add3A_484 = arith.addf %get3A_393, %get3A_399 : vector<16xf32>
      %add3A_485 = arith.addf %get3A_405, %get3A_411 : vector<16xf32>
      %add3A_486 = arith.addf %get3A_417, %get3A_423 : vector<16xf32>
      %add3A_487 = arith.addf %get3A_429, %get3A_435 : vector<16xf32>
      %add3A_488 = arith.addf %get3A_441, %get3A_447 : vector<16xf32>
      %add3A_489 = arith.addf %get3A_453, %get3A_459 : vector<16xf32>
      %add3A_490 = arith.addf %get3A_465, %get3A_471 : vector<16xf32>
      %add3A_491 = arith.addf %get3A_477, %get3A_483 : vector<16xf32>
      %add3A_492 = arith.addf %add3A_484, %add3A_485 : vector<16xf32>
      %add3A_493 = arith.addf %add3A_486, %add3A_487 : vector<16xf32>
      %add3A_494 = arith.addf %add3A_488, %add3A_489 : vector<16xf32>
      %add3A_495 = arith.addf %add3A_490, %add3A_491 : vector<16xf32>
      %add3A_496 = arith.addf %add3A_492, %add3A_493 : vector<16xf32>
      %add3A_497 = arith.addf %add3A_494, %add3A_495 : vector<16xf32>
      %add3A_498 = arith.addf %add3A_496, %add3A_497 : vector<16xf32>
      %mul3A_499 = arith.constant 16 : i32
      %mul3A_500 = arith.muli %scan3A_386, %mul3A_499 : i32
      %swap3A_501 = arith.index_cast %mul3A_500 : i32 to index
      %swap3A_502 = tpu.vector_load %arg10[%swap3A_501] {strides = array<i32>} : memref<576xf32, #tpu.memory_space<vmem>>, vector<16xf32>,
      tpu.vector_store %arg10[%swap3A_501], %add3A_498 {strides = array<i32>} : memref<576xf32, #tpu.memory_space<vmem>>, vector<16xf32>,
      %scan3A_503 = arith.constant 0 : i32
      scf.yield %scan3A_503 : i32
    }
    %scan3A_44 = arith.constant 36 : i32
    %get3A = arith.constant 512 : index
    %get3A_45 = tpu.vector_load %arg10[%get3A] {strides = array<i32>} : memref<576xf32, #tpu.memory_space<vmem>>, vector<16xf32>,
    %div3A = arith.constant 1.000000e+00 : f32
    %div3A_46 = vector.broadcast %div3A : f32 to vector<16xf32>
    %div3A_47 = arith.divf %div3A_46, %get3A_45 : vector<16xf32>
    %swap3A = arith.constant 0 : index
    %swap3A_48 = tpu.vector_load %arg14[%swap3A] {strides = array<i32>} : memref<64xf32, #tpu.memory_space<vmem>>, vector<16xf32>,
    tpu.vector_store %arg14[%swap3A], %div3A_47 {strides = array<i32>} : memref<64xf32, #tpu.memory_space<vmem>>, vector<16xf32>,
    %get3A_49 = arith.constant 0 : index
    %get3A_50 = tpu.vector_load %arg10[%get3A_49] {strides = array<i32>} : memref<576xf32, #tpu.memory_space<vmem>>, vector<16xf32>,
    %mul3A_51 = arith.mulf %get3A_50, %div3A_47 : vector<16xf32>
    %swap3A_52 = arith.constant 0 : index
    %swap3A_53 = tpu.vector_load %arg13[%swap3A_52] {strides = array<i32>} : memref<512xf32, #tpu.memory_space<vmem>>, vector<16xf32>,
    tpu.vector_store %arg13[%swap3A_52], %mul3A_51 {strides = array<i32>} : memref<512xf32, #tpu.memory_space<vmem>>, vector<16xf32>,
    %get3A_54 = arith.constant 64 : index
    %get3A_55 = tpu.vector_load %arg10[%get3A_54] {strides = array<i32>} : memref<576xf32, #tpu.memory_space<vmem>>, vector<16xf32>,
    %mul3A_56 = arith.mulf %get3A_55, %div3A_47 : vector<16xf32>
    %swap3A_57 = arith.constant 64 : index
    %swap3A_58 = tpu.vector_load %arg13[%swap3A_57] {strides = array<i32>} : memref<512xf32, #tpu.memory_space<vmem>>, vector<16xf32>,
    tpu.vector_store %arg13[%swap3A_57], %mul3A_56 {strides = array<i32>} : memref<512xf32, #tpu.memory_space<vmem>>, vector<16xf32>,
    %get3A_59 = arith.constant 128 : index
    %get3A_60 = tpu.vector_load %arg10[%get3A_59] {strides = array<i32>} : memref<576xf32, #tpu.memory_space<vmem>>, vector<16xf32>,
    %mul3A_61 = arith.mulf %get3A_60, %div3A_47 : vector<16xf32>
    %swap3A_62 = arith.constant 128 : index
    %swap3A_63 = tpu.vector_load %arg13[%swap3A_62] {strides = array<i32>} : memref<512xf32, #tpu.memory_space<vmem>>, vector<16xf32>,
    tpu.vector_store %arg13[%swap3A_62], %mul3A_61 {strides = array<i32>} : memref<512xf32, #tpu.memory_space<vmem>>, vector<16xf32>,
    %get3A_64 = arith.constant 192 : index
    %get3A_65 = tpu.vector_load %arg10[%get3A_64] {strides = array<i32>} : memref<576xf32, #tpu.memory_space<vmem>>, vector<16xf32>,
    %mul3A_66 = arith.mulf %get3A_65, %div3A_47 : vector<16xf32>
    %swap3A_67 = arith.constant 192 : index
    %swap3A_68 = tpu.vector_load %arg13[%swap3A_67] {strides = array<i32>} : memref<512xf32, #tpu.memory_space<vmem>>, vector<16xf32>,
    tpu.vector_store %arg13[%swap3A_67], %mul3A_66 {strides = array<i32>} : memref<512xf32, #tpu.memory_space<vmem>>, vector<16xf32>,
    %get3A_69 = arith.constant 256 : index
    %get3A_70 = tpu.vector_load %arg10[%get3A_69] {strides = array<i32>} : memref<576xf32, #tpu.memory_space<vmem>>, vector<16xf32>,
    %mul3A_71 = arith.mulf %get3A_70, %div3A_47 : vector<16xf32>
    %swap3A_72 = arith.constant 256 : index
    %swap3A_73 = tpu.vector_load %arg13[%swap3A_72] {strides = array<i32>} : memref<512xf32, #tpu.memory_space<vmem>>, vector<16xf32>,
    tpu.vector_store %arg13[%swap3A_72], %mul3A_71 {strides = array<i32>} : memref<512xf32, #tpu.memory_space<vmem>>, vector<16xf32>,
    %get3A_74 = arith.constant 320 : index
    %get3A_75 = tpu.vector_load %arg10[%get3A_74] {strides = array<i32>} : memref<576xf32, #tpu.memory_space<vmem>>, vector<16xf32>,
    %mul3A_76 = arith.mulf %get3A_75, %div3A_47 : vector<16xf32>
    %swap3A_77 = arith.constant 320 : index
    %swap3A_78 = tpu.vector_load %arg13[%swap3A_77] {strides = array<i32>} : memref<512xf32, #tpu.memory_space<vmem>>, vector<16xf32>,
    tpu.vector_store %arg13[%swap3A_77], %mul3A_76 {strides = array<i32>} : memref<512xf32, #tpu.memory_space<vmem>>, vector<16xf32>,
    %get3A_79 = arith.constant 384 : index
    %get3A_80 = tpu.vector_load %arg10[%get3A_79] {strides = array<i32>} : memref<576xf32, #tpu.memory_space<vmem>>, vector<16xf32>,
    %mul3A_81 = arith.mulf %get3A_80, %div3A_47 : vector<16xf32>
    %swap3A_82 = arith.constant 384 : index
    %swap3A_83 = tpu.vector_load %arg13[%swap3A_82] {strides = array<i32>} : memref<512xf32, #tpu.memory_space<vmem>>, vector<16xf32>,
    tpu.vector_store %arg13[%swap3A_82], %mul3A_81 {strides = array<i32>} : memref<512xf32, #tpu.memory_space<vmem>>, vector<16xf32>,
    %get3A_84 = arith.constant 448 : index
    %get3A_85 = tpu.vector_load %arg10[%get3A_84] {strides = array<i32>} : memref<576xf32, #tpu.memory_space<vmem>>, vector<16xf32>,
    %mul3A_86 = arith.mulf %get3A_85, %div3A_47 : vector<16xf32>
    %swap3A_87 = arith.constant 448 : index
    %swap3A_88 = tpu.vector_load %arg13[%swap3A_87] {strides = array<i32>} : memref<512xf32, #tpu.memory_space<vmem>>, vector<16xf32>,
    tpu.vector_store %arg13[%swap3A_87], %mul3A_86 {strides = array<i32>} : memref<512xf32, #tpu.memory_space<vmem>>, vector<16xf32>,
    %get3A_89 = arith.constant 528 : index
    %get3A_90 = tpu.vector_load %arg10[%get3A_89] {strides = array<i32>} : memref<576xf32, #tpu.memory_space<vmem>>, vector<16xf32>,
    %div3A_91 = arith.constant 1.000000e+00 : f32
    %div3A_92 = vector.broadcast %div3A_91 : f32 to vector<16xf32>
    %div3A_93 = arith.divf %div3A_92, %get3A_90 : vector<16xf32>
    %swap3A_94 = arith.constant 16 : index
    %swap3A_95 = tpu.vector_load %arg14[%swap3A_94] {strides = array<i32>} : memref<64xf32, #tpu.memory_space<vmem>>, vector<16xf32>,
    tpu.vector_store %arg14[%swap3A_94], %div3A_93 {strides = array<i32>} : memref<64xf32, #tpu.memory_space<vmem>>, vector<16xf32>,
    %get3A_96 = arith.constant 16 : index
    %get3A_97 = tpu.vector_load %arg10[%get3A_96] {strides = array<i32>} : memref<576xf32, #tpu.memory_space<vmem>>, vector<16xf32>,
    %mul3A_98 = arith.mulf %get3A_97, %div3A_93 : vector<16xf32>
    %swap3A_99 = arith.constant 16 : index
    %swap3A_100 = tpu.vector_load %arg13[%swap3A_99] {strides = array<i32>} : memref<512xf32, #tpu.memory_space<vmem>>, vector<16xf32>,
    tpu.vector_store %arg13[%swap3A_99], %mul3A_98 {strides = array<i32>} : memref<512xf32, #tpu.memory_space<vmem>>, vector<16xf32>,
    %get3A_101 = arith.constant 80 : index
    %get3A_102 = tpu.vector_load %arg10[%get3A_101] {strides = array<i32>} : memref<576xf32, #tpu.memory_space<vmem>>, vector<16xf32>,
    %mul3A_103 = arith.mulf %get3A_102, %div3A_93 : vector<16xf32>
    %swap3A_104 = arith.constant 80 : index
    %swap3A_105 = tpu.vector_load %arg13[%swap3A_104] {strides = array<i32>} : memref<512xf32, #tpu.memory_space<vmem>>, vector<16xf32>,
    tpu.vector_store %arg13[%swap3A_104], %mul3A_103 {strides = array<i32>} : memref<512xf32, #tpu.memory_space<vmem>>, vector<16xf32>,
    %get3A_106 = arith.constant 144 : index
    %get3A_107 = tpu.vector_load %arg10[%get3A_106] {strides = array<i32>} : memref<576xf32, #tpu.memory_space<vmem>>, vector<16xf32>,
    %mul3A_108 = arith.mulf %get3A_107, %div3A_93 : vector<16xf32>
    %swap3A_109 = arith.constant 144 : index
    %swap3A_110 = tpu.vector_load %arg13[%swap3A_109] {strides = array<i32>} : memref<512xf32, #tpu.memory_space<vmem>>, vector<16xf32>,
    tpu.vector_store %arg13[%swap3A_109], %mul3A_108 {strides = array<i32>} : memref<512xf32, #tpu.memory_space<vmem>>, vector<16xf32>,
    %get3A_111 = arith.constant 208 : index
    %get3A_112 = tpu.vector_load %arg10[%get3A_111] {strides = array<i32>} : memref<576xf32, #tpu.memory_space<vmem>>, vector<16xf32>,
    %mul3A_113 = arith.mulf %get3A_112, %div3A_93 : vector<16xf32>
    %swap3A_114 = arith.constant 208 : index
    %swap3A_115 = tpu.vector_load %arg13[%swap3A_114] {strides = array<i32>} : memref<512xf32, #tpu.memory_space<vmem>>, vector<16xf32>,
    tpu.vector_store %arg13[%swap3A_114], %mul3A_113 {strides = array<i32>} : memref<512xf32, #tpu.memory_space<vmem>>, vector<16xf32>,
    %get3A_116 = arith.constant 272 : index
    %get3A_117 = tpu.vector_load %arg10[%get3A_116] {strides = array<i32>} : memref<576xf32, #tpu.memory_space<vmem>>, vector<16xf32>,
    %mul3A_118 = arith.mulf %get3A_117, %div3A_93 : vector<16xf32>
    %swap3A_119 = arith.constant 272 : index
    %swap3A_120 = tpu.vector_load %arg13[%swap3A_119] {strides = array<i32>} : memref<512xf32, #tpu.memory_space<vmem>>, vector<16xf32>,
    tpu.vector_store %arg13[%swap3A_119], %mul3A_118 {strides = array<i32>} : memref<512xf32, #tpu.memory_space<vmem>>, vector<16xf32>,
    %get3A_121 = arith.constant 336 : index
    %get3A_122 = tpu.vector_load %arg10[%get3A_121] {strides = array<i32>} : memref<576xf32, #tpu.memory_space<vmem>>, vector<16xf32>,
    %mul3A_123 = arith.mulf %get3A_122, %div3A_93 : vector<16xf32>
    %swap3A_124 = arith.constant 336 : index
    %swap3A_125 = tpu.vector_load %arg13[%swap3A_124] {strides = array<i32>} : memref<512xf32, #tpu.memory_space<vmem>>, vector<16xf32>,
    tpu.vector_store %arg13[%swap3A_124], %mul3A_123 {strides = array<i32>} : memref<512xf32, #tpu.memory_space<vmem>>, vector<16xf32>,
    %get3A_126 = arith.constant 400 : index
    %get3A_127 = tpu.vector_load %arg10[%get3A_126] {strides = array<i32>} : memref<576xf32, #tpu.memory_space<vmem>>, vector<16xf32>,
    %mul3A_128 = arith.mulf %get3A_127, %div3A_93 : vector<16xf32>
    %swap3A_129 = arith.constant 400 : index
    %swap3A_130 = tpu.vector_load %arg13[%swap3A_129] {strides = array<i32>} : memref<512xf32, #tpu.memory_space<vmem>>, vector<16xf32>,
    tpu.vector_store %arg13[%swap3A_129], %mul3A_128 {strides = array<i32>} : memref<512xf32, #tpu.memory_space<vmem>>, vector<16xf32>,
    %get3A_131 = arith.constant 464 : index
    %get3A_132 = tpu.vector_load %arg10[%get3A_131] {strides = array<i32>} : memref<576xf32, #tpu.memory_space<vmem>>, vector<16xf32>,
    %mul3A_133 = arith.mulf %get3A_132, %div3A_93 : vector<16xf32>
    %swap3A_134 = arith.constant 464 : index
    %swap3A_135 = tpu.vector_load %arg13[%swap3A_134] {strides = array<i32>} : memref<512xf32, #tpu.memory_space<vmem>>, vector<16xf32>,
    tpu.vector_store %arg13[%swap3A_134], %mul3A_133 {strides = array<i32>} : memref<512xf32, #tpu.memory_space<vmem>>, vector<16xf32>,
    %get3A_136 = arith.constant 544 : index
    %get3A_137 = tpu.vector_load %arg10[%get3A_136] {strides = array<i32>} : memref<576xf32, #tpu.memory_space<vmem>>, vector<16xf32>,
    %div3A_138 = arith.constant 1.000000e+00 : f32
    %div3A_139 = vector.broadcast %div3A_138 : f32 to vector<16xf32>
    %div3A_140 = arith.divf %div3A_139, %get3A_137 : vector<16xf32>
    %swap3A_141 = arith.constant 32 : index
    %swap3A_142 = tpu.vector_load %arg14[%swap3A_141] {strides = array<i32>} : memref<64xf32, #tpu.memory_space<vmem>>, vector<16xf32>,
    tpu.vector_store %arg14[%swap3A_141], %div3A_140 {strides = array<i32>} : memref<64xf32, #tpu.memory_space<vmem>>, vector<16xf32>,
    %get3A_143 = arith.constant 32 : index
    %get3A_144 = tpu.vector_load %arg10[%get3A_143] {strides = array<i32>} : memref<576xf32, #tpu.memory_space<vmem>>, vector<16xf32>,
    %mul3A_145 = arith.mulf %get3A_144, %div3A_140 : vector<16xf32>
    %swap3A_146 = arith.constant 32 : index
    %swap3A_147 = tpu.vector_load %arg13[%swap3A_146] {strides = array<i32>} : memref<512xf32, #tpu.memory_space<vmem>>, vector<16xf32>,
    tpu.vector_store %arg13[%swap3A_146], %mul3A_145 {strides = array<i32>} : memref<512xf32, #tpu.memory_space<vmem>>, vector<16xf32>,
    %get3A_148 = arith.constant 96 : index
    %get3A_149 = tpu.vector_load %arg10[%get3A_148] {strides = array<i32>} : memref<576xf32, #tpu.memory_space<vmem>>, vector<16xf32>,
    %mul3A_150 = arith.mulf %get3A_149, %div3A_140 : vector<16xf32>
    %swap3A_151 = arith.constant 96 : index
    %swap3A_152 = tpu.vector_load %arg13[%swap3A_151] {strides = array<i32>} : memref<512xf32, #tpu.memory_space<vmem>>, vector<16xf32>,
    tpu.vector_store %arg13[%swap3A_151], %mul3A_150 {strides = array<i32>} : memref<512xf32, #tpu.memory_space<vmem>>, vector<16xf32>,
    %get3A_153 = arith.constant 160 : index
    %get3A_154 = tpu.vector_load %arg10[%get3A_153] {strides = array<i32>} : memref<576xf32, #tpu.memory_space<vmem>>, vector<16xf32>,
    %mul3A_155 = arith.mulf %get3A_154, %div3A_140 : vector<16xf32>
    %swap3A_156 = arith.constant 160 : index
    %swap3A_157 = tpu.vector_load %arg13[%swap3A_156] {strides = array<i32>} : memref<512xf32, #tpu.memory_space<vmem>>, vector<16xf32>,
    tpu.vector_store %arg13[%swap3A_156], %mul3A_155 {strides = array<i32>} : memref<512xf32, #tpu.memory_space<vmem>>, vector<16xf32>,
    %get3A_158 = arith.constant 224 : index
    %get3A_159 = tpu.vector_load %arg10[%get3A_158] {strides = array<i32>} : memref<576xf32, #tpu.memory_space<vmem>>, vector<16xf32>,
    %mul3A_160 = arith.mulf %get3A_159, %div3A_140 : vector<16xf32>
    %swap3A_161 = arith.constant 224 : index
    %swap3A_162 = tpu.vector_load %arg13[%swap3A_161] {strides = array<i32>} : memref<512xf32, #tpu.memory_space<vmem>>, vector<16xf32>,
    tpu.vector_store %arg13[%swap3A_161], %mul3A_160 {strides = array<i32>} : memref<512xf32, #tpu.memory_space<vmem>>, vector<16xf32>,
    %get3A_163 = arith.constant 288 : index
    %get3A_164 = tpu.vector_load %arg10[%get3A_163] {strides = array<i32>} : memref<576xf32, #tpu.memory_space<vmem>>, vector<16xf32>,
    %mul3A_165 = arith.mulf %get3A_164, %div3A_140 : vector<16xf32>
    %swap3A_166 = arith.constant 288 : index
    %swap3A_167 = tpu.vector_load %arg13[%swap3A_166] {strides = array<i32>} : memref<512xf32, #tpu.memory_space<vmem>>, vector<16xf32>,
    tpu.vector_store %arg13[%swap3A_166], %mul3A_165 {strides = array<i32>} : memref<512xf32, #tpu.memory_space<vmem>>, vector<16xf32>,
    %get3A_168 = arith.constant 352 : index
    %get3A_169 = tpu.vector_load %arg10[%get3A_168] {strides = array<i32>} : memref<576xf32, #tpu.memory_space<vmem>>, vector<16xf32>,
    %mul3A_170 = arith.mulf %get3A_169, %div3A_140 : vector<16xf32>
    %swap3A_171 = arith.constant 352 : index
    %swap3A_172 = tpu.vector_load %arg13[%swap3A_171] {strides = array<i32>} : memref<512xf32, #tpu.memory_space<vmem>>, vector<16xf32>,
    tpu.vector_store %arg13[%swap3A_171], %mul3A_170 {strides = array<i32>} : memref<512xf32, #tpu.memory_space<vmem>>, vector<16xf32>,
    %get3A_173 = arith.constant 416 : index
    %get3A_174 = tpu.vector_load %arg10[%get3A_173] {strides = array<i32>} : memref<576xf32, #tpu.memory_space<vmem>>, vector<16xf32>,
    %mul3A_175 = arith.mulf %get3A_174, %div3A_140 : vector<16xf32>
    %swap3A_176 = arith.constant 416 : index
    %swap3A_177 = tpu.vector_load %arg13[%swap3A_176] {strides = array<i32>} : memref<512xf32, #tpu.memory_space<vmem>>, vector<16xf32>,
    tpu.vector_store %arg13[%swap3A_176], %mul3A_175 {strides = array<i32>} : memref<512xf32, #tpu.memory_space<vmem>>, vector<16xf32>,
    %get3A_178 = arith.constant 480 : index
    %get3A_179 = tpu.vector_load %arg10[%get3A_178] {strides = array<i32>} : memref<576xf32, #tpu.memory_space<vmem>>, vector<16xf32>,
    %mul3A_180 = arith.mulf %get3A_179, %div3A_140 : vector<16xf32>
    %swap3A_181 = arith.constant 480 : index
    %swap3A_182 = tpu.vector_load %arg13[%swap3A_181] {strides = array<i32>} : memref<512xf32, #tpu.memory_space<vmem>>, vector<16xf32>,
    tpu.vector_store %arg13[%swap3A_181], %mul3A_180 {strides = array<i32>} : memref<512xf32, #tpu.memory_space<vmem>>, vector<16xf32>,
    %get3A_183 = arith.constant 560 : index
    %get3A_184 = tpu.vector_load %arg10[%get3A_183] {strides = array<i32>} : memref<576xf32, #tpu.memory_space<vmem>>, vector<16xf32>,
    %div3A_185 = arith.constant 1.000000e+00 : f32
    %div3A_186 = vector.broadcast %div3A_185 : f32 to vector<16xf32>
    %div3A_187 = arith.divf %div3A_186, %get3A_184 : vector<16xf32>
    %swap3A_188 = arith.constant 48 : index
    %swap3A_189 = tpu.vector_load %arg14[%swap3A_188] {strides = array<i32>} : memref<64xf32, #tpu.memory_space<vmem>>, vector<16xf32>,
    tpu.vector_store %arg14[%swap3A_188], %div3A_187 {strides = array<i32>} : memref<64xf32, #tpu.memory_space<vmem>>, vector<16xf32>,
    %get3A_190 = arith.constant 48 : index
    %get3A_191 = tpu.vector_load %arg10[%get3A_190] {strides = array<i32>} : memref<576xf32, #tpu.memory_space<vmem>>, vector<16xf32>,
    %mul3A_192 = arith.mulf %get3A_191, %div3A_187 : vector<16xf32>
    %swap3A_193 = arith.constant 48 : index
    %swap3A_194 = tpu.vector_load %arg13[%swap3A_193] {strides = array<i32>} : memref<512xf32, #tpu.memory_space<vmem>>, vector<16xf32>,
    tpu.vector_store %arg13[%swap3A_193], %mul3A_192 {strides = array<i32>} : memref<512xf32, #tpu.memory_space<vmem>>, vector<16xf32>,
    %get3A_195 = arith.constant 112 : index
    %get3A_196 = tpu.vector_load %arg10[%get3A_195] {strides = array<i32>} : memref<576xf32, #tpu.memory_space<vmem>>, vector<16xf32>,
    %mul3A_197 = arith.mulf %get3A_196, %div3A_187 : vector<16xf32>
    %swap3A_198 = arith.constant 112 : index
    %swap3A_199 = tpu.vector_load %arg13[%swap3A_198] {strides = array<i32>} : memref<512xf32, #tpu.memory_space<vmem>>, vector<16xf32>,
    tpu.vector_store %arg13[%swap3A_198], %mul3A_197 {strides = array<i32>} : memref<512xf32, #tpu.memory_space<vmem>>, vector<16xf32>,
    %get3A_200 = arith.constant 176 : index
    %get3A_201 = tpu.vector_load %arg10[%get3A_200] {strides = array<i32>} : memref<576xf32, #tpu.memory_space<vmem>>, vector<16xf32>,
    %mul3A_202 = arith.mulf %get3A_201, %div3A_187 : vector<16xf32>
    %swap3A_203 = arith.constant 176 : index
    %swap3A_204 = tpu.vector_load %arg13[%swap3A_203] {strides = array<i32>} : memref<512xf32, #tpu.memory_space<vmem>>, vector<16xf32>,
    tpu.vector_store %arg13[%swap3A_203], %mul3A_202 {strides = array<i32>} : memref<512xf32, #tpu.memory_space<vmem>>, vector<16xf32>,
    %get3A_205 = arith.constant 240 : index
    %get3A_206 = tpu.vector_load %arg10[%get3A_205] {strides = array<i32>} : memref<576xf32, #tpu.memory_space<vmem>>, vector<16xf32>,
    %mul3A_207 = arith.mulf %get3A_206, %div3A_187 : vector<16xf32>
    %swap3A_208 = arith.constant 240 : index
    %swap3A_209 = tpu.vector_load %arg13[%swap3A_208] {strides = array<i32>} : memref<512xf32, #tpu.memory_space<vmem>>, vector<16xf32>,
    tpu.vector_store %arg13[%swap3A_208], %mul3A_207 {strides = array<i32>} : memref<512xf32, #tpu.memory_space<vmem>>, vector<16xf32>,
    %get3A_210 = arith.constant 304 : index
    %get3A_211 = tpu.vector_load %arg10[%get3A_210] {strides = array<i32>} : memref<576xf32, #tpu.memory_space<vmem>>, vector<16xf32>,
    %mul3A_212 = arith.mulf %get3A_211, %div3A_187 : vector<16xf32>
    %swap3A_213 = arith.constant 304 : index
    %swap3A_214 = tpu.vector_load %arg13[%swap3A_213] {strides = array<i32>} : memref<512xf32, #tpu.memory_space<vmem>>, vector<16xf32>,
    tpu.vector_store %arg13[%swap3A_213], %mul3A_212 {strides = array<i32>} : memref<512xf32, #tpu.memory_space<vmem>>, vector<16xf32>,
    %get3A_215 = arith.constant 368 : index
    %get3A_216 = tpu.vector_load %arg10[%get3A_215] {strides = array<i32>} : memref<576xf32, #tpu.memory_space<vmem>>, vector<16xf32>,
    %mul3A_217 = arith.mulf %get3A_216, %div3A_187 : vector<16xf32>
    %swap3A_218 = arith.constant 368 : index
    %swap3A_219 = tpu.vector_load %arg13[%swap3A_218] {strides = array<i32>} : memref<512xf32, #tpu.memory_space<vmem>>, vector<16xf32>,
    tpu.vector_store %arg13[%swap3A_218], %mul3A_217 {strides = array<i32>} : memref<512xf32, #tpu.memory_space<vmem>>, vector<16xf32>,
    %get3A_220 = arith.constant 432 : index
    %get3A_221 = tpu.vector_load %arg10[%get3A_220] {strides = array<i32>} : memref<576xf32, #tpu.memory_space<vmem>>, vector<16xf32>,
    %mul3A_222 = arith.mulf %get3A_221, %div3A_187 : vector<16xf32>
    %swap3A_223 = arith.constant 432 : index
    %swap3A_224 = tpu.vector_load %arg13[%swap3A_223] {strides = array<i32>} : memref<512xf32, #tpu.memory_space<vmem>>, vector<16xf32>,
    tpu.vector_store %arg13[%swap3A_223], %mul3A_222 {strides = array<i32>} : memref<512xf32, #tpu.memory_space<vmem>>, vector<16xf32>,
    %get3A_225 = arith.constant 496 : index
    %get3A_226 = tpu.vector_load %arg10[%get3A_225] {strides = array<i32>} : memref<576xf32, #tpu.memory_space<vmem>>, vector<16xf32>,
    %mul3A_227 = arith.mulf %get3A_226, %div3A_187 : vector<16xf32>
    %swap3A_228 = arith.constant 496 : index
    %swap3A_229 = tpu.vector_load %arg13[%swap3A_228] {strides = array<i32>} : memref<512xf32, #tpu.memory_space<vmem>>, vector<16xf32>,
    tpu.vector_store %arg13[%swap3A_228], %mul3A_227 {strides = array<i32>} : memref<512xf32, #tpu.memory_space<vmem>>, vector<16xf32>,
    %scan3A_230 = arith.constant 0 : i32
    %scan3A_231 = arith.constant 36 : i32
    %scan3A_232 = arith.addi %scan3A_230, %scan3A_231 : i32
    %scan3A_233 = arith.constant 1 : i32
    %scan3A_234 = scf.for %scan3A_386 = %scan3A_230 to %scan3A_232 step %scan3A_233 iter_args(%scan3A_387 = %broadcast_in_dim3A_0) -> (vector<16xf32>)  : i32 {
      %mul3A_388 = arith.constant 64 : i32
      %mul3A_389 = arith.muli %scan3A_386, %mul3A_388 : i32
      %add3A_390 = arith.constant 0 : i32
      %add3A_391 = arith.addi %mul3A_389, %add3A_390 : i32
      %get3A_392 = arith.index_cast %add3A_391 : i32 to index
      %get3A_393 = tpu.vector_load %arg7[%get3A_392] {strides = array<i32>} : memref<2304xi32, #tpu.memory_space<vmem>>, vector<16xi32>,
      %broadcast_in_dim3A_394 = arith.constant 9.99999996E-13 : f32
      %broadcast_in_dim3A_395 = vector.broadcast %broadcast_in_dim3A_394 : f32 to vector<16xf32>
      %add3A_396 = arith.constant 0 : i32
      %add3A_397 = vector.broadcast %add3A_396 : i32 to vector<16xi32>
      %add3A_398 = arith.addi %get3A_393, %add3A_397 : vector<16xi32>
      %gather3A_399 = tpu.vector_load_idx %arg13[%add3A_398] : memref<512xf32, #tpu.memory_space<vmem>>[vector<16xi32>], vector<16xf32>,
      %get3A_400 = arith.constant 0 : i32
      %get3A_401 = arith.index_cast %get3A_400 : i32 to index
      %get3A_402 = arith.index_cast %add3A_391 : i32 to index
      %get3A_403 = tpu.vector_load %arg6[%get3A_401, %get3A_402] {strides = array<i32>} : memref<8x2304xf32, #tpu.memory_space<vmem>>, vector<16xf32>,
      %sub3A_404 = arith.subf %gather3A_399, %get3A_403 : vector<16xf32>
      %mul3A_405 = arith.mulf %sub3A_404, %sub3A_404 : vector<16xf32>
      %add3A_406 = arith.addf %broadcast_in_dim3A_395, %mul3A_405 : vector<16xf32>
      %add3A_407 = arith.constant 64 : i32
      %add3A_408 = vector.broadcast %add3A_407 : i32 to vector<16xi32>
      %add3A_409 = arith.addi %get3A_393, %add3A_408 : vector<16xi32>
      %gather3A_410 = tpu.vector_load_idx %arg13[%add3A_409] : memref<512xf32, #tpu.memory_space<vmem>>[vector<16xi32>], vector<16xf32>,
      %get3A_411 = arith.constant 1 : i32
      %get3A_412 = arith.index_cast %get3A_411 : i32 to index
      %get3A_413 = arith.index_cast %add3A_391 : i32 to index
      %get3A_414 = tpu.vector_load %arg6[%get3A_412, %get3A_413] {strides = array<i32>} : memref<8x2304xf32, #tpu.memory_space<vmem>>, vector<16xf32>,
      %sub3A_415 = arith.subf %gather3A_410, %get3A_414 : vector<16xf32>
      %mul3A_416 = arith.mulf %sub3A_415, %sub3A_415 : vector<16xf32>
      %add3A_417 = arith.addf %add3A_406, %mul3A_416 : vector<16xf32>
      %add3A_418 = arith.constant 128 : i32
      %add3A_419 = vector.broadcast %add3A_418 : i32 to vector<16xi32>
      %add3A_420 = arith.addi %get3A_393, %add3A_419 : vector<16xi32>
      %gather3A_421 = tpu.vector_load_idx %arg13[%add3A_420] : memref<512xf32, #tpu.memory_space<vmem>>[vector<16xi32>], vector<16xf32>,
      %get3A_422 = arith.constant 2 : i32
      %get3A_423 = arith.index_cast %get3A_422 : i32 to index
      %get3A_424 = arith.index_cast %add3A_391 : i32 to index
      %get3A_425 = tpu.vector_load %arg6[%get3A_423, %get3A_424] {strides = array<i32>} : memref<8x2304xf32, #tpu.memory_space<vmem>>, vector<16xf32>,
      %sub3A_426 = arith.subf %gather3A_421, %get3A_425 : vector<16xf32>
      %mul3A_427 = arith.mulf %sub3A_426, %sub3A_426 : vector<16xf32>
      %add3A_428 = arith.addf %add3A_417, %mul3A_427 : vector<16xf32>
      %add3A_429 = arith.constant 192 : i32
      %add3A_430 = vector.broadcast %add3A_429 : i32 to vector<16xi32>
      %add3A_431 = arith.addi %get3A_393, %add3A_430 : vector<16xi32>
      %gather3A_432 = tpu.vector_load_idx %arg13[%add3A_431] : memref<512xf32, #tpu.memory_space<vmem>>[vector<16xi32>], vector<16xf32>,
      %get3A_433 = arith.constant 3 : i32
      %get3A_434 = arith.index_cast %get3A_433 : i32 to index
      %get3A_435 = arith.index_cast %add3A_391 : i32 to index
      %get3A_436 = tpu.vector_load %arg6[%get3A_434, %get3A_435] {strides = array<i32>} : memref<8x2304xf32, #tpu.memory_space<vmem>>, vector<16xf32>,
      %sub3A_437 = arith.subf %gather3A_432, %get3A_436 : vector<16xf32>
      %mul3A_438 = arith.mulf %sub3A_437, %sub3A_437 : vector<16xf32>
      %add3A_439 = arith.addf %add3A_428, %mul3A_438 : vector<16xf32>
      %add3A_440 = arith.constant 256 : i32
      %add3A_441 = vector.broadcast %add3A_440 : i32 to vector<16xi32>
      %add3A_442 = arith.addi %get3A_393, %add3A_441 : vector<16xi32>
      %gather3A_443 = tpu.vector_load_idx %arg13[%add3A_442] : memref<512xf32, #tpu.memory_space<vmem>>[vector<16xi32>], vector<16xf32>,
      %get3A_444 = arith.constant 4 : i32
      %get3A_445 = arith.index_cast %get3A_444 : i32 to index
      %get3A_446 = arith.index_cast %add3A_391 : i32 to index
      %get3A_447 = tpu.vector_load %arg6[%get3A_445, %get3A_446] {strides = array<i32>} : memref<8x2304xf32, #tpu.memory_space<vmem>>, vector<16xf32>,
      %sub3A_448 = arith.subf %gather3A_443, %get3A_447 : vector<16xf32>
      %mul3A_449 = arith.mulf %sub3A_448, %sub3A_448 : vector<16xf32>
      %add3A_450 = arith.addf %add3A_439, %mul3A_449 : vector<16xf32>
      %add3A_451 = arith.constant 320 : i32
      %add3A_452 = vector.broadcast %add3A_451 : i32 to vector<16xi32>
      %add3A_453 = arith.addi %get3A_393, %add3A_452 : vector<16xi32>
      %gather3A_454 = tpu.vector_load_idx %arg13[%add3A_453] : memref<512xf32, #tpu.memory_space<vmem>>[vector<16xi32>], vector<16xf32>,
      %get3A_455 = arith.constant 5 : i32
      %get3A_456 = arith.index_cast %get3A_455 : i32 to index
      %get3A_457 = arith.index_cast %add3A_391 : i32 to index
      %get3A_458 = tpu.vector_load %arg6[%get3A_456, %get3A_457] {strides = array<i32>} : memref<8x2304xf32, #tpu.memory_space<vmem>>, vector<16xf32>,
      %sub3A_459 = arith.subf %gather3A_454, %get3A_458 : vector<16xf32>
      %mul3A_460 = arith.mulf %sub3A_459, %sub3A_459 : vector<16xf32>
      %add3A_461 = arith.addf %add3A_450, %mul3A_460 : vector<16xf32>
      %add3A_462 = arith.constant 384 : i32
      %add3A_463 = vector.broadcast %add3A_462 : i32 to vector<16xi32>
      %add3A_464 = arith.addi %get3A_393, %add3A_463 : vector<16xi32>
      %gather3A_465 = tpu.vector_load_idx %arg13[%add3A_464] : memref<512xf32, #tpu.memory_space<vmem>>[vector<16xi32>], vector<16xf32>,
      %get3A_466 = arith.constant 6 : i32
      %get3A_467 = arith.index_cast %get3A_466 : i32 to index
      %get3A_468 = arith.index_cast %add3A_391 : i32 to index
      %get3A_469 = tpu.vector_load %arg6[%get3A_467, %get3A_468] {strides = array<i32>} : memref<8x2304xf32, #tpu.memory_space<vmem>>, vector<16xf32>,
      %sub3A_470 = arith.subf %gather3A_465, %get3A_469 : vector<16xf32>
      %mul3A_471 = arith.mulf %sub3A_470, %sub3A_470 : vector<16xf32>
      %add3A_472 = arith.addf %add3A_461, %mul3A_471 : vector<16xf32>
      %add3A_473 = arith.constant 448 : i32
      %add3A_474 = vector.broadcast %add3A_473 : i32 to vector<16xi32>
      %add3A_475 = arith.addi %get3A_393, %add3A_474 : vector<16xi32>
      %gather3A_476 = tpu.vector_load_idx %arg13[%add3A_475] : memref<512xf32, #tpu.memory_space<vmem>>[vector<16xi32>], vector<16xf32>,
      %get3A_477 = arith.constant 7 : i32
      %get3A_478 = arith.index_cast %get3A_477 : i32 to index
      %get3A_479 = arith.index_cast %add3A_391 : i32 to index
      %get3A_480 = tpu.vector_load %arg6[%get3A_478, %get3A_479] {strides = array<i32>} : memref<8x2304xf32, #tpu.memory_space<vmem>>, vector<16xf32>,
      %sub3A_481 = arith.subf %gather3A_476, %get3A_480 : vector<16xf32>
      %mul3A_482 = arith.mulf %sub3A_481, %sub3A_481 : vector<16xf32>
      %add3A_483 = arith.addf %add3A_472, %mul3A_482 : vector<16xf32>
      %bitcast3A_484 = vector.bitcast %add3A_483 : vector<16xf32> to vector<16xi32>
      %shift_right_arithmetic3A_485 = arith.constant 1 : i32
      %shift_right_arithmetic3A_486 = vector.broadcast %shift_right_arithmetic3A_485 : i32 to vector<16xi32>
      %shift_right_arithmetic3A_487 = arith.shrsi %bitcast3A_484, %shift_right_arithmetic3A_486 : vector<16xi32>
      %sub3A_488 = arith.constant 1597463007 : i32
      %sub3A_489 = vector.broadcast %sub3A_488 : i32 to vector<16xi32>
      %sub3A_490 = arith.subi %sub3A_489, %shift_right_arithmetic3A_487 : vector<16xi32>
      %bitcast3A_491 = vector.bitcast %sub3A_490 : vector<16xi32> to vector<16xf32>
      %mul3A_492 = arith.constant 5.000000e-01 : f32
      %mul3A_493 = vector.broadcast %mul3A_492 : f32 to vector<16xf32>
      %mul3A_494 = arith.mulf %mul3A_493, %add3A_483 : vector<16xf32>
      %mul3A_495 = arith.mulf %mul3A_494, %bitcast3A_491 : vector<16xf32>
      %mul3A_496 = arith.mulf %mul3A_495, %bitcast3A_491 : vector<16xf32>
      %sub3A_497 = arith.constant 1.500000e+00 : f32
      %sub3A_498 = vector.broadcast %sub3A_497 : f32 to vector<16xf32>
      %sub3A_499 = arith.subf %sub3A_498, %mul3A_496 : vector<16xf32>
      %mul3A_500 = arith.mulf %bitcast3A_491, %sub3A_499 : vector<16xf32>
      %mul3A_501 = arith.constant 5.000000e-01 : f32
      %mul3A_502 = vector.broadcast %mul3A_501 : f32 to vector<16xf32>
      %mul3A_503 = arith.mulf %mul3A_502, %add3A_483 : vector<16xf32>
      %mul3A_504 = arith.mulf %mul3A_503, %mul3A_500 : vector<16xf32>
      %mul3A_505 = arith.mulf %mul3A_504, %mul3A_500 : vector<16xf32>
      %sub3A_506 = arith.constant 1.500000e+00 : f32
      %sub3A_507 = vector.broadcast %sub3A_506 : f32 to vector<16xf32>
      %sub3A_508 = arith.subf %sub3A_507, %mul3A_505 : vector<16xf32>
      %mul3A_509 = arith.mulf %mul3A_500, %sub3A_508 : vector<16xf32>
      %mul3A_510 = arith.constant 5.000000e-01 : f32
      %mul3A_511 = vector.broadcast %mul3A_510 : f32 to vector<16xf32>
      %mul3A_512 = arith.mulf %mul3A_511, %add3A_483 : vector<16xf32>
      %mul3A_513 = arith.mulf %mul3A_512, %mul3A_509 : vector<16xf32>
      %mul3A_514 = arith.mulf %mul3A_513, %mul3A_509 : vector<16xf32>
      %sub3A_515 = arith.constant 1.500000e+00 : f32
      %sub3A_516 = vector.broadcast %sub3A_515 : f32 to vector<16xf32>
      %sub3A_517 = arith.subf %sub3A_516, %mul3A_514 : vector<16xf32>
      %mul3A_518 = arith.mulf %mul3A_509, %sub3A_517 : vector<16xf32>
      %mul3A_519 = arith.mulf %add3A_483, %mul3A_518 : vector<16xf32>
      %gather3A_520 = tpu.vector_load_idx %arg14[%get3A_393] : memref<64xf32, #tpu.memory_space<vmem>>[vector<16xi32>], vector<16xf32>,
      %sub3A_521 = arith.constant 1.000000e-01 : f32
      %sub3A_522 = vector.broadcast %sub3A_521 : f32 to vector<16xf32>
      %sub3A_523 = arith.subf %mul3A_519, %sub3A_522 : vector<16xf32>
      %max3A_524 = arith.constant 0.000000e+00 : f32
      %max3A_525 = vector.broadcast %max3A_524 : f32 to vector<16xf32>
      %max3A_526 = arith.maximumf %sub3A_523, %max3A_525 : vector<16xf32>
      %mul3A_527 = arith.mulf %max3A_526, %gather3A_520 : vector<16xf32>
      %add3A_528 = arith.addf %scan3A_387, %mul3A_527 : vector<16xf32>
      %mul3A_529 = arith.constant 64 : i32
      %mul3A_530 = arith.muli %scan3A_386, %mul3A_529 : i32
      %add3A_531 = arith.constant 16 : i32
      %add3A_532 = arith.addi %mul3A_530, %add3A_531 : i32
      %get3A_533 = arith.index_cast %add3A_532 : i32 to index
      %get3A_534 = tpu.vector_load %arg7[%get3A_533] {strides = array<i32>} : memref<2304xi32, #tpu.memory_space<vmem>>, vector<16xi32>,
      %broadcast_in_dim3A_535 = arith.constant 9.99999996E-13 : f32
      %broadcast_in_dim3A_536 = vector.broadcast %broadcast_in_dim3A_535 : f32 to vector<16xf32>
      %add3A_537 = arith.constant 0 : i32
      %add3A_538 = vector.broadcast %add3A_537 : i32 to vector<16xi32>
      %add3A_539 = arith.addi %get3A_534, %add3A_538 : vector<16xi32>
      %gather3A_540 = tpu.vector_load_idx %arg13[%add3A_539] : memref<512xf32, #tpu.memory_space<vmem>>[vector<16xi32>], vector<16xf32>,
      %get3A_541 = arith.constant 0 : i32
      %get3A_542 = arith.index_cast %get3A_541 : i32 to index
      %get3A_543 = arith.index_cast %add3A_532 : i32 to index
      %get3A_544 = tpu.vector_load %arg6[%get3A_542, %get3A_543] {strides = array<i32>} : memref<8x2304xf32, #tpu.memory_space<vmem>>, vector<16xf32>,
      %sub3A_545 = arith.subf %gather3A_540, %get3A_544 : vector<16xf32>
      %mul3A_546 = arith.mulf %sub3A_545, %sub3A_545 : vector<16xf32>
      %add3A_547 = arith.addf %broadcast_in_dim3A_536, %mul3A_546 : vector<16xf32>
      %add3A_548 = arith.constant 64 : i32
      %add3A_549 = vector.broadcast %add3A_548 : i32 to vector<16xi32>
      %add3A_550 = arith.addi %get3A_534, %add3A_549 : vector<16xi32>
      %gather3A_551 = tpu.vector_load_idx %arg13[%add3A_550] : memref<512xf32, #tpu.memory_space<vmem>>[vector<16xi32>], vector<16xf32>,
      %get3A_552 = arith.constant 1 : i32
      %get3A_553 = arith.index_cast %get3A_552 : i32 to index
      %get3A_554 = arith.index_cast %add3A_532 : i32 to index
      %get3A_555 = tpu.vector_load %arg6[%get3A_553, %get3A_554] {strides = array<i32>} : memref<8x2304xf32, #tpu.memory_space<vmem>>, vector<16xf32>,
      %sub3A_556 = arith.subf %gather3A_551, %get3A_555 : vector<16xf32>
      %mul3A_557 = arith.mulf %sub3A_556, %sub3A_556 : vector<16xf32>
      %add3A_558 = arith.addf %add3A_547, %mul3A_557 : vector<16xf32>
      %add3A_559 = arith.constant 128 : i32
      %add3A_560 = vector.broadcast %add3A_559 : i32 to vector<16xi32>
      %add3A_561 = arith.addi %get3A_534, %add3A_560 : vector<16xi32>
      %gather3A_562 = tpu.vector_load_idx %arg13[%add3A_561] : memref<512xf32, #tpu.memory_space<vmem>>[vector<16xi32>], vector<16xf32>,
      %get3A_563 = arith.constant 2 : i32
      %get3A_564 = arith.index_cast %get3A_563 : i32 to index
      %get3A_565 = arith.index_cast %add3A_532 : i32 to index
      %get3A_566 = tpu.vector_load %arg6[%get3A_564, %get3A_565] {strides = array<i32>} : memref<8x2304xf32, #tpu.memory_space<vmem>>, vector<16xf32>,
      %sub3A_567 = arith.subf %gather3A_562, %get3A_566 : vector<16xf32>
      %mul3A_568 = arith.mulf %sub3A_567, %sub3A_567 : vector<16xf32>
      %add3A_569 = arith.addf %add3A_558, %mul3A_568 : vector<16xf32>
      %add3A_570 = arith.constant 192 : i32
      %add3A_571 = vector.broadcast %add3A_570 : i32 to vector<16xi32>
      %add3A_572 = arith.addi %get3A_534, %add3A_571 : vector<16xi32>
      %gather3A_573 = tpu.vector_load_idx %arg13[%add3A_572] : memref<512xf32, #tpu.memory_space<vmem>>[vector<16xi32>], vector<16xf32>,
      %get3A_574 = arith.constant 3 : i32
      %get3A_575 = arith.index_cast %get3A_574 : i32 to index
      %get3A_576 = arith.index_cast %add3A_532 : i32 to index
      %get3A_577 = tpu.vector_load %arg6[%get3A_575, %get3A_576] {strides = array<i32>} : memref<8x2304xf32, #tpu.memory_space<vmem>>, vector<16xf32>,
      %sub3A_578 = arith.subf %gather3A_573, %get3A_577 : vector<16xf32>
      %mul3A_579 = arith.mulf %sub3A_578, %sub3A_578 : vector<16xf32>
      %add3A_580 = arith.addf %add3A_569, %mul3A_579 : vector<16xf32>
      %add3A_581 = arith.constant 256 : i32
      %add3A_582 = vector.broadcast %add3A_581 : i32 to vector<16xi32>
      %add3A_583 = arith.addi %get3A_534, %add3A_582 : vector<16xi32>
      %gather3A_584 = tpu.vector_load_idx %arg13[%add3A_583] : memref<512xf32, #tpu.memory_space<vmem>>[vector<16xi32>], vector<16xf32>,
      %get3A_585 = arith.constant 4 : i32
      %get3A_586 = arith.index_cast %get3A_585 : i32 to index
      %get3A_587 = arith.index_cast %add3A_532 : i32 to index
      %get3A_588 = tpu.vector_load %arg6[%get3A_586, %get3A_587] {strides = array<i32>} : memref<8x2304xf32, #tpu.memory_space<vmem>>, vector<16xf32>,
      %sub3A_589 = arith.subf %gather3A_584, %get3A_588 : vector<16xf32>
      %mul3A_590 = arith.mulf %sub3A_589, %sub3A_589 : vector<16xf32>
      %add3A_591 = arith.addf %add3A_580, %mul3A_590 : vector<16xf32>
      %add3A_592 = arith.constant 320 : i32
      %add3A_593 = vector.broadcast %add3A_592 : i32 to vector<16xi32>
      %add3A_594 = arith.addi %get3A_534, %add3A_593 : vector<16xi32>
      %gather3A_595 = tpu.vector_load_idx %arg13[%add3A_594] : memref<512xf32, #tpu.memory_space<vmem>>[vector<16xi32>], vector<16xf32>,
      %get3A_596 = arith.constant 5 : i32
      %get3A_597 = arith.index_cast %get3A_596 : i32 to index
      %get3A_598 = arith.index_cast %add3A_532 : i32 to index
      %get3A_599 = tpu.vector_load %arg6[%get3A_597, %get3A_598] {strides = array<i32>} : memref<8x2304xf32, #tpu.memory_space<vmem>>, vector<16xf32>,
      %sub3A_600 = arith.subf %gather3A_595, %get3A_599 : vector<16xf32>
      %mul3A_601 = arith.mulf %sub3A_600, %sub3A_600 : vector<16xf32>
      %add3A_602 = arith.addf %add3A_591, %mul3A_601 : vector<16xf32>
      %add3A_603 = arith.constant 384 : i32
      %add3A_604 = vector.broadcast %add3A_603 : i32 to vector<16xi32>
      %add3A_605 = arith.addi %get3A_534, %add3A_604 : vector<16xi32>
      %gather3A_606 = tpu.vector_load_idx %arg13[%add3A_605] : memref<512xf32, #tpu.memory_space<vmem>>[vector<16xi32>], vector<16xf32>,
      %get3A_607 = arith.constant 6 : i32
      %get3A_608 = arith.index_cast %get3A_607 : i32 to index
      %get3A_609 = arith.index_cast %add3A_532 : i32 to index
      %get3A_610 = tpu.vector_load %arg6[%get3A_608, %get3A_609] {strides = array<i32>} : memref<8x2304xf32, #tpu.memory_space<vmem>>, vector<16xf32>,
      %sub3A_611 = arith.subf %gather3A_606, %get3A_610 : vector<16xf32>
      %mul3A_612 = arith.mulf %sub3A_611, %sub3A_611 : vector<16xf32>
      %add3A_613 = arith.addf %add3A_602, %mul3A_612 : vector<16xf32>
      %add3A_614 = arith.constant 448 : i32
      %add3A_615 = vector.broadcast %add3A_614 : i32 to vector<16xi32>
      %add3A_616 = arith.addi %get3A_534, %add3A_615 : vector<16xi32>
      %gather3A_617 = tpu.vector_load_idx %arg13[%add3A_616] : memref<512xf32, #tpu.memory_space<vmem>>[vector<16xi32>], vector<16xf32>,
      %get3A_618 = arith.constant 7 : i32
      %get3A_619 = arith.index_cast %get3A_618 : i32 to index
      %get3A_620 = arith.index_cast %add3A_532 : i32 to index
      %get3A_621 = tpu.vector_load %arg6[%get3A_619, %get3A_620] {strides = array<i32>} : memref<8x2304xf32, #tpu.memory_space<vmem>>, vector<16xf32>,
      %sub3A_622 = arith.subf %gather3A_617, %get3A_621 : vector<16xf32>
      %mul3A_623 = arith.mulf %sub3A_622, %sub3A_622 : vector<16xf32>
      %add3A_624 = arith.addf %add3A_613, %mul3A_623 : vector<16xf32>
      %bitcast3A_625 = vector.bitcast %add3A_624 : vector<16xf32> to vector<16xi32>
      %shift_right_arithmetic3A_626 = arith.constant 1 : i32
      %shift_right_arithmetic3A_627 = vector.broadcast %shift_right_arithmetic3A_626 : i32 to vector<16xi32>
      %shift_right_arithmetic3A_628 = arith.shrsi %bitcast3A_625, %shift_right_arithmetic3A_627 : vector<16xi32>
      %sub3A_629 = arith.constant 1597463007 : i32
      %sub3A_630 = vector.broadcast %sub3A_629 : i32 to vector<16xi32>
      %sub3A_631 = arith.subi %sub3A_630, %shift_right_arithmetic3A_628 : vector<16xi32>
      %bitcast3A_632 = vector.bitcast %sub3A_631 : vector<16xi32> to vector<16xf32>
      %mul3A_633 = arith.constant 5.000000e-01 : f32
      %mul3A_634 = vector.broadcast %mul3A_633 : f32 to vector<16xf32>
      %mul3A_635 = arith.mulf %mul3A_634, %add3A_624 : vector<16xf32>
      %mul3A_636 = arith.mulf %mul3A_635, %bitcast3A_632 : vector<16xf32>
      %mul3A_637 = arith.mulf %mul3A_636, %bitcast3A_632 : vector<16xf32>
      %sub3A_638 = arith.constant 1.500000e+00 : f32
      %sub3A_639 = vector.broadcast %sub3A_638 : f32 to vector<16xf32>
      %sub3A_640 = arith.subf %sub3A_639, %mul3A_637 : vector<16xf32>
      %mul3A_641 = arith.mulf %bitcast3A_632, %sub3A_640 : vector<16xf32>
      %mul3A_642 = arith.constant 5.000000e-01 : f32
      %mul3A_643 = vector.broadcast %mul3A_642 : f32 to vector<16xf32>
      %mul3A_644 = arith.mulf %mul3A_643, %add3A_624 : vector<16xf32>
      %mul3A_645 = arith.mulf %mul3A_644, %mul3A_641 : vector<16xf32>
      %mul3A_646 = arith.mulf %mul3A_645, %mul3A_641 : vector<16xf32>
      %sub3A_647 = arith.constant 1.500000e+00 : f32
      %sub3A_648 = vector.broadcast %sub3A_647 : f32 to vector<16xf32>
      %sub3A_649 = arith.subf %sub3A_648, %mul3A_646 : vector<16xf32>
      %mul3A_650 = arith.mulf %mul3A_641, %sub3A_649 : vector<16xf32>
      %mul3A_651 = arith.constant 5.000000e-01 : f32
      %mul3A_652 = vector.broadcast %mul3A_651 : f32 to vector<16xf32>
      %mul3A_653 = arith.mulf %mul3A_652, %add3A_624 : vector<16xf32>
      %mul3A_654 = arith.mulf %mul3A_653, %mul3A_650 : vector<16xf32>
      %mul3A_655 = arith.mulf %mul3A_654, %mul3A_650 : vector<16xf32>
      %sub3A_656 = arith.constant 1.500000e+00 : f32
      %sub3A_657 = vector.broadcast %sub3A_656 : f32 to vector<16xf32>
      %sub3A_658 = arith.subf %sub3A_657, %mul3A_655 : vector<16xf32>
      %mul3A_659 = arith.mulf %mul3A_650, %sub3A_658 : vector<16xf32>
      %mul3A_660 = arith.mulf %add3A_624, %mul3A_659 : vector<16xf32>
      %gather3A_661 = tpu.vector_load_idx %arg14[%get3A_534] : memref<64xf32, #tpu.memory_space<vmem>>[vector<16xi32>], vector<16xf32>,
      %sub3A_662 = arith.constant 1.000000e-01 : f32
      %sub3A_663 = vector.broadcast %sub3A_662 : f32 to vector<16xf32>
      %sub3A_664 = arith.subf %mul3A_660, %sub3A_663 : vector<16xf32>
      %max3A_665 = arith.constant 0.000000e+00 : f32
      %max3A_666 = vector.broadcast %max3A_665 : f32 to vector<16xf32>
      %max3A_667 = arith.maximumf %sub3A_664, %max3A_666 : vector<16xf32>
      %mul3A_668 = arith.mulf %max3A_667, %gather3A_661 : vector<16xf32>
      %add3A_669 = arith.addf %add3A_528, %mul3A_668 : vector<16xf32>
      %mul3A_670 = arith.constant 64 : i32
      %mul3A_671 = arith.muli %scan3A_386, %mul3A_670 : i32
      %add3A_672 = arith.constant 32 : i32
      %add3A_673 = arith.addi %mul3A_671, %add3A_672 : i32
      %get3A_674 = arith.index_cast %add3A_673 : i32 to index
      %get3A_675 = tpu.vector_load %arg7[%get3A_674] {strides = array<i32>} : memref<2304xi32, #tpu.memory_space<vmem>>, vector<16xi32>,
      %broadcast_in_dim3A_676 = arith.constant 9.99999996E-13 : f32
      %broadcast_in_dim3A_677 = vector.broadcast %broadcast_in_dim3A_676 : f32 to vector<16xf32>
      %add3A_678 = arith.constant 0 : i32
      %add3A_679 = vector.broadcast %add3A_678 : i32 to vector<16xi32>
      %add3A_680 = arith.addi %get3A_675, %add3A_679 : vector<16xi32>
      %gather3A_681 = tpu.vector_load_idx %arg13[%add3A_680] : memref<512xf32, #tpu.memory_space<vmem>>[vector<16xi32>], vector<16xf32>,
      %get3A_682 = arith.constant 0 : i32
      %get3A_683 = arith.index_cast %get3A_682 : i32 to index
      %get3A_684 = arith.index_cast %add3A_673 : i32 to index
      %get3A_685 = tpu.vector_load %arg6[%get3A_683, %get3A_684] {strides = array<i32>} : memref<8x2304xf32, #tpu.memory_space<vmem>>, vector<16xf32>,
      %sub3A_686 = arith.subf %gather3A_681, %get3A_685 : vector<16xf32>
      %mul3A_687 = arith.mulf %sub3A_686, %sub3A_686 : vector<16xf32>
      %add3A_688 = arith.addf %broadcast_in_dim3A_677, %mul3A_687 : vector<16xf32>
      %add3A_689 = arith.constant 64 : i32
      %add3A_690 = vector.broadcast %add3A_689 : i32 to vector<16xi32>
      %add3A_691 = arith.addi %get3A_675, %add3A_690 : vector<16xi32>
      %gather3A_692 = tpu.vector_load_idx %arg13[%add3A_691] : memref<512xf32, #tpu.memory_space<vmem>>[vector<16xi32>], vector<16xf32>,
      %get3A_693 = arith.constant 1 : i32
      %get3A_694 = arith.index_cast %get3A_693 : i32 to index
      %get3A_695 = arith.index_cast %add3A_673 : i32 to index
      %get3A_696 = tpu.vector_load %arg6[%get3A_694, %get3A_695] {strides = array<i32>} : memref<8x2304xf32, #tpu.memory_space<vmem>>, vector<16xf32>,
      %sub3A_697 = arith.subf %gather3A_692, %get3A_696 : vector<16xf32>
      %mul3A_698 = arith.mulf %sub3A_697, %sub3A_697 : vector<16xf32>
      %add3A_699 = arith.addf %add3A_688, %mul3A_698 : vector<16xf32>
      %add3A_700 = arith.constant 128 : i32
      %add3A_701 = vector.broadcast %add3A_700 : i32 to vector<16xi32>
      %add3A_702 = arith.addi %get3A_675, %add3A_701 : vector<16xi32>
      %gather3A_703 = tpu.vector_load_idx %arg13[%add3A_702] : memref<512xf32, #tpu.memory_space<vmem>>[vector<16xi32>], vector<16xf32>,
      %get3A_704 = arith.constant 2 : i32
      %get3A_705 = arith.index_cast %get3A_704 : i32 to index
      %get3A_706 = arith.index_cast %add3A_673 : i32 to index
      %get3A_707 = tpu.vector_load %arg6[%get3A_705, %get3A_706] {strides = array<i32>} : memref<8x2304xf32, #tpu.memory_space<vmem>>, vector<16xf32>,
      %sub3A_708 = arith.subf %gather3A_703, %get3A_707 : vector<16xf32>
      %mul3A_709 = arith.mulf %sub3A_708, %sub3A_708 : vector<16xf32>
      %add3A_710 = arith.addf %add3A_699, %mul3A_709 : vector<16xf32>
      %add3A_711 = arith.constant 192 : i32
      %add3A_712 = vector.broadcast %add3A_711 : i32 to vector<16xi32>
      %add3A_713 = arith.addi %get3A_675, %add3A_712 : vector<16xi32>
      %gather3A_714 = tpu.vector_load_idx %arg13[%add3A_713] : memref<512xf32, #tpu.memory_space<vmem>>[vector<16xi32>], vector<16xf32>,
      %get3A_715 = arith.constant 3 : i32
      %get3A_716 = arith.index_cast %get3A_715 : i32 to index
      %get3A_717 = arith.index_cast %add3A_673 : i32 to index
      %get3A_718 = tpu.vector_load %arg6[%get3A_716, %get3A_717] {strides = array<i32>} : memref<8x2304xf32, #tpu.memory_space<vmem>>, vector<16xf32>,
      %sub3A_719 = arith.subf %gather3A_714, %get3A_718 : vector<16xf32>
      %mul3A_720 = arith.mulf %sub3A_719, %sub3A_719 : vector<16xf32>
      %add3A_721 = arith.addf %add3A_710, %mul3A_720 : vector<16xf32>
      %add3A_722 = arith.constant 256 : i32
      %add3A_723 = vector.broadcast %add3A_722 : i32 to vector<16xi32>
      %add3A_724 = arith.addi %get3A_675, %add3A_723 : vector<16xi32>
      %gather3A_725 = tpu.vector_load_idx %arg13[%add3A_724] : memref<512xf32, #tpu.memory_space<vmem>>[vector<16xi32>], vector<16xf32>,
      %get3A_726 = arith.constant 4 : i32
      %get3A_727 = arith.index_cast %get3A_726 : i32 to index
      %get3A_728 = arith.index_cast %add3A_673 : i32 to index
      %get3A_729 = tpu.vector_load %arg6[%get3A_727, %get3A_728] {strides = array<i32>} : memref<8x2304xf32, #tpu.memory_space<vmem>>, vector<16xf32>,
      %sub3A_730 = arith.subf %gather3A_725, %get3A_729 : vector<16xf32>
      %mul3A_731 = arith.mulf %sub3A_730, %sub3A_730 : vector<16xf32>
      %add3A_732 = arith.addf %add3A_721, %mul3A_731 : vector<16xf32>
      %add3A_733 = arith.constant 320 : i32
      %add3A_734 = vector.broadcast %add3A_733 : i32 to vector<16xi32>
      %add3A_735 = arith.addi %get3A_675, %add3A_734 : vector<16xi32>
      %gather3A_736 = tpu.vector_load_idx %arg13[%add3A_735] : memref<512xf32, #tpu.memory_space<vmem>>[vector<16xi32>], vector<16xf32>,
      %get3A_737 = arith.constant 5 : i32
      %get3A_738 = arith.index_cast %get3A_737 : i32 to index
      %get3A_739 = arith.index_cast %add3A_673 : i32 to index
      %get3A_740 = tpu.vector_load %arg6[%get3A_738, %get3A_739] {strides = array<i32>} : memref<8x2304xf32, #tpu.memory_space<vmem>>, vector<16xf32>,
      %sub3A_741 = arith.subf %gather3A_736, %get3A_740 : vector<16xf32>
      %mul3A_742 = arith.mulf %sub3A_741, %sub3A_741 : vector<16xf32>
      %add3A_743 = arith.addf %add3A_732, %mul3A_742 : vector<16xf32>
      %add3A_744 = arith.constant 384 : i32
      %add3A_745 = vector.broadcast %add3A_744 : i32 to vector<16xi32>
      %add3A_746 = arith.addi %get3A_675, %add3A_745 : vector<16xi32>
      %gather3A_747 = tpu.vector_load_idx %arg13[%add3A_746] : memref<512xf32, #tpu.memory_space<vmem>>[vector<16xi32>], vector<16xf32>,
      %get3A_748 = arith.constant 6 : i32
      %get3A_749 = arith.index_cast %get3A_748 : i32 to index
      %get3A_750 = arith.index_cast %add3A_673 : i32 to index
      %get3A_751 = tpu.vector_load %arg6[%get3A_749, %get3A_750] {strides = array<i32>} : memref<8x2304xf32, #tpu.memory_space<vmem>>, vector<16xf32>,
      %sub3A_752 = arith.subf %gather3A_747, %get3A_751 : vector<16xf32>
      %mul3A_753 = arith.mulf %sub3A_752, %sub3A_752 : vector<16xf32>
      %add3A_754 = arith.addf %add3A_743, %mul3A_753 : vector<16xf32>
      %add3A_755 = arith.constant 448 : i32
      %add3A_756 = vector.broadcast %add3A_755 : i32 to vector<16xi32>
      %add3A_757 = arith.addi %get3A_675, %add3A_756 : vector<16xi32>
      %gather3A_758 = tpu.vector_load_idx %arg13[%add3A_757] : memref<512xf32, #tpu.memory_space<vmem>>[vector<16xi32>], vector<16xf32>,
      %get3A_759 = arith.constant 7 : i32
      %get3A_760 = arith.index_cast %get3A_759 : i32 to index
      %get3A_761 = arith.index_cast %add3A_673 : i32 to index
      %get3A_762 = tpu.vector_load %arg6[%get3A_760, %get3A_761] {strides = array<i32>} : memref<8x2304xf32, #tpu.memory_space<vmem>>, vector<16xf32>,
      %sub3A_763 = arith.subf %gather3A_758, %get3A_762 : vector<16xf32>
      %mul3A_764 = arith.mulf %sub3A_763, %sub3A_763 : vector<16xf32>
      %add3A_765 = arith.addf %add3A_754, %mul3A_764 : vector<16xf32>
      %bitcast3A_766 = vector.bitcast %add3A_765 : vector<16xf32> to vector<16xi32>
      %shift_right_arithmetic3A_767 = arith.constant 1 : i32
      %shift_right_arithmetic3A_768 = vector.broadcast %shift_right_arithmetic3A_767 : i32 to vector<16xi32>
      %shift_right_arithmetic3A_769 = arith.shrsi %bitcast3A_766, %shift_right_arithmetic3A_768 : vector<16xi32>
      %sub3A_770 = arith.constant 1597463007 : i32
      %sub3A_771 = vector.broadcast %sub3A_770 : i32 to vector<16xi32>
      %sub3A_772 = arith.subi %sub3A_771, %shift_right_arithmetic3A_769 : vector<16xi32>
      %bitcast3A_773 = vector.bitcast %sub3A_772 : vector<16xi32> to vector<16xf32>
      %mul3A_774 = arith.constant 5.000000e-01 : f32
      %mul3A_775 = vector.broadcast %mul3A_774 : f32 to vector<16xf32>
      %mul3A_776 = arith.mulf %mul3A_775, %add3A_765 : vector<16xf32>
      %mul3A_777 = arith.mulf %mul3A_776, %bitcast3A_773 : vector<16xf32>
      %mul3A_778 = arith.mulf %mul3A_777, %bitcast3A_773 : vector<16xf32>
      %sub3A_779 = arith.constant 1.500000e+00 : f32
      %sub3A_780 = vector.broadcast %sub3A_779 : f32 to vector<16xf32>
      %sub3A_781 = arith.subf %sub3A_780, %mul3A_778 : vector<16xf32>
      %mul3A_782 = arith.mulf %bitcast3A_773, %sub3A_781 : vector<16xf32>
      %mul3A_783 = arith.constant 5.000000e-01 : f32
      %mul3A_784 = vector.broadcast %mul3A_783 : f32 to vector<16xf32>
      %mul3A_785 = arith.mulf %mul3A_784, %add3A_765 : vector<16xf32>
      %mul3A_786 = arith.mulf %mul3A_785, %mul3A_782 : vector<16xf32>
      %mul3A_787 = arith.mulf %mul3A_786, %mul3A_782 : vector<16xf32>
      %sub3A_788 = arith.constant 1.500000e+00 : f32
      %sub3A_789 = vector.broadcast %sub3A_788 : f32 to vector<16xf32>
      %sub3A_790 = arith.subf %sub3A_789, %mul3A_787 : vector<16xf32>
      %mul3A_791 = arith.mulf %mul3A_782, %sub3A_790 : vector<16xf32>
      %mul3A_792 = arith.constant 5.000000e-01 : f32
      %mul3A_793 = vector.broadcast %mul3A_792 : f32 to vector<16xf32>
      %mul3A_794 = arith.mulf %mul3A_793, %add3A_765 : vector<16xf32>
      %mul3A_795 = arith.mulf %mul3A_794, %mul3A_791 : vector<16xf32>
      %mul3A_796 = arith.mulf %mul3A_795, %mul3A_791 : vector<16xf32>
      %sub3A_797 = arith.constant 1.500000e+00 : f32
      %sub3A_798 = vector.broadcast %sub3A_797 : f32 to vector<16xf32>
      %sub3A_799 = arith.subf %sub3A_798, %mul3A_796 : vector<16xf32>
      %mul3A_800 = arith.mulf %mul3A_791, %sub3A_799 : vector<16xf32>
      %mul3A_801 = arith.mulf %add3A_765, %mul3A_800 : vector<16xf32>
      %gather3A_802 = tpu.vector_load_idx %arg14[%get3A_675] : memref<64xf32, #tpu.memory_space<vmem>>[vector<16xi32>], vector<16xf32>,
      %sub3A_803 = arith.constant 1.000000e-01 : f32
      %sub3A_804 = vector.broadcast %sub3A_803 : f32 to vector<16xf32>
      %sub3A_805 = arith.subf %mul3A_801, %sub3A_804 : vector<16xf32>
      %max3A_806 = arith.constant 0.000000e+00 : f32
      %max3A_807 = vector.broadcast %max3A_806 : f32 to vector<16xf32>
      %max3A_808 = arith.maximumf %sub3A_805, %max3A_807 : vector<16xf32>
      %mul3A_809 = arith.mulf %max3A_808, %gather3A_802 : vector<16xf32>
      %add3A_810 = arith.addf %add3A_669, %mul3A_809 : vector<16xf32>
      %mul3A_811 = arith.constant 64 : i32
      %mul3A_812 = arith.muli %scan3A_386, %mul3A_811 : i32
      %add3A_813 = arith.constant 48 : i32
      %add3A_814 = arith.addi %mul3A_812, %add3A_813 : i32
      %get3A_815 = arith.index_cast %add3A_814 : i32 to index
      %get3A_816 = tpu.vector_load %arg7[%get3A_815] {strides = array<i32>} : memref<2304xi32, #tpu.memory_space<vmem>>, vector<16xi32>,
      %broadcast_in_dim3A_817 = arith.constant 9.99999996E-13 : f32
      %broadcast_in_dim3A_818 = vector.broadcast %broadcast_in_dim3A_817 : f32 to vector<16xf32>
      %add3A_819 = arith.constant 0 : i32
      %add3A_820 = vector.broadcast %add3A_819 : i32 to vector<16xi32>
      %add3A_821 = arith.addi %get3A_816, %add3A_820 : vector<16xi32>
      %gather3A_822 = tpu.vector_load_idx %arg13[%add3A_821] : memref<512xf32, #tpu.memory_space<vmem>>[vector<16xi32>], vector<16xf32>,
      %get3A_823 = arith.constant 0 : i32
      %get3A_824 = arith.index_cast %get3A_823 : i32 to index
      %get3A_825 = arith.index_cast %add3A_814 : i32 to index
      %get3A_826 = tpu.vector_load %arg6[%get3A_824, %get3A_825] {strides = array<i32>} : memref<8x2304xf32, #tpu.memory_space<vmem>>, vector<16xf32>,
      %sub3A_827 = arith.subf %gather3A_822, %get3A_826 : vector<16xf32>
      %mul3A_828 = arith.mulf %sub3A_827, %sub3A_827 : vector<16xf32>
      %add3A_829 = arith.addf %broadcast_in_dim3A_818, %mul3A_828 : vector<16xf32>
      %add3A_830 = arith.constant 64 : i32
      %add3A_831 = vector.broadcast %add3A_830 : i32 to vector<16xi32>
      %add3A_832 = arith.addi %get3A_816, %add3A_831 : vector<16xi32>
      %gather3A_833 = tpu.vector_load_idx %arg13[%add3A_832] : memref<512xf32, #tpu.memory_space<vmem>>[vector<16xi32>], vector<16xf32>,
      %get3A_834 = arith.constant 1 : i32
      %get3A_835 = arith.index_cast %get3A_834 : i32 to index
      %get3A_836 = arith.index_cast %add3A_814 : i32 to index
      %get3A_837 = tpu.vector_load %arg6[%get3A_835, %get3A_836] {strides = array<i32>} : memref<8x2304xf32, #tpu.memory_space<vmem>>, vector<16xf32>,
      %sub3A_838 = arith.subf %gather3A_833, %get3A_837 : vector<16xf32>
      %mul3A_839 = arith.mulf %sub3A_838, %sub3A_838 : vector<16xf32>
      %add3A_840 = arith.addf %add3A_829, %mul3A_839 : vector<16xf32>
      %add3A_841 = arith.constant 128 : i32
      %add3A_842 = vector.broadcast %add3A_841 : i32 to vector<16xi32>
      %add3A_843 = arith.addi %get3A_816, %add3A_842 : vector<16xi32>
      %gather3A_844 = tpu.vector_load_idx %arg13[%add3A_843] : memref<512xf32, #tpu.memory_space<vmem>>[vector<16xi32>], vector<16xf32>,
      %get3A_845 = arith.constant 2 : i32
      %get3A_846 = arith.index_cast %get3A_845 : i32 to index
      %get3A_847 = arith.index_cast %add3A_814 : i32 to index
      %get3A_848 = tpu.vector_load %arg6[%get3A_846, %get3A_847] {strides = array<i32>} : memref<8x2304xf32, #tpu.memory_space<vmem>>, vector<16xf32>,
      %sub3A_849 = arith.subf %gather3A_844, %get3A_848 : vector<16xf32>
      %mul3A_850 = arith.mulf %sub3A_849, %sub3A_849 : vector<16xf32>
      %add3A_851 = arith.addf %add3A_840, %mul3A_850 : vector<16xf32>
      %add3A_852 = arith.constant 192 : i32
      %add3A_853 = vector.broadcast %add3A_852 : i32 to vector<16xi32>
      %add3A_854 = arith.addi %get3A_816, %add3A_853 : vector<16xi32>
      %gather3A_855 = tpu.vector_load_idx %arg13[%add3A_854] : memref<512xf32, #tpu.memory_space<vmem>>[vector<16xi32>], vector<16xf32>,
      %get3A_856 = arith.constant 3 : i32
      %get3A_857 = arith.index_cast %get3A_856 : i32 to index
      %get3A_858 = arith.index_cast %add3A_814 : i32 to index
      %get3A_859 = tpu.vector_load %arg6[%get3A_857, %get3A_858] {strides = array<i32>} : memref<8x2304xf32, #tpu.memory_space<vmem>>, vector<16xf32>,
      %sub3A_860 = arith.subf %gather3A_855, %get3A_859 : vector<16xf32>
      %mul3A_861 = arith.mulf %sub3A_860, %sub3A_860 : vector<16xf32>
      %add3A_862 = arith.addf %add3A_851, %mul3A_861 : vector<16xf32>
      %add3A_863 = arith.constant 256 : i32
      %add3A_864 = vector.broadcast %add3A_863 : i32 to vector<16xi32>
      %add3A_865 = arith.addi %get3A_816, %add3A_864 : vector<16xi32>
      %gather3A_866 = tpu.vector_load_idx %arg13[%add3A_865] : memref<512xf32, #tpu.memory_space<vmem>>[vector<16xi32>], vector<16xf32>,
      %get3A_867 = arith.constant 4 : i32
      %get3A_868 = arith.index_cast %get3A_867 : i32 to index
      %get3A_869 = arith.index_cast %add3A_814 : i32 to index
      %get3A_870 = tpu.vector_load %arg6[%get3A_868, %get3A_869] {strides = array<i32>} : memref<8x2304xf32, #tpu.memory_space<vmem>>, vector<16xf32>,
      %sub3A_871 = arith.subf %gather3A_866, %get3A_870 : vector<16xf32>
      %mul3A_872 = arith.mulf %sub3A_871, %sub3A_871 : vector<16xf32>
      %add3A_873 = arith.addf %add3A_862, %mul3A_872 : vector<16xf32>
      %add3A_874 = arith.constant 320 : i32
      %add3A_875 = vector.broadcast %add3A_874 : i32 to vector<16xi32>
      %add3A_876 = arith.addi %get3A_816, %add3A_875 : vector<16xi32>
      %gather3A_877 = tpu.vector_load_idx %arg13[%add3A_876] : memref<512xf32, #tpu.memory_space<vmem>>[vector<16xi32>], vector<16xf32>,
      %get3A_878 = arith.constant 5 : i32
      %get3A_879 = arith.index_cast %get3A_878 : i32 to index
      %get3A_880 = arith.index_cast %add3A_814 : i32 to index
      %get3A_881 = tpu.vector_load %arg6[%get3A_879, %get3A_880] {strides = array<i32>} : memref<8x2304xf32, #tpu.memory_space<vmem>>, vector<16xf32>,
      %sub3A_882 = arith.subf %gather3A_877, %get3A_881 : vector<16xf32>
      %mul3A_883 = arith.mulf %sub3A_882, %sub3A_882 : vector<16xf32>
      %add3A_884 = arith.addf %add3A_873, %mul3A_883 : vector<16xf32>
      %add3A_885 = arith.constant 384 : i32
      %add3A_886 = vector.broadcast %add3A_885 : i32 to vector<16xi32>
      %add3A_887 = arith.addi %get3A_816, %add3A_886 : vector<16xi32>
      %gather3A_888 = tpu.vector_load_idx %arg13[%add3A_887] : memref<512xf32, #tpu.memory_space<vmem>>[vector<16xi32>], vector<16xf32>,
      %get3A_889 = arith.constant 6 : i32
      %get3A_890 = arith.index_cast %get3A_889 : i32 to index
      %get3A_891 = arith.index_cast %add3A_814 : i32 to index
      %get3A_892 = tpu.vector_load %arg6[%get3A_890, %get3A_891] {strides = array<i32>} : memref<8x2304xf32, #tpu.memory_space<vmem>>, vector<16xf32>,
      %sub3A_893 = arith.subf %gather3A_888, %get3A_892 : vector<16xf32>
      %mul3A_894 = arith.mulf %sub3A_893, %sub3A_893 : vector<16xf32>
      %add3A_895 = arith.addf %add3A_884, %mul3A_894 : vector<16xf32>
      %add3A_896 = arith.constant 448 : i32
      %add3A_897 = vector.broadcast %add3A_896 : i32 to vector<16xi32>
      %add3A_898 = arith.addi %get3A_816, %add3A_897 : vector<16xi32>
      %gather3A_899 = tpu.vector_load_idx %arg13[%add3A_898] : memref<512xf32, #tpu.memory_space<vmem>>[vector<16xi32>], vector<16xf32>,
      %get3A_900 = arith.constant 7 : i32
      %get3A_901 = arith.index_cast %get3A_900 : i32 to index
      %get3A_902 = arith.index_cast %add3A_814 : i32 to index
      %get3A_903 = tpu.vector_load %arg6[%get3A_901, %get3A_902] {strides = array<i32>} : memref<8x2304xf32, #tpu.memory_space<vmem>>, vector<16xf32>,
      %sub3A_904 = arith.subf %gather3A_899, %get3A_903 : vector<16xf32>
      %mul3A_905 = arith.mulf %sub3A_904, %sub3A_904 : vector<16xf32>
      %add3A_906 = arith.addf %add3A_895, %mul3A_905 : vector<16xf32>
      %bitcast3A_907 = vector.bitcast %add3A_906 : vector<16xf32> to vector<16xi32>
      %shift_right_arithmetic3A_908 = arith.constant 1 : i32
      %shift_right_arithmetic3A_909 = vector.broadcast %shift_right_arithmetic3A_908 : i32 to vector<16xi32>
      %shift_right_arithmetic3A_910 = arith.shrsi %bitcast3A_907, %shift_right_arithmetic3A_909 : vector<16xi32>
      %sub3A_911 = arith.constant 1597463007 : i32
      %sub3A_912 = vector.broadcast %sub3A_911 : i32 to vector<16xi32>
      %sub3A_913 = arith.subi %sub3A_912, %shift_right_arithmetic3A_910 : vector<16xi32>
      %bitcast3A_914 = vector.bitcast %sub3A_913 : vector<16xi32> to vector<16xf32>
      %mul3A_915 = arith.constant 5.000000e-01 : f32
      %mul3A_916 = vector.broadcast %mul3A_915 : f32 to vector<16xf32>
      %mul3A_917 = arith.mulf %mul3A_916, %add3A_906 : vector<16xf32>
      %mul3A_918 = arith.mulf %mul3A_917, %bitcast3A_914 : vector<16xf32>
      %mul3A_919 = arith.mulf %mul3A_918, %bitcast3A_914 : vector<16xf32>
      %sub3A_920 = arith.constant 1.500000e+00 : f32
      %sub3A_921 = vector.broadcast %sub3A_920 : f32 to vector<16xf32>
      %sub3A_922 = arith.subf %sub3A_921, %mul3A_919 : vector<16xf32>
      %mul3A_923 = arith.mulf %bitcast3A_914, %sub3A_922 : vector<16xf32>
      %mul3A_924 = arith.constant 5.000000e-01 : f32
      %mul3A_925 = vector.broadcast %mul3A_924 : f32 to vector<16xf32>
      %mul3A_926 = arith.mulf %mul3A_925, %add3A_906 : vector<16xf32>
      %mul3A_927 = arith.mulf %mul3A_926, %mul3A_923 : vector<16xf32>
      %mul3A_928 = arith.mulf %mul3A_927, %mul3A_923 : vector<16xf32>
      %sub3A_929 = arith.constant 1.500000e+00 : f32
      %sub3A_930 = vector.broadcast %sub3A_929 : f32 to vector<16xf32>
      %sub3A_931 = arith.subf %sub3A_930, %mul3A_928 : vector<16xf32>
      %mul3A_932 = arith.mulf %mul3A_923, %sub3A_931 : vector<16xf32>
      %mul3A_933 = arith.constant 5.000000e-01 : f32
      %mul3A_934 = vector.broadcast %mul3A_933 : f32 to vector<16xf32>
      %mul3A_935 = arith.mulf %mul3A_934, %add3A_906 : vector<16xf32>
      %mul3A_936 = arith.mulf %mul3A_935, %mul3A_932 : vector<16xf32>
      %mul3A_937 = arith.mulf %mul3A_936, %mul3A_932 : vector<16xf32>
      %sub3A_938 = arith.constant 1.500000e+00 : f32
      %sub3A_939 = vector.broadcast %sub3A_938 : f32 to vector<16xf32>
      %sub3A_940 = arith.subf %sub3A_939, %mul3A_937 : vector<16xf32>
      %mul3A_941 = arith.mulf %mul3A_932, %sub3A_940 : vector<16xf32>
      %mul3A_942 = arith.mulf %add3A_906, %mul3A_941 : vector<16xf32>
      %gather3A_943 = tpu.vector_load_idx %arg14[%get3A_816] : memref<64xf32, #tpu.memory_space<vmem>>[vector<16xi32>], vector<16xf32>,
      %sub3A_944 = arith.constant 1.000000e-01 : f32
      %sub3A_945 = vector.broadcast %sub3A_944 : f32 to vector<16xf32>
      %sub3A_946 = arith.subf %mul3A_942, %sub3A_945 : vector<16xf32>
      %max3A_947 = arith.constant 0.000000e+00 : f32
      %max3A_948 = vector.broadcast %max3A_947 : f32 to vector<16xf32>
      %max3A_949 = arith.maximumf %sub3A_946, %max3A_948 : vector<16xf32>
      %mul3A_950 = arith.mulf %max3A_949, %gather3A_943 : vector<16xf32>
      %add3A_951 = arith.addf %add3A_810, %mul3A_950 : vector<16xf32>
      scf.yield %add3A_951 : vector<16xf32>
    }
    %scan3A_235 = arith.constant 36 : i32
    tpu.wait_dma2 semaphore(%arg21 : memref<!tpu.dma_semaphore, #tpu.memory_space<semaphore_mem>>) src(%arg4 : memref<512xi32, #tpu.memory_space<hbm>>) dst(%arg8 : memref<512xi32, #tpu.memory_space<vmem>>)
    %mul3A_236 = arith.constant 16 : i32
    %mul3A_237 = arith.muli %arg1, %mul3A_236 : i32
    %get3A_238 = arith.index_cast %mul3A_237 : i32 to index
    %get3A_239 = tpu.vector_load %arg8[%get3A_238] {strides = array<i32>} : memref<512xi32, #tpu.memory_space<vmem>>, vector<16xi32>,
    %mul3A_240 = arith.constant 16 : i32
    %mul3A_241 = arith.muli %arg1, %mul3A_240 : i32
    %add3A = arith.constant 256 : i32
    %add3A_242 = arith.addi %add3A, %mul3A_241 : i32
    %get3A_243 = arith.index_cast %add3A_242 : i32 to index
    %get3A_244 = tpu.vector_load %arg8[%get3A_243] {strides = array<i32>} : memref<512xi32, #tpu.memory_space<vmem>>, vector<16xi32>,
    %broadcast_in_dim3A_245 = arith.constant 9.99999996E-13 : f32
    %broadcast_in_dim3A_246 = vector.broadcast %broadcast_in_dim3A_245 : f32 to vector<16xf32>
    %add3A_247 = arith.constant 0 : i32
    %add3A_248 = vector.broadcast %add3A_247 : i32 to vector<16xi32>
    %add3A_249 = arith.addi %get3A_239, %add3A_248 : vector<16xi32>
    %gather3A = tpu.vector_load_idx %arg13[%add3A_249] : memref<512xf32, #tpu.memory_space<vmem>>[vector<16xi32>], vector<16xf32>,
    %add3A_250 = arith.constant 0 : i32
    %add3A_251 = vector.broadcast %add3A_250 : i32 to vector<16xi32>
    %add3A_252 = arith.addi %get3A_244, %add3A_251 : vector<16xi32>
    %gather3A_253 = tpu.vector_load_idx %arg13[%add3A_252] : memref<512xf32, #tpu.memory_space<vmem>>[vector<16xi32>], vector<16xf32>,
    %sub3A = arith.subf %gather3A, %gather3A_253 : vector<16xf32>
    %mul3A_254 = arith.mulf %sub3A, %sub3A : vector<16xf32>
    %add3A_255 = arith.addf %broadcast_in_dim3A_246, %mul3A_254 : vector<16xf32>
    %add3A_256 = arith.constant 64 : i32
    %add3A_257 = vector.broadcast %add3A_256 : i32 to vector<16xi32>
    %add3A_258 = arith.addi %get3A_239, %add3A_257 : vector<16xi32>
    %gather3A_259 = tpu.vector_load_idx %arg13[%add3A_258] : memref<512xf32, #tpu.memory_space<vmem>>[vector<16xi32>], vector<16xf32>,
    %add3A_260 = arith.constant 64 : i32
    %add3A_261 = vector.broadcast %add3A_260 : i32 to vector<16xi32>
    %add3A_262 = arith.addi %get3A_244, %add3A_261 : vector<16xi32>
    %gather3A_263 = tpu.vector_load_idx %arg13[%add3A_262] : memref<512xf32, #tpu.memory_space<vmem>>[vector<16xi32>], vector<16xf32>,
    %sub3A_264 = arith.subf %gather3A_259, %gather3A_263 : vector<16xf32>
    %mul3A_265 = arith.mulf %sub3A_264, %sub3A_264 : vector<16xf32>
    %add3A_266 = arith.addf %add3A_255, %mul3A_265 : vector<16xf32>
    %add3A_267 = arith.constant 128 : i32
    %add3A_268 = vector.broadcast %add3A_267 : i32 to vector<16xi32>
    %add3A_269 = arith.addi %get3A_239, %add3A_268 : vector<16xi32>
    %gather3A_270 = tpu.vector_load_idx %arg13[%add3A_269] : memref<512xf32, #tpu.memory_space<vmem>>[vector<16xi32>], vector<16xf32>,
    %add3A_271 = arith.constant 128 : i32
    %add3A_272 = vector.broadcast %add3A_271 : i32 to vector<16xi32>
    %add3A_273 = arith.addi %get3A_244, %add3A_272 : vector<16xi32>
    %gather3A_274 = tpu.vector_load_idx %arg13[%add3A_273] : memref<512xf32, #tpu.memory_space<vmem>>[vector<16xi32>], vector<16xf32>,
    %sub3A_275 = arith.subf %gather3A_270, %gather3A_274 : vector<16xf32>
    %mul3A_276 = arith.mulf %sub3A_275, %sub3A_275 : vector<16xf32>
    %add3A_277 = arith.addf %add3A_266, %mul3A_276 : vector<16xf32>
    %add3A_278 = arith.constant 192 : i32
    %add3A_279 = vector.broadcast %add3A_278 : i32 to vector<16xi32>
    %add3A_280 = arith.addi %get3A_239, %add3A_279 : vector<16xi32>
    %gather3A_281 = tpu.vector_load_idx %arg13[%add3A_280] : memref<512xf32, #tpu.memory_space<vmem>>[vector<16xi32>], vector<16xf32>,
    %add3A_282 = arith.constant 192 : i32
    %add3A_283 = vector.broadcast %add3A_282 : i32 to vector<16xi32>
    %add3A_284 = arith.addi %get3A_244, %add3A_283 : vector<16xi32>
    %gather3A_285 = tpu.vector_load_idx %arg13[%add3A_284] : memref<512xf32, #tpu.memory_space<vmem>>[vector<16xi32>], vector<16xf32>,
    %sub3A_286 = arith.subf %gather3A_281, %gather3A_285 : vector<16xf32>
    %mul3A_287 = arith.mulf %sub3A_286, %sub3A_286 : vector<16xf32>
    %add3A_288 = arith.addf %add3A_277, %mul3A_287 : vector<16xf32>
    %add3A_289 = arith.constant 256 : i32
    %add3A_290 = vector.broadcast %add3A_289 : i32 to vector<16xi32>
    %add3A_291 = arith.addi %get3A_239, %add3A_290 : vector<16xi32>
    %gather3A_292 = tpu.vector_load_idx %arg13[%add3A_291] : memref<512xf32, #tpu.memory_space<vmem>>[vector<16xi32>], vector<16xf32>,
    %add3A_293 = arith.constant 256 : i32
    %add3A_294 = vector.broadcast %add3A_293 : i32 to vector<16xi32>
    %add3A_295 = arith.addi %get3A_244, %add3A_294 : vector<16xi32>
    %gather3A_296 = tpu.vector_load_idx %arg13[%add3A_295] : memref<512xf32, #tpu.memory_space<vmem>>[vector<16xi32>], vector<16xf32>,
    %sub3A_297 = arith.subf %gather3A_292, %gather3A_296 : vector<16xf32>
    %mul3A_298 = arith.mulf %sub3A_297, %sub3A_297 : vector<16xf32>
    %add3A_299 = arith.addf %add3A_288, %mul3A_298 : vector<16xf32>
    %add3A_300 = arith.constant 320 : i32
    %add3A_301 = vector.broadcast %add3A_300 : i32 to vector<16xi32>
    %add3A_302 = arith.addi %get3A_239, %add3A_301 : vector<16xi32>
    %gather3A_303 = tpu.vector_load_idx %arg13[%add3A_302] : memref<512xf32, #tpu.memory_space<vmem>>[vector<16xi32>], vector<16xf32>,
    %add3A_304 = arith.constant 320 : i32
    %add3A_305 = vector.broadcast %add3A_304 : i32 to vector<16xi32>
    %add3A_306 = arith.addi %get3A_244, %add3A_305 : vector<16xi32>
    %gather3A_307 = tpu.vector_load_idx %arg13[%add3A_306] : memref<512xf32, #tpu.memory_space<vmem>>[vector<16xi32>], vector<16xf32>,
    %sub3A_308 = arith.subf %gather3A_303, %gather3A_307 : vector<16xf32>
    %mul3A_309 = arith.mulf %sub3A_308, %sub3A_308 : vector<16xf32>
    %add3A_310 = arith.addf %add3A_299, %mul3A_309 : vector<16xf32>
    %add3A_311 = arith.constant 384 : i32
    %add3A_312 = vector.broadcast %add3A_311 : i32 to vector<16xi32>
    %add3A_313 = arith.addi %get3A_239, %add3A_312 : vector<16xi32>
    %gather3A_314 = tpu.vector_load_idx %arg13[%add3A_313] : memref<512xf32, #tpu.memory_space<vmem>>[vector<16xi32>], vector<16xf32>,
    %add3A_315 = arith.constant 384 : i32
    %add3A_316 = vector.broadcast %add3A_315 : i32 to vector<16xi32>
    %add3A_317 = arith.addi %get3A_244, %add3A_316 : vector<16xi32>
    %gather3A_318 = tpu.vector_load_idx %arg13[%add3A_317] : memref<512xf32, #tpu.memory_space<vmem>>[vector<16xi32>], vector<16xf32>,
    %sub3A_319 = arith.subf %gather3A_314, %gather3A_318 : vector<16xf32>
    %mul3A_320 = arith.mulf %sub3A_319, %sub3A_319 : vector<16xf32>
    %add3A_321 = arith.addf %add3A_310, %mul3A_320 : vector<16xf32>
    %add3A_322 = arith.constant 448 : i32
    %add3A_323 = vector.broadcast %add3A_322 : i32 to vector<16xi32>
    %add3A_324 = arith.addi %get3A_239, %add3A_323 : vector<16xi32>
    %gather3A_325 = tpu.vector_load_idx %arg13[%add3A_324] : memref<512xf32, #tpu.memory_space<vmem>>[vector<16xi32>], vector<16xf32>,
    %add3A_326 = arith.constant 448 : i32
    %add3A_327 = vector.broadcast %add3A_326 : i32 to vector<16xi32>
    %add3A_328 = arith.addi %get3A_244, %add3A_327 : vector<16xi32>
    %gather3A_329 = tpu.vector_load_idx %arg13[%add3A_328] : memref<512xf32, #tpu.memory_space<vmem>>[vector<16xi32>], vector<16xf32>,
    %sub3A_330 = arith.subf %gather3A_325, %gather3A_329 : vector<16xf32>
    %mul3A_331 = arith.mulf %sub3A_330, %sub3A_330 : vector<16xf32>
    %add3A_332 = arith.addf %add3A_321, %mul3A_331 : vector<16xf32>
    %bitcast3A = vector.bitcast %add3A_332 : vector<16xf32> to vector<16xi32>
    %shift_right_arithmetic3A = arith.constant 1 : i32
    %shift_right_arithmetic3A_333 = vector.broadcast %shift_right_arithmetic3A : i32 to vector<16xi32>
    %shift_right_arithmetic3A_334 = arith.shrsi %bitcast3A, %shift_right_arithmetic3A_333 : vector<16xi32>
    %sub3A_335 = arith.constant 1597463007 : i32
    %sub3A_336 = vector.broadcast %sub3A_335 : i32 to vector<16xi32>
    %sub3A_337 = arith.subi %sub3A_336, %shift_right_arithmetic3A_334 : vector<16xi32>
    %bitcast3A_338 = vector.bitcast %sub3A_337 : vector<16xi32> to vector<16xf32>
    %mul3A_339 = arith.constant 5.000000e-01 : f32
    %mul3A_340 = vector.broadcast %mul3A_339 : f32 to vector<16xf32>
    %mul3A_341 = arith.mulf %mul3A_340, %add3A_332 : vector<16xf32>
    %mul3A_342 = arith.mulf %mul3A_341, %bitcast3A_338 : vector<16xf32>
    %mul3A_343 = arith.mulf %mul3A_342, %bitcast3A_338 : vector<16xf32>
    %sub3A_344 = arith.constant 1.500000e+00 : f32
    %sub3A_345 = vector.broadcast %sub3A_344 : f32 to vector<16xf32>
    %sub3A_346 = arith.subf %sub3A_345, %mul3A_343 : vector<16xf32>
    %mul3A_347 = arith.mulf %bitcast3A_338, %sub3A_346 : vector<16xf32>
    %mul3A_348 = arith.constant 5.000000e-01 : f32
    %mul3A_349 = vector.broadcast %mul3A_348 : f32 to vector<16xf32>
    %mul3A_350 = arith.mulf %mul3A_349, %add3A_332 : vector<16xf32>
    %mul3A_351 = arith.mulf %mul3A_350, %mul3A_347 : vector<16xf32>
    %mul3A_352 = arith.mulf %mul3A_351, %mul3A_347 : vector<16xf32>
    %sub3A_353 = arith.constant 1.500000e+00 : f32
    %sub3A_354 = vector.broadcast %sub3A_353 : f32 to vector<16xf32>
    %sub3A_355 = arith.subf %sub3A_354, %mul3A_352 : vector<16xf32>
    %mul3A_356 = arith.mulf %mul3A_347, %sub3A_355 : vector<16xf32>
    %mul3A_357 = arith.constant 5.000000e-01 : f32
    %mul3A_358 = vector.broadcast %mul3A_357 : f32 to vector<16xf32>
    %mul3A_359 = arith.mulf %mul3A_358, %add3A_332 : vector<16xf32>
    %mul3A_360 = arith.mulf %mul3A_359, %mul3A_356 : vector<16xf32>
    %mul3A_361 = arith.mulf %mul3A_360, %mul3A_356 : vector<16xf32>
    %sub3A_362 = arith.constant 1.500000e+00 : f32
    %sub3A_363 = vector.broadcast %sub3A_362 : f32 to vector<16xf32>
    %sub3A_364 = arith.subf %sub3A_363, %mul3A_361 : vector<16xf32>
    %mul3A_365 = arith.mulf %mul3A_356, %sub3A_364 : vector<16xf32>
    %mul3A_366 = arith.mulf %add3A_332, %mul3A_365 : vector<16xf32>
    %sub3A_367 = arith.constant 2.000000e+00 : f32
    %sub3A_368 = vector.broadcast %sub3A_367 : f32 to vector<16xf32>
    %sub3A_369 = arith.subf %sub3A_368, %mul3A_366 : vector<16xf32>
    %max3A = arith.constant 0.000000e+00 : f32
    %max3A_370 = vector.broadcast %max3A : f32 to vector<16xf32>
    %max3A_371 = arith.maximumf %sub3A_369, %max3A_370 : vector<16xf32>
    %mul3A_372 = arith.constant 1.562500e-02 : f32
    %mul3A_373 = vector.broadcast %mul3A_372 : f32 to vector<16xf32>
    %mul3A_374 = arith.mulf %scan3A_234, %mul3A_373 : vector<16xf32>
    %mul3A_375 = arith.constant 3.906250e-03 : f32
    %mul3A_376 = vector.broadcast %mul3A_375 : f32 to vector<16xf32>
    %mul3A_377 = arith.mulf %max3A_371, %mul3A_376 : vector<16xf32>
    %add3A_378 = arith.addf %mul3A_374, %mul3A_377 : vector<16xf32>
    %swap3A_379 = arith.constant 0 : index
    %swap3A_380 = tpu.vector_load %arg15[%swap3A_379] {strides = array<i32>} : memref<16xf32, #tpu.memory_space<vmem>>, vector<16xf32>,
    tpu.vector_store %arg15[%swap3A_379], %add3A_378 {strides = array<i32>} : memref<16xf32, #tpu.memory_space<vmem>>, vector<16xf32>,
    %mul3A_381 = arith.constant 16 : i32
    %mul3A_382 = arith.muli %arg1, %mul3A_381 : i32
    "tpu.region"() ({
      %run_scoped3A = tpu.sem_alloc : memref<!tpu.dma_semaphore, #tpu.memory_space<semaphore_mem>>
      %dma_start3A_386 = tpu.memref_slice %arg16[%mul3A_382] : memref<256xf32, #tpu.memory_space<vmem_shared>> -> memref<16xf32, #tpu.memory_space<vmem_shared>>
      %dma_start3A_387 = tpu.memref_slice %arg16[%mul3A_382] : memref<256xf32, #tpu.memory_space<vmem_shared>> -> memref<16xf32, #tpu.memory_space<vmem_shared>>
      tpu.enqueue_dma source(%arg15 : memref<16xf32, #tpu.memory_space<vmem>>) target(%dma_start3A_387 : memref<16xf32, #tpu.memory_space<vmem_shared>>) target_semaphore(%run_scoped3A : memref<!tpu.dma_semaphore, #tpu.memory_space<semaphore_mem>>)
      %dma_wait3A_388 = tpu.memref_slice %arg16[%mul3A_382] : memref<256xf32, #tpu.memory_space<vmem_shared>> -> memref<16xf32, #tpu.memory_space<vmem_shared>>
      %dma_wait3A_389 = tpu.memref_slice %arg16[%mul3A_382] : memref<256xf32, #tpu.memory_space<vmem_shared>> -> memref<16xf32, #tpu.memory_space<vmem_shared>>
      tpu.wait_dma2 semaphore(%run_scoped3A : memref<!tpu.dma_semaphore, #tpu.memory_space<semaphore_mem>>) src(%arg15 : memref<16xf32, #tpu.memory_space<vmem>>) dst(%dma_wait3A_389 : memref<16xf32, #tpu.memory_space<vmem_shared>>)
      tpu.yield
    }) : () -> ()
    %barrier3A_383 = arith.constant 0 : index
    tpu.barrier barrier_id(%barrier3A_383)
    %eq3A = arith.constant 0 : i32
    %eq3A_384 = arith.cmpi eq, %arg1, %eq3A : i32
    %convert_element_type3A = arith.extui %eq3A_384 : i1 to i32
    %cond3A = arith.constant 0 : i32
    %cond3A_385 = arith.cmpi ne, %convert_element_type3A, %cond3A : i32
    scf.if %cond3A_385 {
      "tpu.region"() ({
        %run_scoped3A = tpu.sem_alloc : memref<!tpu.dma_semaphore, #tpu.memory_space<semaphore_mem>>
        tpu.enqueue_dma source(%arg16 : memref<256xf32, #tpu.memory_space<vmem_shared>>) target(%arg17 : memref<256xf32, #tpu.memory_space<vmem>>) target_semaphore(%run_scoped3A : memref<!tpu.dma_semaphore, #tpu.memory_space<semaphore_mem>>)
        tpu.wait_dma2 semaphore(%run_scoped3A : memref<!tpu.dma_semaphore, #tpu.memory_space<semaphore_mem>>) src(%arg16 : memref<256xf32, #tpu.memory_space<vmem_shared>>) dst(%arg17 : memref<256xf32, #tpu.memory_space<vmem>>)
        tpu.yield
      }) : () -> ()
      %get3A_386 = arith.constant 0 : index
      %get3A_387 = tpu.vector_load %arg17[%get3A_386] {strides = array<i32>} : memref<256xf32, #tpu.memory_space<vmem>>, vector<16xf32>,
      %add3A_388 = arith.addf %broadcast_in_dim3A_0, %get3A_387 : vector<16xf32>
      %get3A_389 = arith.constant 16 : index
      %get3A_390 = tpu.vector_load %arg17[%get3A_389] {strides = array<i32>} : memref<256xf32, #tpu.memory_space<vmem>>, vector<16xf32>,
      %add3A_391 = arith.addf %add3A_388, %get3A_390 : vector<16xf32>
      %get3A_392 = arith.constant 32 : index
      %get3A_393 = tpu.vector_load %arg17[%get3A_392] {strides = array<i32>} : memref<256xf32, #tpu.memory_space<vmem>>, vector<16xf32>,
      %add3A_394 = arith.addf %add3A_391, %get3A_393 : vector<16xf32>
      %get3A_395 = arith.constant 48 : index
      %get3A_396 = tpu.vector_load %arg17[%get3A_395] {strides = array<i32>} : memref<256xf32, #tpu.memory_space<vmem>>, vector<16xf32>,
      %add3A_397 = arith.addf %add3A_394, %get3A_396 : vector<16xf32>
      %get3A_398 = arith.constant 64 : index
      %get3A_399 = tpu.vector_load %arg17[%get3A_398] {strides = array<i32>} : memref<256xf32, #tpu.memory_space<vmem>>, vector<16xf32>,
      %add3A_400 = arith.addf %add3A_397, %get3A_399 : vector<16xf32>
      %get3A_401 = arith.constant 80 : index
      %get3A_402 = tpu.vector_load %arg17[%get3A_401] {strides = array<i32>} : memref<256xf32, #tpu.memory_space<vmem>>, vector<16xf32>,
      %add3A_403 = arith.addf %add3A_400, %get3A_402 : vector<16xf32>
      %get3A_404 = arith.constant 96 : index
      %get3A_405 = tpu.vector_load %arg17[%get3A_404] {strides = array<i32>} : memref<256xf32, #tpu.memory_space<vmem>>, vector<16xf32>,
      %add3A_406 = arith.addf %add3A_403, %get3A_405 : vector<16xf32>
      %get3A_407 = arith.constant 112 : index
      %get3A_408 = tpu.vector_load %arg17[%get3A_407] {strides = array<i32>} : memref<256xf32, #tpu.memory_space<vmem>>, vector<16xf32>,
      %add3A_409 = arith.addf %add3A_406, %get3A_408 : vector<16xf32>
      %get3A_410 = arith.constant 128 : index
      %get3A_411 = tpu.vector_load %arg17[%get3A_410] {strides = array<i32>} : memref<256xf32, #tpu.memory_space<vmem>>, vector<16xf32>,
      %add3A_412 = arith.addf %add3A_409, %get3A_411 : vector<16xf32>
      %get3A_413 = arith.constant 144 : index
      %get3A_414 = tpu.vector_load %arg17[%get3A_413] {strides = array<i32>} : memref<256xf32, #tpu.memory_space<vmem>>, vector<16xf32>,
      %add3A_415 = arith.addf %add3A_412, %get3A_414 : vector<16xf32>
      %get3A_416 = arith.constant 160 : index
      %get3A_417 = tpu.vector_load %arg17[%get3A_416] {strides = array<i32>} : memref<256xf32, #tpu.memory_space<vmem>>, vector<16xf32>,
      %add3A_418 = arith.addf %add3A_415, %get3A_417 : vector<16xf32>
      %get3A_419 = arith.constant 176 : index
      %get3A_420 = tpu.vector_load %arg17[%get3A_419] {strides = array<i32>} : memref<256xf32, #tpu.memory_space<vmem>>, vector<16xf32>,
      %add3A_421 = arith.addf %add3A_418, %get3A_420 : vector<16xf32>
      %get3A_422 = arith.constant 192 : index
      %get3A_423 = tpu.vector_load %arg17[%get3A_422] {strides = array<i32>} : memref<256xf32, #tpu.memory_space<vmem>>, vector<16xf32>,
      %add3A_424 = arith.addf %add3A_421, %get3A_423 : vector<16xf32>
      %get3A_425 = arith.constant 208 : index
      %get3A_426 = tpu.vector_load %arg17[%get3A_425] {strides = array<i32>} : memref<256xf32, #tpu.memory_space<vmem>>, vector<16xf32>,
      %add3A_427 = arith.addf %add3A_424, %get3A_426 : vector<16xf32>
      %get3A_428 = arith.constant 224 : index
      %get3A_429 = tpu.vector_load %arg17[%get3A_428] {strides = array<i32>} : memref<256xf32, #tpu.memory_space<vmem>>, vector<16xf32>,
      %add3A_430 = arith.addf %add3A_427, %get3A_429 : vector<16xf32>
      %get3A_431 = arith.constant 240 : index
      %get3A_432 = tpu.vector_load %arg17[%get3A_431] {strides = array<i32>} : memref<256xf32, #tpu.memory_space<vmem>>, vector<16xf32>,
      %add3A_433 = arith.addf %add3A_430, %get3A_432 : vector<16xf32>
      %reduce_sum3A = arith.constant true
      %reduce_sum3A_434 = vector.broadcast %reduce_sum3A : i1 to vector<16xi1>
      %reduce_sum3A_435 = tpu.scan <sum>, %add3A_433 masked %reduce_sum3A_434 : vector<16xf32>, vector<16xi1> -> vector<16xf32>
      %reduce_sum3A_436 = vector.extract %reduce_sum3A_435[15] : f32 from vector<16xf32>
      %broadcast_in_dim3A_437 = vector.broadcast %reduce_sum3A_436 : f32 to vector<16xf32>
      %swap3A_438 = arith.constant 0 : index
      %swap3A_439 = tpu.vector_load %arg18[%swap3A_438] {strides = array<i32>} : memref<16xf32, #tpu.memory_space<vmem>>, vector<16xf32>,
      tpu.vector_store %arg18[%swap3A_438], %broadcast_in_dim3A_437 {strides = array<i32>} : memref<16xf32, #tpu.memory_space<vmem>>, vector<16xf32>,
      "tpu.region"() ({
        %run_scoped3A = tpu.sem_alloc : memref<!tpu.dma_semaphore, #tpu.memory_space<semaphore_mem>>
        tpu.enqueue_dma source(%arg18 : memref<16xf32, #tpu.memory_space<vmem>>) target(%arg5 : memref<16xf32, #tpu.memory_space<hbm>>) target_semaphore(%run_scoped3A : memref<!tpu.dma_semaphore, #tpu.memory_space<semaphore_mem>>)
        tpu.wait_dma2 semaphore(%run_scoped3A : memref<!tpu.dma_semaphore, #tpu.memory_space<semaphore_mem>>) src(%arg18 : memref<16xf32, #tpu.memory_space<vmem>>) dst(%arg5 : memref<16xf32, #tpu.memory_space<hbm>>)
        tpu.yield
      }) : () -> ()
    } else {
    }
    return
  }
}

</mosaic_0001>

<sc_bundles>
// kernel: kernel.3.cloned.1.call-start
scs
__scs_entry_jumppad:
0x0: {  	(pc) =	sbr.rel $0x88, $3  }
0x1: {  	(tag) =	ssettag $0x0;
	lr =	simm.s32 $0x1  }
0x2: {  	[smem:$0x3F9E] =	sst lr;
	_ =	strace $0xD0000000  }
0x3: {  	_ = 	snop  }
0x4: {  	_ = 	snop  }
0x5: {  	_ = 	snop  }
0x6: {  	_ = 	snop  }
0x7: {  	_ = 	snop  }
__scs_overlays_trampoline_lowered:
0x8: {  	[smem:$0x3FAD] =	sst s0  }
0x9: {  	[smem:$0x3FAE] =	sst s1  }
0xa: {  	[smem:$0x3FAF] =	sst s2  }
0xb: {  	[smem:$0x3FB0] =	sst s3  }
0xc: {  	[smem:$0x3FB1] =	sst s4  }
0xd: {  	[smem:$0x3FB2] =	sst s5  }
0xe: {  	[smem:$0x3FB3] =	sst s6  }
0xf: {  	[smem:$0x3FB4] =	sst s7  }
0x10: {  	[smem:$0x3FB5] =	sst s8  }
0x11: {  	[smem:$0x3FB6] =	sst s9;
	s0 =	simm.s32 @!p0 $0x0  }
0x12: {  	s1 =	sld [smem:$0x3F9C];
	s0 =	simm.s32 @p0 $0x1  }
0x13: {  	[smem:$0x3FB7] =	sst s0;
	s0 =	simm.s32 @!p1 $0x0  }
0x14: {  	s2 =	sld [smem:$0x3F9B];
	s0 =	simm.s32 @p1 $0x1  }
0x15: {  	[smem:$0x3FB8] =	sst s0;
	s0 =	simm.s32 @!p2 $0x0  }
0x16: {  	s3 =	sld [smem:$0x3FDB];
	s0 =	simm.s32 @p2 $0x1  }
0x17: {  	s4 =	simm.s32 $0x1BF5;
	[smem:$0x3FBA] =	sst s0  }
0x18: {  	s0 =	sld [smem:$0x3F9D];
	_ =	swait.ge [sflag:s4], $0x0  }
0x19: {  	s7 =	sld [smem:$0x3F9E]  }
0x1a: {  	s8 =	sadd.s32 $0xFFFFE003, lr  }
0x1b: {  	s9 =	sadd.s32 $0xFFFFFEF7, lr;
	s5 =	simm.s32 $0xFFFFFFFF;
	p2 =	slt.u32 s8, $0xFFFFF086  }
0x1c: {  	p1 =	slt.u32 s9, $0xF7A;
	s5 =	simm.s32 @!p2 $0x0  }
0x1d: {  	s5 =	simm.s32 @p1 $0x1;
	p0 =	seq.s32 s7, s2  }
0x1e: {  	s7 =	smul.u32 @!p0 $0xF7A, s2;
	p2 =	seq.s32 @!p0 s5, $0x0  }
0x1f: {  	s9 =	smul.u32 $0xF7A, s1;
	s8 =	simm.s32 @!p0 $0x1BF5;
	p2 =	por !p2, p0  }
0x20: {  	[sflag:s8] =	ssyncset.s32 @!p0 $0xFFFFF086;
	s6 =	sadd.s32 @!p0 s3, s7;
	s7 =	simm.s32 @!p0 $0x108  }
0x21: {  	s3 =	sadd.s32 s3, s9;
	s6 =	sadd.s32 @!p0 $0x88, s6;
	s7 =	simm.s32 @p2 $0x1082  }
0x22: {  	[simem:s7], [sflag:s8] =	dma.local @!p0 [hbm:s6], $0xF7A  }
0x23: {  	s9 =	sor.u32 $0xD0000000, s2;
	s6 =	simm.s32 $0x108;
	_ =	swait.ge @!p0 [sflag:s8], $0x0  }
0x24: {  	s3 =	sadd.s32 $0x88, s3;
	s6 =	simm.s32 @!p1 $0x1082;
	[sflag:s4] =	ssyncset.s32 $0xFFFFF086  }
0x25: {  	[simem:s6], [sflag:s4] =	dma.local [hbm:s3], $0xF7A  }
0x26: {  	[smem:$0x3F9E] =	sst s1;
	(tag) =	ssettag s2;
	_ =	strace s9  }
0x27: {  	s1 =	sld [smem:$0x3FAE]  }
0x28: {  	s2 =	sld [smem:$0x3FAF]  }
0x29: {  	s4 =	sld [smem:$0x3FB1]  }
0x2a: {  	p0 =	seq.s32 s5, $0x0;
	s5 =	sld [smem:$0x3FB2]  }
0x2b: {  	s6 =	sld [smem:$0x3FB3]  }
0x2c: {  	s7 =	sld [smem:$0x3FB4]  }
0x2d: {  	s3 =	simm.s32 $0x108;
	s8 =	sld [smem:$0x3FB5]  }
0x2e: {  	s3 =	simm.s32 @!p0 $0x1082;
	s9 =	sld [smem:$0x3FB6]  }
0x2f: {  	lr =	sadd.s32 s0, s3;
	s0 =	sld [smem:$0x3FAD]  }
0x30: {  	s3 =	sld [smem:$0x3FB0]  }
0x31: {  	[smem:$0x3FB9] =	sst s10  }
0x32: {  	s10 =	sld [smem:$0x3FB7];
	_ =	sdelay $0x3  }
0x33: {  	p0 =	seq.s32 s10, $0x1;
	s10 =	sld [smem:$0x3FB9];
	_ =	sdelay $0x3  }
0x34: {  	[smem:$0x3FB9] =	sst s10  }
0x35: {  	s10 =	sld [smem:$0x3FB8];
	_ =	sdelay $0x3  }
0x36: {  	p1 =	seq.s32 s10, $0x1;
	s10 =	sld [smem:$0x3FB9];
	_ =	sdelay $0x3  }
0x37: {  	[smem:$0x3FB9] =	sst s10  }
0x38: {  	s10 =	sld [smem:$0x3FBA]  }
0x39: {  	_ = 	snop;
	(pc) =	sbr.ind lr, $3  }
0x3a: {  	_ = 	snop  }
0x3b: {  	_ = 	snop  }
0x3c: {  	p2 =	seq.s32 s10, $0x1;
	s10 =	sld [smem:$0x3FB9]  }
0x3d: {  	_ =	shalt  }
0x3e: {  	_ =	shalt  }
0x3f: {  	_ =	shalt  }
0x40: {  	_ =	shalt  }
0x41: {  	_ =	shalt  }
0x42: {  	_ =	shalt  }
0x43: {  	_ =	shalt  }
0x44: {  	_ =	shalt  }
0x45: {  	_ =	shalt  }
0x46: {  	_ =	shalt  }
0x47: {  	_ =	shalt  }
0x48: {  	_ =	shalt  }
0x49: {  	_ =	shalt  }
0x4a: {  	_ =	shalt  }
0x4b: {  	_ =	shalt  }
0x4c: {  	_ =	shalt  }
0x4d: {  	_ =	shalt  }
0x4e: {  	_ =	shalt  }
0x4f: {  	_ =	shalt  }
0x50: {  	_ =	shalt  }
0x51: {  	_ =	shalt  }
0x52: {  	_ =	shalt  }
0x53: {  	_ =	shalt  }
0x54: {  	_ =	shalt  }
0x55: {  	_ =	shalt  }
0x56: {  	_ =	shalt  }
0x57: {  	_ =	shalt  }
0x58: {  	_ =	shalt  }
0x59: {  	_ =	shalt  }
0x5a: {  	_ =	shalt  }
0x5b: {  	_ =	shalt  }
0x5c: {  	_ =	shalt  }
0x5d: {  	_ =	shalt  }
0x5e: {  	_ =	shalt  }
0x5f: {  	_ =	shalt  }
0x60: {  	_ =	shalt  }
0x61: {  	_ =	shalt  }
0x62: {  	_ =	shalt  }
0x63: {  	_ =	shalt  }
0x64: {  	_ =	shalt  }
0x65: {  	_ =	shalt  }
0x66: {  	_ =	shalt  }
0x67: {  	_ =	shalt  }
0x68: {  	_ =	shalt  }
0x69: {  	_ =	shalt  }
0x6a: {  	_ =	shalt  }
0x6b: {  	_ =	shalt  }
0x6c: {  	_ =	shalt  }
0x6d: {  	_ =	shalt  }
0x6e: {  	_ =	shalt  }
0x6f: {  	_ =	shalt  }
0x70: {  	_ =	shalt  }
0x71: {  	_ =	shalt  }
0x72: {  	_ =	shalt  }
0x73: {  	_ =	shalt  }
0x74: {  	_ =	shalt  }
0x75: {  	_ =	shalt  }
0x76: {  	_ =	shalt  }
0x77: {  	_ =	shalt  }
0x78: {  	_ =	shalt  }
0x79: {  	_ =	shalt  }
0x7a: {  	_ =	shalt  }
0x7b: {  	_ =	shalt  }
0x7c: {  	_ =	shalt  }
0x7d: {  	_ =	shalt  }
0x7e: {  	_ =	shalt  }
0x7f: {  	_ =	shalt  }
0x80: {  	_ =	shalt  }
0x81: {  	_ =	shalt  }
0x82: {  	_ =	shalt  }
0x83: {  	_ =	shalt  }
0x84: {  	_ =	shalt  }
0x85: {  	_ =	shalt  }
0x86: {  	_ =	shalt  }
0x87: {  	_ =	shalt  }
.Lfunc_end0:
.L_simem_size_0:
called_computation_lowered:
.L_overlay_start_0:
0x88: {  	s0 =	sld [smem:$0x3FD9]  }
0x89: {  	s1 =	sld [smem:$0x3FFE];
	_ =	sdelay $0x3  }
0x8a: {  	s0 =	sadd.s32 s1, s0  }
0x8b: {  	[smem:$0x3FC5] =	sst s0  }
0x8c: {  	_ = 	snop  }
0x8d: {  	s0 =	sld [smem:$0x3FD0];
	(tm) =	ssettm $0x1  }
0x8e: {  	s16 =	sld [smem:$0x3FFB];
	_ =	sdelay $0x3  }
0x8f: {  	_ =	strace s16  }
0x90: {  	s1 =	sld [smem:$0x3FFC];
	_ =	sdelay $0x3  }
0x91: {  	_ =	strace s1  }
0x92: {  	s1 =	sld [smem:$0x3FFD];
	_ =	sdelay $0x3  }
0x93: {  	_ =	strace s1  }
0x94: {  	_ =	strace $0x8FFFFFFF  }
0x95: {  	s17 =	sld [smem:$0x3FDB];
	_ =	sdelay $0x1  }
0x96: {  	s2 =	simm.s32 $_scs_section_size  }
0x97: {  	s3 =	simm.s32 $_size__tile_overlayer_lowered;
	s4 =	simm.s32 $_tile_overlayer_lowered  }
0x98: {  	s20 =	simm.s32 $0x1BFF;
	s19 =	sshll.u32 s4, $0x1;
	s1 =	sadd.s32 s2, s17  }
0x99: {  	s5 =	simm.s32 $0x0;
	s18 =	sshll.u32 s3, $0x1;
	s3 =	sadd.s32 s19, s1  }
0x9a: {  	[timem:s5], [sflag:s20] =	dma.local [hbm:s3], s18  }
0x9b: {  	_ =	swait.ge [sflag:s20], s18  }
0x9c: {  	s2 =	ssub.s32 $0x0, s18;
	[sflag:s20] =	ssyncset.done $0x0  }
0x9d: {  	[sflag:s20] =	ssyncadd.s32 s2;
	_ =	sdelay $0x1  }
0x9e: {  	s21 =	simm.s32 $0x1B8B  }
0x9f: {  	_ =	swait.ge [sflag:s21], $0x1  }
0xa0: {  	[sflag:s21] =	ssyncset.done $0x0  }
0xa1: {  	s23 =	simm.s32 $0x1B8E;
	s22 =	sld [smem:$0x3FFE];
	[sflag:s21] =	ssyncadd.s32 $0xFFFFFFFF  }
0xa2: {  	s24 =	simm.s32 $execute0_lowered;
	[smem:$0x3FD2] =	sst s23  }
0xa3: {  	s3 =	sshll.u32 s24, $0x1;
	_ =	strace $0x80000046;
	[dreg:$0x1] =	wrdreg $0xFFFFFFFF  }
0xa4: {  	s25 =	simm.s32 $_size_execute0_lowered;
	s1 =	sadd.s32 s1, s3;
	[dreg:$0x0] =	wrdreg $0x0  }
0xa5: {  	s3 =	sshll.u32 s25, $0x1;
	[dreg:$0x2] =	wrdreg s1  }
0xa6: {  	[dreg:$0x3] =	wrdreg s3  }
0xa7: {  	[dreg:$0x4] =	wrdreg $0xC0  }
0xa8: {  	_ =	task [dreg:s5], $0x5FFFF  }
0xa9: {  	[dreg:$0x1] =	wrdreg $0xFFFFFFFF  }
0xaa: {  	[dreg:$0x0] =	wrdreg $0x60  }
0xab: {  	[dreg:$0x2] =	wrdreg s22  }
0xac: {  	[dreg:$0x3] =	wrdreg s0  }
0xad: {  	[dreg:$0x4] =	wrdreg $0x79800  }
0xae: {  	[dreg:$0x5] =	wrdreg $0xA2C00  }
0xaf: {  	[dreg:$0x6] =	wrdreg $0x9  }
0xb0: {  	_ =	task.clear_ibuf [dreg:s5], $0x7FFFF;
	_ =	strace $0x90000046  }
0xb1: {  	s26 =	simm.s32 $0x9;
	_ =	strace $0x80000048  }
0xb2: {  	_ =	swait.ge [sflag:s26], $0x1  }
0xb3: {  	[sflag:s26] =	ssyncadd.s32 $0xFFFFFFFF  }
0xb4: {  	_ =	strace $0x90000048  }
0xb5: {  	_ =	sfence  }
0xb6: {  	s28 =	sld [smem:$0x0];
	_ =	sdelay $0x1  }
0xb7: {  	s29 =	srdreg.scid  }
0xb8: {  	s30 =	sshll.u32 s29, $0xD;
	s31 =	sshrl.u32 s29, $0x2  }
0xb9: {  	s2 =	sand.u32 $0x4000, s30;
	s1 =	sand.u32 $0x1, s29;
	s0 =	sadd.s32 s31, s28  }
0xba: {  	s1 =	sor.u32 s2, s1;
	s0 =	sshll.u32 s0, $0x11  }
0xbb: {  	s0 =	sor.u32 s0, s1  }
0xbc: {  	s0 =	sadd.s32 $0x8F2B, s0  }
0xbd: {  	[sflag:s0] =	ssyncadd.remote.s32 $0x1  }
0xbe: {  	_ =	sfence.sel $0xFFFF  }
0xbf: {  	[dreg:$0x0] =	wrdreg $0xFFFFFFFF;
	(pc) =	sbr.abs _section_cstart, $3  }
0xc0: {  	[dreg:$0x1] =	wrdreg $0xFFFFFFFF  }
0xc1: {  	_ =	task.clear_ibuf [dreg:s5], $0x2FFFF;
	_ =	strace $0x9FFFFFFF  }
0xc2: {  	(tm) =	ssettm $0x7FFFFFFF  }
0xc3: {  	_ =	shalt  }
tec
execute0_lowered:
.L_overlay_start_1:
0x0: {  	(tag) =	ssettag $0x1  }
0x1: {  	s6 =	rddreg [dreg:$0x0]  }
0x2: {  	s1 =	rddreg [dreg:$0x1]  }
0x3: {  	s4 =	rddreg [dreg:$0x2];
	s3 =	stileid.u32  }
0x4: {  	s2 =	rddreg [dreg:$0x3];
	s5 =	smul.u32 $0x900, s3  }
0x5: {  	s0 =	rddreg [dreg:$0x4];
	s7 =	simm.s32 $0x0;
	s8 =	smul.u32 $0x120, s3  }
0x6: {  	[smem:$0x7FF] =	sst s7;
	s9 =	sadd.s32 s5, s6  }
0x7: {  	_ =	strace $0x80000047;
	s8 =	sadd.s32 s8, s6;
	s9 =	sadd.s32 $0x1800, s9  }
0x8: {  	[tilespmem:s7], [sflag:$0x1] =	stream.linear.gather [hbm4b:s9+s7], $0x4800, $0x38;
	[tilespmem:$0xA450] =	vst v63  }
0x9: {  	s30 =	simm.s32 $0x4800;
	s8 =	sadd.s32 $0x600, s8  }
0xa: {  	[tilespmem:s30], [sflag:$0x2] =	stream.linear.gather [hbm4b:s8+s7], $0x900, $0x38;
	[tilespmem:$0xA450] =	vst v63  }
0xb: {  	s31 =	simm.s32 $0x5100;
	s6 =	sadd.s32 $0x400, s6  }
0xc: {  	[tilespmem:s31], [sflag:$0x3] =	stream.linear.gather [hbm4b:s6+s7], $0x200, $0x38;
	[tilespmem:$0xA450] =	vst v63  }
0xd: {  	v0 =	vimm.f32 $0.0e+00;
	s6 =	simm.s32 $0x0;
	s7 =	simm.s32 $0x200  }
.LBB2_1:
0xe: {  	p0 =	sne.s32 s7, $0x8E00;
	[tilespmem:s6+$0x5370] =	vst v0  }
0xf: {  	[tilespmem:s6+$0x5300] =	vst v0  }
0x10: {  	[tilespmem:s6+$0x5310] =	vst v0  }
.Ltmp0:
0x11: {  	[tilespmem:s6+$0x5320] =	vst v0;
	(pc) =	sbr.rel @p0 .LBB2_1-.Ltmp0, $4  }
0x12: {  	[tilespmem:s6+$0x5330] =	vst v0  }
0x13: {  	[tilespmem:s6+$0x5340] =	vst v0  }
0x14: {  	[tilespmem:s6+$0x5350] =	vst v0  }
0x15: {  	[tilespmem:s6+$0x5360] =	vst v0;
	s6 =	sshra.s32 s7, $0x2;
	s7 =	sadd.s32 $0x200, s7  }
0x16: {  	[tilespmem:s6+$0x5370] =	vst v0  }
0x17: {  	[tilespmem:s6+$0x5300] =	vst v0  }
0x18: {  	[tilespmem:s6+$0x5310] =	vst v0  }
0x19: {  	[tilespmem:s6+$0x5320] =	vst v0  }
0x1a: {  	[tilespmem:s6+$0x5330] =	vst v0  }
0x1b: {  	[tilespmem:s6+$0x5340] =	vst v0  }
0x1c: {  	[tilespmem:s6+$0x5350] =	vst v0  }
0x1d: {  	[tilespmem:s6+$0x5360] =	vst v0;
	s30 =	simm.s32 $0x2  }
0x1e: {  	_ =	swait.ge [sflag:s30], $0x900  }
0x1f: {  	[sflag:s30] =	ssyncset.done $0x0  }
0x20: {  	s31 =	simm.s32 $0x1;
	v0 =	vlaneseq.u32;
	[sflag:s30] =	ssyncadd.s32 $0xFFFFF700  }
0x21: {  	p0 =	por $0x0, $0x0;
	s6 =	simm.s32 $0x0;
	v9 =	vimm.f32 $1.000000000e+00;
	v1 =	vor.u32 $0x400, v0;
	v2 =	vor.u32 $0x800, v0;
	_ =	swait.ge [sflag:s31], $0x4800  }
0x22: {  	s7 =	simm.s32 $0x4800;
	s8 =	simm.s32 $0x5300;
	v3 =	vor.u32 $0xC00, v0;
	v4 =	vor.u32 $0x1000, v0;
	v5 =	vor.u32 $0x1400, v0;
	[sflag:s31] =	ssyncset.done $0x0  }
0x23: {  	s9 =	simm.s32 $0x0;
	s10 =	simm.s32 $0x0;
	v6 =	vor.u32 $0x1800, v0;
	v7 =	vor.u32 $0x1C00, v0;
	v8 =	vor.u32 $0x2000, v0;
	[sflag:s31] =	ssyncadd.s32 $0xFFFFB800  }
.LBB2_3:
0x24: {  	v10 =	vld [tilespmem:s7+$0x0]  }
0x25: {  	s12 =	sand.u32 $0x40, s9;
	s11 =	sand.u32 $0x7C00, s10  }
0x26: {  	s13 =	simm.s32 $0x1;
	s14 =	sor.u32 s12, s11  }
0x27: {  	s13 =	simm.s32 @!p0 $0x0;
	v11 =	vld [tilespmem:s14+$0x0]  }
0x28: {  	s13 =	sshll.u32 s13, $0x6;
	v12 =	vld [tilespmem:s14+$0x80]  }
0x29: {  	v13 =	vld [tilespmem:s14+$0x100];
	s13 =	sadd.s32 s13, s10;
	v10 =	vshll.u32 v10, $0x4  }
0x2a: {  	v14 =	vld [tilespmem:s14+$0x180];
	s23 =	sor.u32 $0x200, s13;
	v15 =	vor.u32 v0, v10  }
0x2b: {  	s24 =	sor.u32 $0x280, s13;
	v16 =	vld [tilespmem:s23+$0x0];
	v17 =	vadd.s32 v1, v10  }
0x2c: {  	s25 =	sor.u32 $0x300, s13;
	v18 =	vld [tilespmem:s24+$0x0];
	v19 =	vadd.s32 v2, v10  }
0x2d: {  	s26 =	sor.u32 $0x380, s13;
	v20 =	vld [tilespmem:s25+$0x0];
	v21 =	vadd.s32 v3, v10  }
0x2e: {  	v22 =	vld [tilespmem:s26+$0x0];
	v23 =	vadd.s32 v4, v10  }
0x2f: {  	[tilespmem:v15+s8+$0x0] =	vst.idx.add.f32.msk $0xffff, v11;
	v11 =	vadd.s32 v5, v10  }
0x30: {  	v41 =	vadd.s32 v6, v10;
	[tilespmem:v17+s8+$0x0] =	vst.idx.add.f32.msk $0xffff, v12  }
0x31: {  	v42 =	vadd.s32 v7, v10;
	[tilespmem:v19+s8+$0x0] =	vst.idx.add.f32.msk $0xffff, v13  }
0x32: {  	v10 =	vadd.s32 v8, v10;
	[tilespmem:v21+s8+$0x0] =	vst.idx.add.f32.msk $0xffff, v14  }
0x33: {  	[tilespmem:v23+s8+$0x0] =	vst.idx.add.f32.msk $0xffff, v16  }
0x34: {  	[tilespmem:v11+s8+$0x0] =	vst.idx.add.f32.msk $0xffff, v18  }
0x35: {  	s28 =	sand.u32 $0xF80, s9;
	[tilespmem:v41+s8+$0x0] =	vst.idx.add.f32.msk $0xffff, v20  }
0x36: {  	s15 =	sor.u32 $0x10, s12;
	s14 =	sadd.s32 $0x4800, s28;
	[tilespmem:v42+s8+$0x0] =	vst.idx.add.f32.msk $0xffff, v22  }
0x37: {  	s16 =	sor.u32 s15, s14;
	[tilespmem:v10+s8+$0x0] =	vst.idx.add.f32.msk $0xffff, v9  }
0x38: {  	v10 =	vld [tilespmem:s16+$0x0];
	_ =	sdelay $0x1  }
0x39: {  	s15 =	sor.u32 s15, s11  }
0x3a: {  	v11 =	vld [tilespmem:s15+$0x0]  }
0x3b: {  	v12 =	vld [tilespmem:s15+$0x80]  }
0x3c: {  	s29 =	sadd.s32 $0x10, s13;
	v13 =	vld [tilespmem:s15+$0x100];
	v10 =	vshll.u32 v10, $0x4  }
0x3d: {  	s30 =	sor.u32 $0x200, s29;
	v14 =	vld [tilespmem:s15+$0x180];
	v43 =	vor.u32 v0, v10  }
0x3e: {  	s31 =	sor.u32 $0x280, s29;
	v16 =	vld [tilespmem:s30+$0x0];
	v44 =	vadd.s32 v1, v10  }
0x3f: {  	s17 =	sor.u32 $0x300, s29;
	v18 =	vld [tilespmem:s31+$0x0];
	v45 =	vadd.s32 v2, v10  }
0x40: {  	s18 =	sor.u32 $0x380, s29;
	v20 =	vld [tilespmem:s17+$0x0];
	v46 =	vadd.s32 v3, v10  }
0x41: {  	v22 =	vld [tilespmem:s18+$0x0];
	v47 =	vadd.s32 v4, v10  }
0x42: {  	[tilespmem:v43+s8+$0x0] =	vst.idx.add.f32.msk $0xffff, v11;
	v11 =	vadd.s32 v5, v10  }
0x43: {  	v48 =	vadd.s32 v6, v10;
	[tilespmem:v44+s8+$0x0] =	vst.idx.add.f32.msk $0xffff, v12  }
0x44: {  	v49 =	vadd.s32 v7, v10;
	[tilespmem:v45+s8+$0x0] =	vst.idx.add.f32.msk $0xffff, v13  }
0x45: {  	v10 =	vadd.s32 v8, v10;
	[tilespmem:v46+s8+$0x0] =	vst.idx.add.f32.msk $0xffff, v14  }
0x46: {  	[tilespmem:v47+s8+$0x0] =	vst.idx.add.f32.msk $0xffff, v16  }
0x47: {  	[tilespmem:v11+s8+$0x0] =	vst.idx.add.f32.msk $0xffff, v18  }
0x48: {  	[tilespmem:v48+s8+$0x0] =	vst.idx.add.f32.msk $0xffff, v20  }
0x49: {  	s19 =	sor.u32 $0x20, s12;
	[tilespmem:v49+s8+$0x0] =	vst.idx.add.f32.msk $0xffff, v22  }
0x4a: {  	s20 =	sor.u32 s19, s14;
	[tilespmem:v10+s8+$0x0] =	vst.idx.add.f32.msk $0xffff, v9  }
0x4b: {  	v10 =	vld [tilespmem:s20+$0x0];
	_ =	sdelay $0x1  }
0x4c: {  	s15 =	sor.u32 s19, s11  }
0x4d: {  	v11 =	vld [tilespmem:s15+$0x0]  }
0x4e: {  	v12 =	vld [tilespmem:s15+$0x80]  }
0x4f: {  	s21 =	sadd.s32 $0x20, s13;
	v13 =	vld [tilespmem:s15+$0x100];
	v10 =	vshll.u32 v10, $0x4  }
0x50: {  	s22 =	sor.u32 $0x200, s21;
	v14 =	vld [tilespmem:s15+$0x180];
	v50 =	vor.u32 v0, v10  }
0x51: {  	s23 =	sor.u32 $0x280, s21;
	v16 =	vld [tilespmem:s22+$0x0];
	v51 =	vadd.s32 v1, v10  }
0x52: {  	s24 =	sor.u32 $0x300, s21;
	v18 =	vld [tilespmem:s23+$0x0];
	v52 =	vadd.s32 v2, v10  }
0x53: {  	s25 =	sor.u32 $0x380, s21;
	v20 =	vld [tilespmem:s24+$0x0];
	v53 =	vadd.s32 v3, v10  }
0x54: {  	v22 =	vld [tilespmem:s25+$0x0];
	v54 =	vadd.s32 v4, v10  }
0x55: {  	[tilespmem:v50+s8+$0x0] =	vst.idx.add.f32.msk $0xffff, v11;
	v11 =	vadd.s32 v5, v10  }
0x56: {  	v55 =	vadd.s32 v6, v10;
	[tilespmem:v51+s8+$0x0] =	vst.idx.add.f32.msk $0xffff, v12  }
0x57: {  	v56 =	vadd.s32 v7, v10;
	[tilespmem:v52+s8+$0x0] =	vst.idx.add.f32.msk $0xffff, v13  }
0x58: {  	v10 =	vadd.s32 v8, v10;
	[tilespmem:v53+s8+$0x0] =	vst.idx.add.f32.msk $0xffff, v14  }
0x59: {  	[tilespmem:v54+s8+$0x0] =	vst.idx.add.f32.msk $0xffff, v16  }
0x5a: {  	[tilespmem:v11+s8+$0x0] =	vst.idx.add.f32.msk $0xffff, v18  }
0x5b: {  	[tilespmem:v55+s8+$0x0] =	vst.idx.add.f32.msk $0xffff, v20  }
0x5c: {  	s12 =	sor.u32 $0x30, s12;
	[tilespmem:v56+s8+$0x0] =	vst.idx.add.f32.msk $0xffff, v22  }
0x5d: {  	s14 =	sor.u32 s12, s14;
	[tilespmem:v10+s8+$0x0] =	vst.idx.add.f32.msk $0xffff, v9  }
0x5e: {  	v10 =	vld [tilespmem:s14+$0x0];
	_ =	sdelay $0x1  }
0x5f: {  	s11 =	sor.u32 s12, s11  }
0x60: {  	v11 =	vld [tilespmem:s11+$0x0]  }
0x61: {  	v12 =	vld [tilespmem:s11+$0x80]  }
0x62: {  	s26 =	sadd.s32 $0x30, s13;
	v13 =	vld [tilespmem:s11+$0x100];
	v10 =	vshll.u32 v10, $0x4  }
0x63: {  	s28 =	sor.u32 $0x200, s26;
	v14 =	vld [tilespmem:s11+$0x180];
	v57 =	vor.u32 v0, v10  }
0x64: {  	s29 =	sor.u32 $0x280, s26;
	v16 =	vld [tilespmem:s28+$0x0];
	v58 =	vadd.s32 v1, v10  }
0x65: {  	s30 =	sor.u32 $0x300, s26;
	v18 =	vld [tilespmem:s29+$0x0];
	v59 =	vadd.s32 v2, v10  }
0x66: {  	s31 =	sor.u32 $0x380, s26;
	v20 =	vld [tilespmem:s30+$0x0];
	v60 =	vadd.s32 v3, v10  }
0x67: {  	v22 =	vld [tilespmem:s31+$0x0];
	v61 =	vadd.s32 v4, v10  }
0x68: {  	[tilespmem:v57+s8+$0x0] =	vst.idx.add.f32.msk $0xffff, v11;
	v11 =	vadd.s32 v5, v10  }
0x69: {  	v62 =	vadd.s32 v6, v10;
	[tilespmem:v58+s8+$0x0] =	vst.idx.add.f32.msk $0xffff, v12  }
0x6a: {  	v63 =	vadd.s32 v7, v10;
	[tilespmem:v59+s8+$0x0] =	vst.idx.add.f32.msk $0xffff, v13  }
0x6b: {  	p1 =	sne.s32 s10, $0x4600;
	v10 =	vadd.s32 v8, v10;
	[tilespmem:v60+s8+$0x0] =	vst.idx.add.f32.msk $0xffff, v14  }
.Ltmp1:
0x6c: {  	[tilespmem:v61+s8+$0x0] =	vst.idx.add.f32.msk $0xffff, v16;
	(pc) =	sbr.rel @p1 .LBB2_3-.Ltmp1, $4  }
0x6d: {  	[tilespmem:v11+s8+$0x0] =	vst.idx.add.f32.msk $0xffff, v18  }
0x6e: {  	[tilespmem:v62+s8+$0x0] =	vst.idx.add.f32.msk $0xffff, v20  }
0x6f: {  	s9 =	sadd.s32 $0x40, s9;
	[tilespmem:v63+s8+$0x0] =	vst.idx.add.f32.msk $0xffff, v22  }
0x70: {  	s7 =	sadd.s32 $0x40, s7;
	p0 =	por !p0, !p0;
	s10 =	sadd.s32 $0x200, s10;
	[tilespmem:v10+s8+$0x0] =	vst.idx.add.f32.msk $0xffff, v9  }
0x71: {  	v0 =	vlaneseq.u32;
	v1 =	vimm.s32 $0xBCAB9A89  }
0x72: {  	v2 =	vimm.s32 $0xF0EFDECD;
	vm0 =	vcmask $0x1F10;
	v3 =	vimm.s32 $0x34231201  }
0x73: {  	v4 =	vimm.s32 $0x78675645;
	v5 =	vimm.s32 $0xBDAC9B8A;
	v6 =	vimm.s32 $0xF1E0DFCE  }
0x74: {  	v7 =	vimm.s32 $0x35241302;
	v8 =	vimm.s32 $0x79685746;
	v9 =	vimm.s32 $0x38271605  }
0x75: {  	v10 =	vimm.s32 $0x7C6B5A49;
	v11 =	vimm.s32 $0xF6E5D4C3;
	v12 =	vimm.s32 $0x3A291807  }
0x76: {  	v13 =	vimm.s32 $0x7E6D5C4B;
	v14 =	vimm.s32 $0x3D2C1B0A;
	v15 =	vimm.s32 $0x71605F4E  }
0x77: {  	v16 =	vimm.s32 $0x7261504F;
	v17 =	vimm.s32 $0xB7A69584;
	v18 =	vimm.s32 $0xFBEAD9C8  }
0x78: {  	v19 =	vimm.s32 $0x3F2E1D0C;
	v20 =	vimm.s32 $0x73625140;
	v21 =	vimm.s32 $0x31201F0E  }
0x79: {  	v22 =	vimm.s32 $0x75645342;
	v27 =	vimm.s32 $0x3221100F;
	v28 =	vimm.s32 $0x76655443  }
0x7a: {  	v1 =	vunpack.c.0.s8.s32 v1;
	v2 =	vunpack.c.0.s8.s32 v2;
	v3 =	vunpack.c.0.s8.s32 v3  }
0x7b: {  	v4 =	vunpack.c.0.s8.s32 v4;
	v5 =	vunpack.c.0.s8.s32 v5;
	v6 =	vunpack.c.0.s8.s32 v6  }
0x7c: {  	v7 =	vunpack.c.0.s8.s32 v7;
	v8 =	vunpack.c.0.s8.s32 v8;
	v0 =	vmul.u32 $0x11, v0  }
0x7d: {  	v11 =	vunpack.c.0.s8.s32 v11;
	v12 =	vunpack.c.0.s8.s32 v12;
	v13 =	vunpack.c.0.s8.s32 v13  }
0x7e: {  	v16 =	vunpack.c.0.s8.s32 v16;
	v17 =	vunpack.c.0.s8.s32 v17;
	v18 =	vunpack.c.0.s8.s32 v18  }
0x7f: {  	v19 =	vunpack.c.0.s8.s32 v19;
	v20 =	vunpack.c.0.s8.s32 v20;
	v21 =	vunpack.c.0.s8.s32 v21  }
0x80: {  	v22 =	vunpack.c.0.s8.s32 v22;
	v27 =	vunpack.c.0.s8.s32 v27;
	v28 =	vunpack.c.0.s8.s32 v28  }
0x81: {  	v1 =	vsel vm0, v2, v1;
	v2 =	vsel vm0, v4, v3;
	v3 =	vsel vm0, v6, v5  }
0x82: {  	v4 =	vsel vm0, v8, v7;
	v5 =	vimm.s32 $0x36251403;
	v6 =	vimm.s32 $0x7A695847  }
0x83: {  	v7 =	vimm.s32 $0xBFAE9D8C;
	v8 =	vimm.s32 $0xF3E2D1C0;
	v1 =	vcombine.low v2, v1  }
0x84: {  	v2 =	vcombine.low v4, v3;
	v3 =	vimm.s32 $0xBEAD9C8B;
	v4 =	vimm.s32 $0xF2E1D0CF  }
0x85: {  	v5 =	vunpack.c.0.s8.s32 v5;
	v3 =	vunpack.c.0.s8.s32 v3;
	v4 =	vunpack.c.0.s8.s32 v4  }
0x86: {  	v6 =	vunpack.c.0.s8.s32 v6;
	v7 =	vunpack.c.0.s8.s32 v7;
	v8 =	vunpack.c.0.s8.s32 v8  }
0x87: {  	v1 =	vand.u32 $0xFF, v1;
	v2 =	vand.u32 $0xFF, v2;
	v3 =	vsel vm0, v4, v3  }
0x88: {  	v4 =	vsel vm0, v6, v5;
	v5 =	vimm.s32 $0x37261504;
	v6 =	vimm.s32 $0x7B6A5948  }
0x89: {  	v3 =	vcombine.low v4, v3;
	v4 =	vsel vm0, v8, v7;
	v5 =	vunpack.c.0.s8.s32 v5  }
0x8a: {  	v7 =	vimm.s32 $0xB0AF9E8D;
	v6 =	vunpack.c.0.s8.s32 v6;
	v8 =	vimm.s32 $0xF4E3D2C1  }
0x8b: {  	v23 =	vor.u32 s6, v2;
	v7 =	vunpack.c.0.s8.s32 v7;
	v8 =	vunpack.c.0.s8.s32 v8  }
0x8c: {  	v5 =	vsel vm0, v6, v5;
	v6 =	vunpack.c.0.s8.s32 v9;
	v9 =	vunpack.c.0.s8.s32 v10  }
0x8d: {  	v3 =	vand.u32 $0xFF, v3;
	v10 =	vimm.s32 $0xB2A1908F;
	v4 =	vcombine.low v5, v4  }
0x8e: {  	v5 =	vsel vm0, v8, v7;
	v7 =	vimm.s32 $0xB1A09F8E;
	v6 =	vsel vm0, v9, v6  }
0x8f: {  	v8 =	vimm.s32 $0xF5E4D3C2;
	v9 =	vimm.s32 $0x7D6C5B4A;
	v5 =	vcombine.low v6, v5  }
0x90: {  	v6 =	vunpack.c.0.s8.s32 v7;
	v7 =	vunpack.c.0.s8.s32 v8;
	v8 =	vimm.s32 $0x39281706  }
0x91: {  	v10 =	vunpack.c.0.s8.s32 v10;
	v9 =	vunpack.c.0.s8.s32 v9;
	v8 =	vunpack.c.0.s8.s32 v8  }
0x92: {  	v24 =	vor.u32 s6, v3;
	v4 =	vand.u32 $0xFF, v4;
	v6 =	vsel vm0, v7, v6  }
0x93: {  	v7 =	vsel vm0, v9, v8;
	v8 =	vsel vm0, v11, v10;
	v9 =	vsel vm0, v13, v12  }
0x94: {  	v10 =	vimm.s32 $0x3B2A1908;
	v11 =	vimm.s32 $0x7F6E5D4C;
	v6 =	vcombine.low v7, v6  }
0x95: {  	v7 =	vcombine.low v9, v8;
	v8 =	vimm.s32 $0xB3A29180;
	v9 =	vimm.s32 $0xF7E6D5C4  }
0x96: {  	v12 =	vimm.s32 $0xB4A39281;
	v8 =	vunpack.c.0.s8.s32 v8;
	v9 =	vunpack.c.0.s8.s32 v9  }
0x97: {  	v13 =	vimm.s32 $0xF8E7D6C5;
	v10 =	vunpack.c.0.s8.s32 v10;
	v11 =	vunpack.c.0.s8.s32 v11  }
0x98: {  	v12 =	vunpack.c.0.s8.s32 v12;
	v13 =	vunpack.c.0.s8.s32 v13;
	v8 =	vsel vm0, v9, v8  }
0x99: {  	v9 =	vsel vm0, v11, v10;
	v10 =	vimm.s32 $0x3C2B1A09;
	v11 =	vimm.s32 $0x706F5E4D  }
0x9a: {  	v8 =	vcombine.low v9, v8;
	v9 =	vsel vm0, v13, v12;
	v10 =	vunpack.c.0.s8.s32 v10  }
0x9b: {  	v12 =	vimm.s32 $0xB5A49382;
	v11 =	vunpack.c.0.s8.s32 v11;
	v13 =	vimm.s32 $0xF9E8D7C6  }
0x9c: {  	v5 =	vand.u32 $0xFF, v5;
	v12 =	vunpack.c.0.s8.s32 v12;
	v13 =	vunpack.c.0.s8.s32 v13  }
0x9d: {  	v10 =	vsel vm0, v11, v10;
	v11 =	vunpack.c.0.s8.s32 v14;
	v14 =	vunpack.c.0.s8.s32 v15  }
0x9e: {  	v6 =	vand.u32 $0xFF, v6;
	v7 =	vand.u32 $0xFF, v7;
	v15 =	vimm.s32 $0xFAE9D8C7  }
0x9f: {  	v12 =	vsel vm0, v13, v12;
	v13 =	vimm.s32 $0xB6A59483;
	v11 =	vsel vm0, v14, v11  }
0xa0: {  	v13 =	vunpack.c.0.s8.s32 v13;
	v14 =	vunpack.c.0.s8.s32 v15;
	v15 =	vimm.s32 $0x3E2D1C0B  }
0xa1: {  	v25 =	vor.u32 s6, v6;
	v9 =	vcombine.low v10, v9;
	v15 =	vunpack.c.0.s8.s32 v15  }
0xa2: {  	v10 =	vcombine.low v11, v12;
	v11 =	vsel vm0, v14, v13;
	v13 =	vsel vm0, v18, v17  }
0xa3: {  	v14 =	vsel vm0, v20, v19;
	v17 =	vimm.s32 $0xB9A89786;
	v18 =	vimm.s32 $0xFDECDBCA  }
0xa4: {  	v19 =	vor.u32 s6, v1;
	v12 =	vsel vm0, v16, v15;
	v15 =	vimm.s32 $0x302F1E0D  }
0xa5: {  	v16 =	vimm.s32 $0x74635241;
	v11 =	vcombine.low v12, v11;
	v12 =	vcombine.low v14, v13  }
0xa6: {  	v13 =	vimm.s32 $0xB8A79685;
	v14 =	vimm.s32 $0xFCEBDAC9;
	v15 =	vunpack.c.0.s8.s32 v15  }
0xa7: {  	v16 =	vunpack.c.0.s8.s32 v16;
	v13 =	vunpack.c.0.s8.s32 v13;
	v14 =	vunpack.c.0.s8.s32 v14  }
0xa8: {  	v20 =	vor.u32 s6, v0;
	v17 =	vunpack.c.0.s8.s32 v17;
	v18 =	vunpack.c.0.s8.s32 v18  }
0xa9: {  	s7 =	simm.s32 $0x5300;
	v13 =	vsel vm0, v14, v13;
	v14 =	vsel vm0, v16, v15;
	v15 =	vor.u32 s6, v4  }
0xaa: {  	v8 =	vand.u32 $0xFF, v8;
	v16 =	vsel vm0, v18, v17;
	v18 =	vld.idx.msk [tilespmem:v19+s7+$0x0], $0xffff;
	v19 =	vor.u32 s6, v5  }
0xab: {  	v23 =	vld.idx.msk [tilespmem:v23+s7+$0x0], $0xffff;
	v26 =	vor.u32 s6, v7;
	v29 =	vor.u32 s6, v8;
	v9 =	vand.u32 $0xFF, v9  }
0xac: {  	v24 =	vld.idx.msk [tilespmem:v24+s7+$0x0], $0xffff;
	v31 =	vor.u32 s6, v9;
	v10 =	vand.u32 $0xFF, v10;
	v11 =	vand.u32 $0xFF, v11  }
0xad: {  	v17 =	vsel vm0, v22, v21;
	v21 =	vimm.s32 $0xBAA99887;
	v22 =	vimm.s32 $0xFEEDDCCB;
	v20 =	vld.idx.msk [tilespmem:v20+s7+$0x0], $0xffff  }
0xae: {  	v12 =	vand.u32 $0xFF, v12;
	v21 =	vunpack.c.0.s8.s32 v21;
	v22 =	vunpack.c.0.s8.s32 v22;
	v30 =	vld.idx.msk [tilespmem:v15+s7+$0x0], $0xffff  }
0xaf: {  	v13 =	vcombine.low v14, v13;
	v14 =	vcombine.low v17, v16;
	v17 =	vor.u32 s6, v10;
	v16 =	vld.idx.msk [tilespmem:v19+s7+$0x0], $0xffff  }
0xb0: {  	v15 =	vsel vm0, v22, v21;
	v19 =	vsel vm0, v28, v27;
	v21 =	vld.idx.msk [tilespmem:v25+s7+$0x0], $0xffff;
	v22 =	vor.u32 s6, v11  }
0xb1: {  	v13 =	vand.u32 $0xFF, v13;
	v25 =	vor.u32 s6, v12;
	v28 =	vld.idx.msk [tilespmem:v31+s7+$0x0], $0xffff;
	v15 =	vcombine.low v19, v15  }
0xb2: {  	v14 =	vand.u32 $0xFF, v14;
	v27 =	vor.u32 s6, v13;
	v19 =	vld.idx.msk [tilespmem:v26+s7+$0x0], $0xffff  }
0xb3: {  	v26 =	vld.idx.msk [tilespmem:v29+s7+$0x0], $0xffff;
	v29 =	vor.u32 s6, v14;
	v15 =	vand.u32 $0xFF, v15  }
0xb4: {  	v17 =	vld.idx.msk [tilespmem:v17+s7+$0x0], $0xffff;
	v31 =	vor.u32 s6, v15  }
0xb5: {  	v22 =	vld.idx.msk [tilespmem:v22+s7+$0x0], $0xffff  }
0xb6: {  	v25 =	vld.idx.msk [tilespmem:v25+s7+$0x0], $0xffff  }
0xb7: {  	v27 =	vld.idx.msk [tilespmem:v27+s7+$0x0], $0xffff  }
0xb8: {  	v29 =	vld.idx.msk [tilespmem:v29+s7+$0x0], $0xffff  }
0xb9: {  	v31 =	vld.idx.msk [tilespmem:v31+s7+$0x0], $0xffff;
	_ =	sdelay $0x1  }
0xba: {  	v18 =	vadd.f32 v18, v20;
	v20 =	vadd.f32 v24, v23  }
0xbb: {  	v16 =	vadd.f32 v16, v30;
	v19 =	vadd.f32 v19, v21  }
0xbc: {  	v21 =	vadd.f32 v28, v26;
	v17 =	vadd.f32 v22, v17  }
0xbd: {  	v22 =	vadd.f32 v27, v25;
	v23 =	vadd.f32 v31, v29  }
0xbe: {  	v18 =	vadd.f32 v20, v18;
	v16 =	vadd.f32 v19, v16  }
0xbf: {  	v17 =	vadd.f32 v17, v21;
	v19 =	vadd.f32 v23, v22  }
0xc0: {  	s8 =	simm.s32 $0x100  }
0xc1: {  	v20 =	vor.u32 s8, v1;
	v16 =	vadd.f32 v16, v18;
	v17 =	vadd.f32 v19, v17  }
0xc2: {  	v18 =	vor.u32 s8, v0  }
0xc3: {  	v19 =	vor.u32 s8, v2;
	v16 =	vadd.f32 v17, v16  }
0xc4: {  	s6 =	simm.s32 $0x7700;
	v21 =	vor.u32 s8, v3  }
0xc5: {  	v22 =	vor.u32 s8, v4;
	[tilespmem:s6+$0x0] =	vst v16  }
0xc6: {  	v23 =	vor.u32 s8, v5;
	v16 =	vld.idx.msk [tilespmem:v20+s7+$0x0], $0xffff  }
0xc7: {  	v24 =	vor.u32 s8, v6;
	v17 =	vld.idx.msk [tilespmem:v18+s7+$0x0], $0xffff  }
0xc8: {  	v25 =	vor.u32 s8, v7;
	v18 =	vld.idx.msk [tilespmem:v19+s7+$0x0], $0xffff  }
0xc9: {  	v29 =	vor.u32 s8, v9;
	v19 =	vld.idx.msk [tilespmem:v21+s7+$0x0], $0xffff  }
0xca: {  	v26 =	vor.u32 s8, v8;
	v20 =	vld.idx.msk [tilespmem:v22+s7+$0x0], $0xffff  }
0xcb: {  	v31 =	vor.u32 s8, v10;
	v21 =	vld.idx.msk [tilespmem:v23+s7+$0x0], $0xffff  }
0xcc: {  	v27 =	vor.u32 s8, v11;
	v22 =	vld.idx.msk [tilespmem:v24+s7+$0x0], $0xffff  }
0xcd: {  	v28 =	vor.u32 s8, v12;
	v23 =	vld.idx.msk [tilespmem:v25+s7+$0x0], $0xffff  }
0xce: {  	v25 =	vld.idx.msk [tilespmem:v29+s7+$0x0], $0xffff;
	v29 =	vor.u32 s8, v13  }
0xcf: {  	v30 =	vor.u32 s8, v14;
	v24 =	vld.idx.msk [tilespmem:v26+s7+$0x0], $0xffff  }
0xd0: {  	v26 =	vld.idx.msk [tilespmem:v31+s7+$0x0], $0xffff;
	v31 =	vor.u32 s8, v15;
	s8 =	simm.s32 $0x200  }
.LBB2_5:
0xd1: {  	p0 =	sne.s32 s8, $0x2300;
	v27 =	vld.idx.msk [tilespmem:v27+s7+$0x0], $0xffff  }
0xd2: {  	v28 =	vld.idx.msk [tilespmem:v28+s7+$0x0], $0xffff  }
0xd3: {  	v29 =	vld.idx.msk [tilespmem:v29+s7+$0x0], $0xffff  }
0xd4: {  	v30 =	vld.idx.msk [tilespmem:v30+s7+$0x0], $0xffff  }
0xd5: {  	v31 =	vld.idx.msk [tilespmem:v31+s7+$0x0], $0xffff;
	_ =	sdelay $0x2  }
0xd6: {  	v16 =	vadd.f32 v16, v17;
	v17 =	vadd.f32 v19, v18  }
0xd7: {  	v18 =	vadd.f32 v21, v20;
	v19 =	vadd.f32 v23, v22  }
0xd8: {  	v20 =	vadd.f32 v25, v24;
	v21 =	vadd.f32 v27, v26  }
0xd9: {  	v22 =	vadd.f32 v29, v28;
	v23 =	vadd.f32 v31, v30  }
0xda: {  	v16 =	vadd.f32 v17, v16;
	v17 =	vadd.f32 v19, v18  }
0xdb: {  	v18 =	vadd.f32 v21, v20;
	v19 =	vadd.f32 v23, v22;
	_ =	sdelay $0x1  }
0xdc: {  	v16 =	vadd.f32 v17, v16;
	v20 =	vor.u32 s8, v1;
	v17 =	vadd.f32 v19, v18  }
0xdd: {  	v18 =	vor.u32 s8, v0  }
0xde: {  	v19 =	vor.u32 s8, v2;
	v16 =	vadd.f32 v17, v16  }
0xdf: {  	s6 =	sadd.s32 $0x10, s6;
	v21 =	vor.u32 s8, v3  }
0xe0: {  	v22 =	vor.u32 s8, v4;
	[tilespmem:s6+$0x0] =	vst v16  }
0xe1: {  	v23 =	vor.u32 s8, v5;
	v16 =	vld.idx.msk [tilespmem:v20+s7+$0x0], $0xffff  }
0xe2: {  	v24 =	vor.u32 s8, v6;
	v17 =	vld.idx.msk [tilespmem:v18+s7+$0x0], $0xffff  }
0xe3: {  	v25 =	vor.u32 s8, v7;
	v18 =	vld.idx.msk [tilespmem:v19+s7+$0x0], $0xffff  }
0xe4: {  	v26 =	vor.u32 s8, v8;
	v19 =	vld.idx.msk [tilespmem:v21+s7+$0x0], $0xffff  }
0xe5: {  	v30 =	vor.u32 s8, v9;
	v20 =	vld.idx.msk [tilespmem:v22+s7+$0x0], $0xffff  }
0xe6: {  	v31 =	vor.u32 s8, v10;
	v21 =	vld.idx.msk [tilespmem:v23+s7+$0x0], $0xffff  }
.Ltmp2:
0xe7: {  	v27 =	vor.u32 s8, v11;
	v22 =	vld.idx.msk [tilespmem:v24+s7+$0x0], $0xffff;
	(pc) =	sbr.rel @p0 .LBB2_5-.Ltmp2, $4  }
0xe8: {  	v28 =	vor.u32 s8, v12;
	v23 =	vld.idx.msk [tilespmem:v25+s7+$0x0], $0xffff  }
0xe9: {  	v29 =	vor.u32 s8, v13;
	v24 =	vld.idx.msk [tilespmem:v26+s7+$0x0], $0xffff  }
0xea: {  	v25 =	vld.idx.msk [tilespmem:v30+s7+$0x0], $0xffff;
	v30 =	vor.u32 s8, v14  }
0xeb: {  	v26 =	vld.idx.msk [tilespmem:v31+s7+$0x0], $0xffff;
	v31 =	vor.u32 s8, v15;
	s8 =	sadd.s32 $0x100, s8  }
0xec: {  	_ =	sdelay $0x3  }
0xed: {  	v0 =	vld.idx.msk [tilespmem:v27+s7+$0x0], $0xffff  }
0xee: {  	v1 =	vld.idx.msk [tilespmem:v28+s7+$0x0], $0xffff  }
0xef: {  	v2 =	vld.idx.msk [tilespmem:v29+s7+$0x0], $0xffff  }
0xf0: {  	v3 =	vld.idx.msk [tilespmem:v30+s7+$0x0], $0xffff  }
0xf1: {  	v4 =	vld.idx.msk [tilespmem:v31+s7+$0x0], $0xffff;
	_ =	sdelay $0x1  }
0xf2: {  	v5 =	vadd.f32 v16, v17;
	v6 =	vadd.f32 v19, v18  }
0xf3: {  	v7 =	vadd.f32 v21, v20;
	v8 =	vadd.f32 v23, v22  }
0xf4: {  	v9 =	vadd.f32 v25, v24;
	v0 =	vadd.f32 v0, v26  }
0xf5: {  	v1 =	vadd.f32 v2, v1;
	v2 =	vadd.f32 v4, v3  }
0xf6: {  	v3 =	vadd.f32 v6, v5;
	v4 =	vadd.f32 v8, v7  }
0xf7: {  	v0 =	vadd.f32 v0, v9;
	v1 =	vadd.f32 v2, v1;
	_ =	sdelay $0x1  }
0xf8: {  	v2 =	vadd.f32 v4, v3;
	v0 =	vadd.f32 v1, v0;
	_ =	sdelay $0x1  }
0xf9: {  	v0 =	vadd.f32 v0, v2  }
0xfa: {  	s6 =	sadd.s32 $0x10, s6;
	s5 =	sshrl.u32 s5, $0x2  }
0xfb: {  	s26 =	simm.s32 $0x4;
	s25 =	sadd.s32 s5, s4;
	s5 =	simm.s32 $0x7700;
	[tilespmem:s6+$0x0] =	vst v0  }
0xfc: {  	[spmem:s25] =	stream.linear.scatter [tilespmem:s5], [sflag:$0x4], $0x240, $0x38;
	[tilespmem:$0xA450] =	vst v63  }
0xfd: {  	_ =	swait.ge [sflag:s26], $0x240  }
0xfe: {  	[sflag:s26] =	ssyncset.done $0x0  }
0xff: {  	[sflag:s26] =	ssyncadd.s32 $0xFFFFFDC0  }
0x100: {  	s28 =	simm.s32 $0x7BC0;
	[bflag:$0x0] =	sbarrier.arrive $0xFFFF  }
0x101: {  	[tilespmem:s28], [sflag:$0x4] =	stream.linear.gather [spmem:s4], $0x2400, $0x38;
	[tilespmem:$0xA450] =	vst v63  }
0x102: {  	_ =	swait.ge [sflag:s26], $0x2400  }
0x103: {  	[sflag:s26] =	ssyncset.done $0x0  }
0x104: {  	s29 =	simm.s32 $0x9000;
	[sflag:s26] =	ssyncadd.s32 $0xFFFFDC00  }
0x105: {  	s30 =	simm.s32 $0x0;
	v0 =	vld [tilespmem:s29+$0xFFFFEE00]  }
0x106: {  	s6 =	sand.u32 $0x3F0, s30;
	v1 =	vld [tilespmem:s29+$0xFFFFEBC0]  }
0x107: {  	v2 =	vld [tilespmem:s6+$0x8040]  }
0x108: {  	v3 =	vld [tilespmem:s29+$0xFFFFF280]  }
0x109: {  	v4 =	vld [tilespmem:s6+$0x84C0]  }
0x10a: {  	v5 =	vld [tilespmem:s29+$0xFFFFF700]  }
0x10b: {  	v6 =	vld [tilespmem:s6+$0x8940]  }
0x10c: {  	v7 =	vld [tilespmem:s29+$0xFFFFFB80]  }
0x10d: {  	v8 =	vld [tilespmem:s6+$0x8DC0]  }
0x10e: {  	v9 =	vld [tilespmem:s29+$0x0]  }
0x10f: {  	v10 =	vld [tilespmem:s6+$0x9240]  }
0x110: {  	v11 =	vld [tilespmem:s29+$0x480]  }
0x111: {  	v12 =	vld [tilespmem:s6+$0x96C0]  }
0x112: {  	v13 =	vld [tilespmem:s29+$0x900]  }
0x113: {  	v14 =	vld [tilespmem:s6+$0x9B40]  }
0x114: {  	v15 =	vld [tilespmem:s29+$0xD80];
	_ =	sdelay $0x1  }
0x115: {  	v0 =	vadd.f32 v0, v1;
	v1 =	vadd.f32 v3, v2  }
0x116: {  	v2 =	vadd.f32 v5, v4;
	v3 =	vadd.f32 v7, v6  }
0x117: {  	v4 =	vadd.f32 v9, v8;
	v5 =	vadd.f32 v11, v10  }
0x118: {  	v6 =	vadd.f32 v13, v12;
	v7 =	vadd.f32 v15, v14  }
0x119: {  	v0 =	vadd.f32 v1, v0;
	v1 =	vadd.f32 v3, v2  }
0x11a: {  	v2 =	vadd.f32 v5, v4;
	v3 =	vadd.f32 v7, v6;
	_ =	sdelay $0x1  }
0x11b: {  	v0 =	vadd.f32 v1, v0;
	v1 =	vadd.f32 v3, v2;
	_ =	sdelay $0x1  }
0x11c: {  	v0 =	vadd.f32 v1, v0;
	_ =	sdelay $0x1  }
0x11d: {  	s4 =	simm.s32 $0x9010;
	[tilespmem:s5+$0x0] =	vst v0  }
0x11e: {  	s31 =	simm.s32 $0x10;
	v0 =	vld [tilespmem:s4+$0xFFFFEE00]  }
0x11f: {  	s6 =	sand.u32 $0x3F0, s31;
	v1 =	vld [tilespmem:s4+$0xFFFFEBC0]  }
0x120: {  	v2 =	vld [tilespmem:s6+$0x8040]  }
0x121: {  	v3 =	vld [tilespmem:s4+$0xFFFFF280]  }
0x122: {  	v4 =	vld [tilespmem:s6+$0x84C0]  }
0x123: {  	v5 =	vld [tilespmem:s4+$0xFFFFF700]  }
0x124: {  	v6 =	vld [tilespmem:s6+$0x8940]  }
0x125: {  	v7 =	vld [tilespmem:s4+$0xFFFFFB80]  }
0x126: {  	v8 =	vld [tilespmem:s6+$0x8DC0]  }
0x127: {  	v9 =	vld [tilespmem:s4+$0x0]  }
0x128: {  	v10 =	vld [tilespmem:s6+$0x9240]  }
0x129: {  	v11 =	vld [tilespmem:s4+$0x480]  }
0x12a: {  	v12 =	vld [tilespmem:s6+$0x96C0]  }
0x12b: {  	v13 =	vld [tilespmem:s4+$0x900]  }
0x12c: {  	v14 =	vld [tilespmem:s6+$0x9B40];
	s6 =	simm.s32 $0x20  }
.LBB2_7:
0x12d: {  	p0 =	sne.s32 s6, $0x230;
	v15 =	vld [tilespmem:s4+$0xD80];
	_ =	sdelay $0x1  }
0x12e: {  	v0 =	vadd.f32 v0, v1;
	v1 =	vadd.f32 v3, v2  }
0x12f: {  	v2 =	vadd.f32 v5, v4;
	v3 =	vadd.f32 v7, v6  }
0x130: {  	v4 =	vadd.f32 v9, v8;
	v5 =	vadd.f32 v11, v10  }
0x131: {  	v6 =	vadd.f32 v13, v12;
	v7 =	vadd.f32 v15, v14  }
0x132: {  	v0 =	vadd.f32 v1, v0;
	v1 =	vadd.f32 v3, v2  }
0x133: {  	v2 =	vadd.f32 v5, v4;
	v3 =	vadd.f32 v7, v6;
	_ =	sdelay $0x1  }
0x134: {  	v0 =	vadd.f32 v1, v0;
	v1 =	vadd.f32 v3, v2;
	_ =	sdelay $0x1  }
0x135: {  	v0 =	vadd.f32 v1, v0  }
0x136: {  	s5 =	sadd.s32 $0x10, s5  }
0x137: {  	s4 =	sadd.s32 $0x10, s4;
	[tilespmem:s5+$0x0] =	vst v0  }
0x138: {  	v0 =	vld [tilespmem:s4+$0xFFFFEE00]  }
0x139: {  	s7 =	sand.u32 $0x3F0, s6;
	v1 =	vld [tilespmem:s4+$0xFFFFEBC0]  }
0x13a: {  	v2 =	vld [tilespmem:s7+$0x8040]  }
0x13b: {  	v3 =	vld [tilespmem:s4+$0xFFFFF280]  }
0x13c: {  	v4 =	vld [tilespmem:s7+$0x84C0]  }
0x13d: {  	v5 =	vld [tilespmem:s4+$0xFFFFF700]  }
0x13e: {  	v6 =	vld [tilespmem:s7+$0x8940]  }
0x13f: {  	v7 =	vld [tilespmem:s4+$0xFFFFFB80]  }
0x140: {  	v8 =	vld [tilespmem:s7+$0x8DC0]  }
0x141: {  	v9 =	vld [tilespmem:s4+$0x0]  }
.Ltmp3:
0x142: {  	v10 =	vld [tilespmem:s7+$0x9240];
	(pc) =	sbr.rel @p0 .LBB2_7-.Ltmp3, $4  }
0x143: {  	v11 =	vld [tilespmem:s4+$0x480]  }
0x144: {  	v12 =	vld [tilespmem:s7+$0x96C0]  }
0x145: {  	v13 =	vld [tilespmem:s4+$0x900]  }
0x146: {  	s6 =	sadd.s32 $0x10, s6;
	v14 =	vld [tilespmem:s7+$0x9B40]  }
0x147: {  	v15 =	vld [tilespmem:s4+$0xD80];
	_ =	sdelay $0x1  }
0x148: {  	v0 =	vadd.f32 v0, v1;
	v1 =	vadd.f32 v3, v2  }
0x149: {  	v2 =	vadd.f32 v5, v4;
	v3 =	vadd.f32 v7, v6  }
0x14a: {  	v4 =	vadd.f32 v9, v8;
	v5 =	vadd.f32 v11, v10  }
0x14b: {  	v6 =	vadd.f32 v13, v12;
	v7 =	vadd.f32 v15, v14  }
0x14c: {  	v0 =	vadd.f32 v1, v0;
	v1 =	vadd.f32 v3, v2  }
0x14d: {  	v2 =	vadd.f32 v5, v4;
	v3 =	vadd.f32 v7, v6;
	_ =	sdelay $0x1  }
0x14e: {  	v0 =	vadd.f32 v1, v0;
	v1 =	vadd.f32 v3, v2;
	_ =	sdelay $0x1  }
0x14f: {  	v0 =	vadd.f32 v1, v0  }
0x150: {  	s25 =	sadd.s32 $0x10, s5  }
0x151: {  	[tilespmem:s25+$0x0] =	vst v0  }
0x152: {  	v0 =	vld [tilespmem:$0x7900];
	_ =	sdelay $0x4  }
0x153: {  	(erf) = vrcp.f32 v0;
	_ =	sdelay $0x3  }
0x154: {  	v1 =	vld [tilespmem:$0x7700]  }
0x155: {  	v0 =	vld [tilespmem:$0x7910];
	_ =	sdelay $0x1  }
0x156: {  	v3 =	vld [tilespmem:$0x7780]  }
0x157: {  	v2 =	vld [tilespmem:$0x7740]  }
0x158: {  	v6 =	vld [tilespmem:$0x7800];
	v5 =	vpop (erf)  }
0x159: {  	v4 =	vld [tilespmem:$0x77C0];
	(erf) = vrcp.f32 v0;
	v0 =	vmul.f32 v1, v5  }
0x15a: {  	v7 =	vld [tilespmem:$0x7880]  }
0x15b: {  	v1 =	vld [tilespmem:$0x7840];
	[tilespmem:$0x9FC0] =	vst v0;
	v0 =	vmul.f32 v3, v5  }
0x15c: {  	v2 =	vmul.f32 v2, v5  }
0x15d: {  	v3 =	vld [tilespmem:$0x78C0];
	[tilespmem:$0xA040] =	vst v0;
	v0 =	vmul.f32 v6, v5  }
0x15e: {  	[tilespmem:$0xA000] =	vst v2  }
0x15f: {  	v2 =	vmul.f32 v4, v5;
	v6 =	vld [tilespmem:$0x7710];
	[tilespmem:$0xA0C0] =	vst v0;
	v0 =	vmul.f32 v7, v5  }
0x160: {  	[tilespmem:$0xA1C0] =	vst v5;
	v4 =	vld [tilespmem:$0x7920];
	v1 =	vmul.f32 v1, v5  }
0x161: {  	[tilespmem:$0xA080] =	vst v2;
	v7 =	vld [tilespmem:$0x7790]  }
0x162: {  	v2 =	vld [tilespmem:$0x7750];
	[tilespmem:$0xA100] =	vst v1;
	v1 =	vmul.f32 v3, v5  }
0x163: {  	v5 =	vld [tilespmem:$0x7810];
	[tilespmem:$0xA140] =	vst v0;
	v0 =	vpop (erf)  }
0x164: {  	v3 =	vld [tilespmem:$0x77D0];
	[tilespmem:$0xA180] =	vst v1;
	v1 =	vmul.f32 v6, v0  }
0x165: {  	(erf) = vrcp.f32 v4;
	v6 =	vld [tilespmem:$0x7890]  }
0x166: {  	v4 =	vld [tilespmem:$0x7850];
	[tilespmem:$0x9FD0] =	vst v1;
	v1 =	vmul.f32 v7, v0  }
0x167: {  	v2 =	vmul.f32 v2, v0  }
0x168: {  	v7 =	vld [tilespmem:$0x78D0];
	[tilespmem:$0xA050] =	vst v1;
	v1 =	vmul.f32 v5, v0  }
0x169: {  	[tilespmem:$0xA010] =	vst v2;
	v2 =	vmul.f32 v3, v0  }
0x16a: {  	v5 =	vld [tilespmem:$0x7720];
	[tilespmem:$0xA0D0] =	vst v1;
	v1 =	vmul.f32 v6, v0  }
0x16b: {  	v3 =	vld [tilespmem:$0x7930];
	[tilespmem:$0xA090] =	vst v2;
	v2 =	vmul.f32 v4, v0  }
0x16c: {  	[tilespmem:$0xA1D0] =	vst v0;
	v6 =	vld [tilespmem:$0x77A0]  }
0x16d: {  	v4 =	vld [tilespmem:$0x7760];
	[tilespmem:$0xA110] =	vst v2;
	v0 =	vmul.f32 v7, v0  }
0x16e: {  	v7 =	vld [tilespmem:$0x7820];
	[tilespmem:$0xA150] =	vst v1;
	v1 =	vpop (erf)  }
0x16f: {  	v2 =	vld [tilespmem:$0x77E0];
	[tilespmem:$0xA190] =	vst v0;
	v0 =	vmul.f32 v5, v1  }
0x170: {  	(erf) = vrcp.f32 v3;
	v5 =	vld [tilespmem:$0x78A0]  }
0x171: {  	v3 =	vld [tilespmem:$0x7860];
	[tilespmem:$0x9FE0] =	vst v0;
	v0 =	vmul.f32 v6, v1  }
0x172: {  	v4 =	vmul.f32 v4, v1  }
0x173: {  	v6 =	vld [tilespmem:$0x78E0];
	[tilespmem:$0xA060] =	vst v0;
	v0 =	vmul.f32 v7, v1  }
0x174: {  	v2 =	vmul.f32 v2, v1;
	[tilespmem:$0xA020] =	vst v4  }
0x175: {  	v4 =	vld [tilespmem:$0x7730];
	[tilespmem:$0xA0E0] =	vst v0;
	v0 =	vmul.f32 v5, v1  }
0x176: {  	[tilespmem:$0xA0A0] =	vst v2;
	v2 =	vmul.f32 v3, v1;
	v3 =	vld [tilespmem:$0x7770]  }
0x177: {  	[tilespmem:$0xA1E0] =	vst v1;
	v5 =	vld [tilespmem:$0x77B0]  }
0x178: {  	[tilespmem:$0xA120] =	vst v2;
	v2 =	vld [tilespmem:$0x77F0];
	v1 =	vmul.f32 v6, v1  }
0x179: {  	v6 =	vld [tilespmem:$0x7830];
	[tilespmem:$0xA160] =	vst v0;
	v0 =	vpop (erf)  }
0x17a: {  	[tilespmem:$0xA1A0] =	vst v1;
	v1 =	vmul.f32 v4, v0;
	v4 =	vld [tilespmem:$0x7870]  }
0x17b: {  	v7 =	vld [tilespmem:$0x78B0];
	[tilespmem:$0xA1F0] =	vst v0;
	v3 =	vmul.f32 v3, v0  }
0x17c: {  	[tilespmem:$0x9FF0] =	vst v1;
	v1 =	vmul.f32 v5, v0;
	v5 =	vld [tilespmem:$0x78F0]  }
0x17d: {  	v2 =	vmul.f32 v2, v0;
	[tilespmem:$0xA030] =	vst v3  }
0x17e: {  	[tilespmem:$0xA070] =	vst v1;
	v1 =	vmul.f32 v6, v0  }
0x17f: {  	[tilespmem:$0xA0B0] =	vst v2;
	v2 =	vmul.f32 v4, v0  }
0x180: {  	[tilespmem:$0xA0F0] =	vst v1;
	v1 =	vmul.f32 v7, v0  }
0x181: {  	[tilespmem:$0xA130] =	vst v2;
	v0 =	vmul.f32 v5, v0  }
0x182: {  	s26 =	simm.s32 $0x0;
	[tilespmem:$0xA170] =	vst v1  }
0x183: {  	s28 =	simm.s32 $0x4800;
	s6 =	sand.u32 $0x40, s26;
	s7 =	sand.u32 $0x7C00, s26;
	[tilespmem:$0xA1B0] =	vst v0  }
0x184: {  	s29 =	sor.u32 s6, s7;
	v33 =	vld [tilespmem:s28+$0x0]  }
0x185: {  	v8 =	vld [tilespmem:s29+$0x180]  }
0x186: {  	v9 =	vld [tilespmem:s29+$0x100]  }
0x187: {  	s8 =	sor.u32 $0x30, s6;
	v10 =	vld [tilespmem:s29+$0x80]  }
0x188: {  	s30 =	sor.u32 $0x20, s6;
	s9 =	sor.u32 s8, s7;
	v11 =	vld [tilespmem:s29+$0x0]  }
0x189: {  	s10 =	sor.u32 s30, s7;
	v7 =	vld [tilespmem:s9+$0x180]  }
0x18a: {  	s11 =	sor.u32 $0x10, s6;
	v0 =	vld [tilespmem:s10+$0x180]  }
0x18b: {  	s6 =	sor.u32 s11, s7;
	v3 =	vld [tilespmem:s9+$0x100]  }
0x18c: {  	v6 =	vld [tilespmem:s6+$0x180]  }
0x18d: {  	v4 =	vld [tilespmem:s10+$0x100]  }
0x18e: {  	v5 =	vld [tilespmem:s9+$0x80]  }
0x18f: {  	v2 =	vld [tilespmem:s6+$0x100]  }
0x190: {  	s31 =	simm.s32 $0x1;
	v1 =	vld [tilespmem:s10+$0x80]  }
0x191: {  	[dreg:$0x5] =	wrdreg s31;
	s4 =	sand.u32 $0xF80, s26;
	v12 =	vld [tilespmem:s9+$0x0]  }
0x192: {  	p0 =	por $0x0, $0x0;
	s4 =	sadd.s32 $0x4800, s4;
	s7 =	rddreg [dreg:$0x5];
	v13 =	vld [tilespmem:s10+$0x0]  }
0x193: {  	s8 =	sor.u32 s8, s4;
	s7 =	simm.s32 @!p0 $0x0;
	v14 =	vld [tilespmem:s6+$0x0]  }
0x194: {  	s5 =	sor.u32 s30, s4;
	s7 =	sshll.u32 s7, $0x6;
	v34 =	vld [tilespmem:s8+$0x0]  }
0x195: {  	s4 =	sor.u32 s11, s4;
	s7 =	sadd.s32 $0x0, s7;
	v35 =	vld [tilespmem:s5+$0x0]  }
0x196: {  	s11 =	sor.u32 $0x200, s7;
	s12 =	sadd.s32 $0x30, s7;
	v28 =	vld [tilespmem:s4+$0x0]  }
0x197: {  	s13 =	sadd.s32 $0x20, s7;
	s14 =	sor.u32 $0x380, s12;
	v18 =	vld [tilespmem:s11+$0x0]  }
0x198: {  	s15 =	sor.u32 $0x380, s13;
	v19 =	vld [tilespmem:s14+$0x0]  }
0x199: {  	s16 =	sor.u32 $0x300, s12;
	v20 =	vld [tilespmem:s15+$0x0]  }
0x19a: {  	s18 =	sor.u32 $0x300, s13;
	v21 =	vld [tilespmem:s16+$0x0]  }
0x19b: {  	s19 =	sor.u32 $0x280, s12;
	v23 =	vld [tilespmem:s18+$0x0]  }
0x19c: {  	s21 =	sor.u32 $0x280, s13;
	v24 =	vld [tilespmem:s19+$0x0]  }
0x19d: {  	s8 =	sor.u32 $0x380, s7;
	v26 =	vld [tilespmem:s21+$0x0]  }
0x19e: {  	s9 =	sor.u32 $0x300, s7;
	v15 =	vld [tilespmem:s8+$0x0]  }
0x19f: {  	s10 =	sor.u32 $0x280, s7;
	v16 =	vld [tilespmem:s9+$0x0]  }
0x1a0: {  	s5 =	sor.u32 $0x200, s12;
	v17 =	vld [tilespmem:s10+$0x0]  }
0x1a1: {  	s7 =	sadd.s32 $0x10, s7;
	s4 =	sor.u32 $0x200, s13;
	v27 =	vld [tilespmem:s5+$0x0]  }
0x1a2: {  	s17 =	sor.u32 $0x380, s7;
	v32 =	vld [tilespmem:s4+$0x0]  }
0x1a3: {  	s20 =	sor.u32 $0x300, s7;
	v22 =	vld [tilespmem:s17+$0x0]  }
0x1a4: {  	s22 =	sor.u32 $0x280, s7;
	v25 =	vld [tilespmem:s20+$0x0]  }
0x1a5: {  	s23 =	sor.u32 $0x200, s7;
	v30 =	vld [tilespmem:s22+$0x0]  }
0x1a6: {  	s4 =	simm.s32 $0x9FC0;
	v37 =	vld [tilespmem:s23+$0x0];
	v29 =	vadd.s32 $0x1C0, v33  }
0x1a7: {  	v31 =	vadd.s32 $0x180, v33;
	v39 =	vld.idx.msk [tilespmem:v33+s4+$0x0], $0xffff  }
0x1a8: {  	v36 =	vadd.s32 $0x140, v33;
	v45 =	vld.idx.msk [tilespmem:v34+s4+$0x0], $0xffff  }
0x1a9: {  	v38 =	vadd.s32 $0x100, v33;
	v48 =	vld.idx.msk [tilespmem:v35+s4+$0x0], $0xffff  }
0x1aa: {  	v40 =	vadd.s32 $0xC0, v33;
	v49 =	vld.idx.msk [tilespmem:v28+s4+$0x0], $0xffff  }
0x1ab: {  	v41 =	vadd.s32 $0x80, v33;
	v29 =	vld.idx.msk [tilespmem:v29+s4+$0x0], $0xffff  }
0x1ac: {  	v42 =	vadd.s32 $0x40, v33;
	v31 =	vld.idx.msk [tilespmem:v31+s4+$0x0], $0xffff  }
0x1ad: {  	v43 =	vadd.s32 $0x1C0, v34;
	v36 =	vld.idx.msk [tilespmem:v36+s4+$0x0], $0xffff  }
0x1ae: {  	v44 =	vadd.s32 $0x1C0, v35;
	v38 =	vld.idx.msk [tilespmem:v38+s4+$0x0], $0xffff  }
0x1af: {  	v46 =	vadd.s32 $0x180, v34;
	v40 =	vld.idx.msk [tilespmem:v40+s4+$0x0], $0xffff  }
0x1b0: {  	v47 =	vadd.s32 $0x1C0, v28;
	v41 =	vld.idx.msk [tilespmem:v41+s4+$0x0], $0xffff  }
0x1b1: {  	v50 =	vadd.s32 $0x180, v35;
	v42 =	vld.idx.msk [tilespmem:v42+s4+$0x0], $0xffff  }
0x1b2: {  	v51 =	vadd.s32 $0x140, v34;
	v43 =	vld.idx.msk [tilespmem:v43+s4+$0x0], $0xffff  }
0x1b3: {  	v52 =	vadd.s32 $0x180, v28;
	v44 =	vld.idx.msk [tilespmem:v44+s4+$0x0], $0xffff  }
0x1b4: {  	v53 =	vadd.s32 $0x140, v35;
	v46 =	vld.idx.msk [tilespmem:v46+s4+$0x0], $0xffff  }
0x1b5: {  	v54 =	vadd.s32 $0x100, v34;
	v47 =	vld.idx.msk [tilespmem:v47+s4+$0x0], $0xffff  }
0x1b6: {  	v55 =	vadd.s32 $0x140, v28;
	v50 =	vld.idx.msk [tilespmem:v50+s4+$0x0], $0xffff  }
0x1b7: {  	v57 =	vadd.s32 $0xC0, v34;
	v51 =	vld.idx.msk [tilespmem:v51+s4+$0x0], $0xffff  }
0x1b8: {  	v58 =	vadd.s32 $0x100, v28;
	v52 =	vld.idx.msk [tilespmem:v52+s4+$0x0], $0xffff  }
0x1b9: {  	v59 =	vadd.s32 $0x80, v34;
	v53 =	vld.idx.msk [tilespmem:v53+s4+$0x0], $0xffff  }
0x1ba: {  	v60 =	vadd.s32 $0xC0, v35;
	v54 =	vld.idx.msk [tilespmem:v54+s4+$0x0], $0xffff;
	v11 =	vsub.f32 v39, v11;
	v48 =	vsub.f32 v48, v13  }
0x1bb: {  	v56 =	vadd.s32 $0x100, v35;
	v55 =	vld.idx.msk [tilespmem:v55+s4+$0x0], $0xffff;
	v12 =	vsub.f32 v45, v12;
	v14 =	vsub.f32 v49, v14  }
0x1bc: {  	v62 =	vld.idx.msk [tilespmem:v57+s4+$0x0], $0xffff;
	v57 =	vadd.s32 $0x40, v35;
	v15 =	vsub.f32 v29, v15;
	v17 =	vsub.f32 v36, v17  }
0x1bd: {  	v61 =	vadd.s32 $0x40, v34;
	v63 =	vld.idx.msk [tilespmem:v58+s4+$0x0], $0xffff;
	v16 =	vsub.f32 v31, v16;
	v8 =	vsub.f32 v40, v8  }
0x1be: {  	v58 =	vld.idx.msk [tilespmem:v59+s4+$0x0], $0xffff;
	v59 =	vadd.s32 $0x40, v28;
	v18 =	vsub.f32 v38, v18;
	v10 =	vsub.f32 v42, v10  }
0x1bf: {  	v13 =	vld.idx.msk [tilespmem:v60+s4+$0x0], $0xffff;
	v29 =	vadd.s32 $0xC0, v28;
	v9 =	vsub.f32 v41, v9;
	v44 =	vsub.f32 v44, v20  }
0x1c0: {  	s24 =	simm.s32 $0x200;
	s5 =	simm.s32 $0x40;
	v31 =	vadd.s32 $0x80, v35;
	v36 =	vld.idx.msk [tilespmem:v56+s4+$0x0], $0xffff;
	v19 =	vsub.f32 v43, v19;
	v22 =	vsub.f32 v47, v22  }
0x1c1: {  	s7 =	sand.u32 $0x7C00, s24;
	s25 =	sand.u32 $0x40, s5;
	v11 =	vmul.f32 v11, v11;
	v21 =	vsub.f32 v46, v21;
	v23 =	vsub.f32 v50, v23;
	v39 =	vld.idx.msk [tilespmem:v57+s4+$0x0], $0xffff  }
0x1c2: {  	s26 =	sor.u32 s25, s7;
	v56 =	vadd.s32 $0x80, v28;
	v24 =	vsub.f32 v51, v24;
	v7 =	vsub.f32 v62, v7;
	v62 =	vld [tilespmem:s6+$0x80]  }
0x1c3: {  	v25 =	vsub.f32 v52, v25;
	v26 =	vsub.f32 v53, v26;
	s6 =	simm.s32 $0x4840;
	v45 =	vmul.f32 v12, v12;
	v12 =	vld [tilespmem:s26+$0x100]  }
0x1c4: {  	v37 =	vsub.f32 v63, v37;
	v46 =	vmul.f32 v48, v48;
	v63 =	vsub.f32 v13, v0;
	v0 =	vld [tilespmem:s6+$0x0]  }
0x1c5: {  	v30 =	vsub.f32 v55, v30;
	v20 =	vmul.f32 v15, v15;
	v60 =	vmul.f32 v17, v17;
	v15 =	vld.idx.msk [tilespmem:v31+s4+$0x0], $0xffff  }
0x1c6: {  	v27 =	vsub.f32 v54, v27;
	v18 =	vmul.f32 v18, v18;
	v31 =	vmul.f32 v16, v16;
	v16 =	vld.idx.msk [tilespmem:v61+s4+$0x0], $0xffff  }
0x1c7: {  	v11 =	vadd.f32 $9.999999960e-13, v11;
	v10 =	vmul.f32 v10, v10;
	v61 =	vmul.f32 v8, v8;
	v8 =	vld.idx.msk [tilespmem:v59+s4+$0x0], $0xffff  }
0x1c8: {  	s28 =	sor.u32 $0x30, s25;
	s29 =	sor.u32 $0x20, s25;
	s8 =	sor.u32 $0x10, s25;
	v3 =	vsub.f32 v58, v3;
	v9 =	vmul.f32 v9, v9;
	v21 =	vmul.f32 v21, v21;
	v29 =	vld.idx.msk [tilespmem:v29+s4+$0x0], $0xffff  }
0x1c9: {  	s30 =	sor.u32 s28, s7;
	s12 =	sor.u32 s29, s7;
	s7 =	sor.u32 s8, s7;
	v19 =	vmul.f32 v19, v19;
	v27 =	vmul.f32 v27, v27;
	v10 =	vadd.f32 v10, v11;
	v17 =	vld.idx.msk [tilespmem:v56+s4+$0x0], $0xffff  }
0x1ca: {  	v47 =	vmul.f32 v7, v7;
	v48 =	vadd.f32 $9.999999960e-13, v45;
	v49 =	vadd.f32 $9.999999960e-13, v46;
	v7 =	vld [tilespmem:s7+$0x180]  }
0x1cb: {  	v24 =	vmul.f32 v24, v24;
	v13 =	vld [tilespmem:s26+$0x180];
	v1 =	vsub.f32 v39, v1;
	v10 =	vadd.f32 v9, v10  }
0x1cc: {  	v9 =	vld [tilespmem:s30+$0x80];
	v16 =	vsub.f32 v16, v5;
	v5 =	vmul.f32 v14, v14;
	v8 =	vsub.f32 v8, v62  }
0x1cd: {  	v3 =	vmul.f32 v3, v3;
	v50 =	vadd.f32 v61, v10;
	v10 =	vld [tilespmem:s7+$0x100];
	v6 =	vsub.f32 v29, v6  }
0x1ce: {  	v17 =	vsub.f32 v17, v2;
	v14 =	vld [tilespmem:s26+$0x80];
	v11 =	vadd.f32 $9.999999960e-13, v5;
	v8 =	vmul.f32 v8, v8  }
0x1cf: {  	v1 =	vmul.f32 v1, v1;
	v29 =	vsub.f32 v15, v4;
	v2 =	vld [tilespmem:s30+$0x180];
	v18 =	vadd.f32 v18, v50  }
0x1d0: {  	v15 =	vld [tilespmem:s26+$0x0];
	v16 =	vmul.f32 v16, v16;
	v17 =	vmul.f32 v17, v17;
	v11 =	vadd.f32 v8, v11  }
0x1d1: {  	v1 =	vadd.f32 v1, v49;
	v39 =	vld.idx.msk [tilespmem:v0+s4+$0x0], $0xffff;
	v29 =	vmul.f32 v29, v29;
	v51 =	vadd.f32 v60, v18  }
0x1d2: {  	v6 =	vmul.f32 v6, v6;
	v18 =	vld [tilespmem:s7+$0x0];
	v16 =	vadd.f32 v16, v48;
	v17 =	vadd.f32 v17, v11  }
0x1d3: {  	v32 =	vsub.f32 v36, v32;
	v8 =	vld [tilespmem:s12+$0x100];
	v1 =	vadd.f32 v29, v1;
	v29 =	vmul.f32 v63, v63  }
0x1d4: {  	p0 =	por !p0, !p0;
	s13 =	rddreg [dreg:$0x5];
	v37 =	vmul.f32 v37, v37;
	[tilespmem:$0x1FFD0] =	vst v2;
	v2 =	vld [tilespmem:s12+$0x180];
	v3 =	vadd.f32 v3, v16;
	v6 =	vadd.f32 v6, v17  }
0x1d5: {  	s13 =	simm.s32 @!p0 $0x0;
	s14 =	sand.u32 $0xF80, s5;
	v31 =	vadd.f32 v31, v51;
	v11 =	vld [tilespmem:s12+$0x80];
	v1 =	vadd.f32 v29, v1;
	v29 =	vmul.f32 v32, v32  }
0x1d6: {  	s13 =	sshll.u32 s13, $0x6;
	s31 =	sadd.s32 $0x4800, s14;
	v30 =	vmul.f32 v30, v30;
	v16 =	vld [tilespmem:s30+$0x0];
	v3 =	vadd.f32 v47, v3;
	v6 =	vadd.f32 v37, v6  }
0x1d7: {  	s14 =	sadd.s32 $0x200, s13;
	s10 =	sor.u32 s28, s31;
	v26 =	vmul.f32 v26, v26;
	v17 =	vld [tilespmem:s12+$0x0];
	v29 =	vadd.f32 v29, v1;
	v47 =	vadd.f32 v20, v31  }
0x1d8: {  	s15 =	sor.u32 $0x380, s14;
	v25 =	vmul.f32 v25, v25;
	v1 =	vld [tilespmem:s10+$0x0];
	v27 =	vadd.f32 v27, v3;
	v30 =	vadd.f32 v30, v6  }
0x1d9: {  	v23 =	vmul.f32 v23, v23;
	v22 =	vmul.f32 v22, v22;
	v20 =	vld [tilespmem:s15+$0x0];
	v26 =	vadd.f32 v26, v29  }
0x1da: {  	s9 =	sor.u32 s29, s31;
	s19 =	sadd.s32 $0x30, s14;
	[tilespmem:$0x1FFE0] =	vst v2;
	v2 =	vld [tilespmem:s30+$0x100];
	v29 =	vshra.s32 v47, $0x1;
	v24 =	vadd.f32 v24, v27;
	v25 =	vadd.f32 v25, v30  }
0x1db: {  	s10 =	sadd.s32 $0x10, s14;
	v3 =	vld [tilespmem:s9+$0x0];
	v42 =	vmul.f32 $5.000000000e-01, v47;
	s9 =	sor.u32 $0x200, s19;
	v23 =	vadd.f32 v23, v26;
	v26 =	vmul.f32 v44, v44  }
0x1dc: {  	s30 =	sor.u32 $0x280, s10;
	v32 =	vld [tilespmem:s9+$0x0];
	v27 =	vadd.f32 v21, v24;
	v30 =	vsub.s32 $0x5F3759DF, v29;
	v49 =	vadd.f32 v22, v25  }
0x1dd: {  	s8 =	sor.u32 s8, s31;
	s20 =	sadd.s32 $0x20, s14;
	v36 =	vld [tilespmem:s30+$0x0];
	v51 =	vadd.f32 v26, v23;
	v23 =	vmul.f32 v30, v42  }
0x1de: {  	v6 =	vld [tilespmem:s8+$0x0];
	s8 =	sor.u32 $0x200, s20;
	v48 =	vadd.f32 v19, v27;
	v22 =	vshra.s32 v49, $0x1;
	v43 =	vmul.f32 $5.000000000e-01, v49  }
0x1df: {  	s16 =	sor.u32 $0x300, s14;
	v38 =	vld [tilespmem:s8+$0x0];
	v26 =	vshra.s32 v51, $0x1;
	v46 =	vmul.f32 $5.000000000e-01, v51;
	v52 =	vsub.s32 $0x5F3759DF, v22  }
0x1e0: {  	s17 =	sor.u32 $0x280, s14;
	v21 =	vld [tilespmem:s16+$0x0];
	v27 =	vmul.f32 v30, v23;
	v53 =	vsub.s32 $0x5F3759DF, v26;
	v29 =	vmul.f32 v52, v43  }
0x1e1: {  	s8 =	simm.s32 $0xA1C0;
	v24 =	vld [tilespmem:s17+$0x0];
	v31 =	vmul.f32 v53, v46;
	v54 =	vshra.s32 v48, $0x1;
	v50 =	vmul.f32 $5.000000000e-01, v48  }
0x1e2: {  	v4 =	vld.idx.msk [tilespmem:v34+s8+$0x0], $0xffff;
	v55 =	vsub.f32 $1.500000000e+00, v27;
	v37 =	vsub.s32 $0x5F3759DF, v54;
	v56 =	vmul.f32 v52, v29  }
0x1e3: {  	s18 =	sor.u32 $0x200, s14;
	[tilespmem:$0x1FFF0] =	vst v2;
	v2 =	vld.idx.msk [tilespmem:v33+s8+$0x0], $0xffff;
	v31 =	vmul.f32 v53, v31;
	v57 =	vmul.f32 v37, v50  }
0x1e4: {  	s21 =	sor.u32 $0x380, s19;
	v25 =	vld [tilespmem:s18+$0x0];
	v41 =	vmul.f32 v30, v55;
	v58 =	vsub.f32 $1.500000000e+00, v56  }
0x1e5: {  	v19 =	vld [tilespmem:s21+$0x0];
	v59 =	vsub.f32 $1.500000000e+00, v31;
	v40 =	vmul.f32 v37, v57  }
0x1e6: {  	s23 =	sor.u32 $0x300, s19;
	v34 =	vld.idx.msk [tilespmem:v1+s4+$0x0], $0xffff;
	v60 =	vmul.f32 v41, v42;
	v45 =	vmul.f32 v52, v58  }
0x1e7: {  	s24 =	sor.u32 $0x380, s10;
	v23 =	vld [tilespmem:s23+$0x0];
	v61 =	vsub.f32 $1.500000000e+00, v40;
	v52 =	vmul.f32 v53, v59  }
0x1e8: {  	s22 =	sor.u32 $0x380, s20;
	v26 =	vld [tilespmem:s24+$0x0];
	v44 =	vmul.f32 v60, v41;
	v62 =	vmul.f32 v45, v43  }
0x1e9: {  	s25 =	sor.u32 $0x300, s20;
	v22 =	vld [tilespmem:s22+$0x0];
	v56 =	vmul.f32 v37, v61;
	v63 =	vmul.f32 v52, v46  }
0x1ea: {  	s28 =	sor.u32 $0x300, s10;
	v27 =	vld [tilespmem:s25+$0x0];
	v40 =	vadd.s32 $0x1C0, v0;
	v44 =	vsub.f32 $1.500000000e+00, v44;
	v53 =	vmul.f32 v62, v45  }
0x1eb: {  	s26 =	sor.u32 $0x280, s19;
	v54 =	vadd.s32 $0x180, v0;
	v30 =	vld [tilespmem:s28+$0x0];
	v33 =	vmul.f32 v56, v50;
	v55 =	vmul.f32 v63, v52  }
0x1ec: {  	s29 =	sor.u32 $0x280, s20;
	v29 =	vld [tilespmem:s26+$0x0];
	v60 =	vadd.s32 $0xC0, v0;
	v61 =	vmul.f32 v44, v41;
	v44 =	vsub.f32 $1.500000000e+00, v53  }
0x1ed: {  	s31 =	sor.u32 $0x200, s10;
	v31 =	vld [tilespmem:s29+$0x0];
	v59 =	vmul.f32 v33, v56;
	v53 =	vadd.s32 $0x80, v0;
	v55 =	vsub.f32 $1.500000000e+00, v55  }
0x1ee: {  	v37 =	vld [tilespmem:s31+$0x0];
	v58 =	vadd.s32 $0x100, v0;
	v33 =	vmul.f32 v61, v42;
	v63 =	vmul.f32 v44, v45  }
0x1ef: {  	v57 =	vadd.s32 $0x140, v0;
	v41 =	vld.idx.msk [tilespmem:v40+s4+$0x0], $0xffff;
	v52 =	vmul.f32 v55, v52;
	v55 =	vsub.f32 $1.500000000e+00, v59  }
0x1f0: {  	v40 =	vld.idx.msk [tilespmem:v54+s4+$0x0], $0xffff;
	v54 =	vmul.f32 v33, v61;
	v33 =	vmul.f32 v63, v43  }
0x1f1: {  	v62 =	vadd.s32 $0x40, v0;
	v45 =	vld.idx.msk [tilespmem:v60+s4+$0x0], $0xffff;
	v55 =	vmul.f32 v55, v56  }
0x1f2: {  	v43 =	vld.idx.msk [tilespmem:v53+s4+$0x0], $0xffff;
	v53 =	vsub.f32 $1.500000000e+00, v54;
	v60 =	vmul.f32 v33, v63;
	v33 =	vmul.f32 v52, v46  }
0x1f3: {  	v5 =	vimm.f32 $0.0e+00;
	v42 =	vld.idx.msk [tilespmem:v58+s4+$0x0], $0xffff;
	v50 =	vmul.f32 v55, v50  }
0x1f4: {  	v44 =	vld.idx.msk [tilespmem:v57+s4+$0x0], $0xffff;
	v53 =	vmul.f32 v53, v61;
	v54 =	vsub.f32 $1.500000000e+00, v60;
	v56 =	vmul.f32 v33, v52  }
0x1f5: {  	v58 =	vadd.s32 $0x1C0, v3;
	v59 =	vadd.s32 $0x1C0, v1;
	v57 =	vld.idx.msk [tilespmem:v28+s8+$0x0], $0xffff;
	v50 =	vmul.f32 v50, v55  }
0x1f6: {  	v46 =	vld.idx.msk [tilespmem:v62+s4+$0x0], $0xffff;
	v47 =	vmul.f32 v53, v47;
	v53 =	vmul.f32 v54, v63;
	v54 =	vsub.f32 $1.500000000e+00, v56  }
0x1f7: {  	v62 =	vld.idx.msk [tilespmem:v35+s8+$0x0], $0xffff;
	v60 =	vadd.s32 $0x180, v1;
	v56 =	vadd.s32 $0x1C0, v6;
	v35 =	vsub.f32 $1.500000000e+00, v50  }
0x1f8: {  	v50 =	vld.idx.msk [tilespmem:v3+s4+$0x0], $0xffff;
	v63 =	vadd.f32 $-1.000000010e-01, v47;
	v49 =	vmul.f32 v53, v49;
	v52 =	vmul.f32 v54, v52  }
0x1f9: {  	v47 =	vld.idx.msk [tilespmem:v6+s4+$0x0], $0xffff;
	v53 =	vadd.s32 $0x180, v3;
	v54 =	vadd.s32 $0x140, v1;
	v55 =	vmul.f32 v35, v55  }
0x1fa: {  	v35 =	vld.idx.msk [tilespmem:v59+s4+$0x0], $0xffff;
	v59 =	vmax.f32 v63, $0.0e+00;
	v33 =	vadd.f32 $-1.000000010e-01, v49;
	v52 =	vmul.f32 v52, v51  }
0x1fb: {  	v28 =	vadd.s32 $0x180, v6;
	v61 =	vadd.s32 $0x140, v3;
	v51 =	vld.idx.msk [tilespmem:v58+s4+$0x0], $0xffff;
	v58 =	vmul.f32 v59, v2  }
0x1fc: {  	v49 =	vld.idx.msk [tilespmem:v60+s4+$0x0], $0xffff;
	v55 =	vmul.f32 v55, v48;
	v59 =	vmax.f32 v33, $0.0e+00;
	v33 =	vadd.f32 $-1.000000010e-01, v52  }
0x1fd: {  	v48 =	vld.idx.msk [tilespmem:v56+s4+$0x0], $0xffff;
	v56 =	vadd.f32 v58, v5;
	v57 =	vmul.f32 v59, v57  }
0x1fe: {  	v60 =	vadd.s32 $0x140, v6;
	v55 =	vadd.f32 $-1.000000010e-01, v55;
	v52 =	vld.idx.msk [tilespmem:v53+s4+$0x0], $0xffff;
	v33 =	vmax.f32 v33, $0.0e+00  }
0x1ff: {  	v58 =	vadd.s32 $0x100, v3;
	v53 =	vld.idx.msk [tilespmem:v54+s4+$0x0], $0xffff;
	v63 =	vadd.f32 v57, v56;
	v62 =	vmul.f32 v33, v62  }
0x200: {  	v59 =	vadd.s32 $0x100, v1;
	v54 =	vld.idx.msk [tilespmem:v28+s4+$0x0], $0xffff;
	v57 =	vadd.s32 $0xC0, v1;
	v33 =	vmax.f32 v55, $0.0e+00  }
0x201: {  	s9 =	simm.s32 $0x400;
	v56 =	vadd.s32 $0x100, v6;
	v55 =	vld.idx.msk [tilespmem:v61+s4+$0x0], $0xffff;
	v33 =	vmul.f32 v33, v4;
	v28 =	vadd.f32 v62, v63  }
.LBB2_9:
0x202: {  	_ =	sdelay $0x2  }
0x203: {  	v59 =	vld.idx.msk [tilespmem:v59+s4+$0x0], $0xffff  }
0x204: {  	v60 =	vld.idx.msk [tilespmem:v60+s4+$0x0], $0xffff  }
0x205: {  	v2 =	vld [tilespmem:$0x1FFD0];
	v28 =	vadd.f32 v33, v28  }
0x206: {  	v4 =	vld [tilespmem:s7+$0x80];
	v15 =	vsub.f32 v39, v15;
	v13 =	vsub.f32 v45, v13  }
0x207: {  	v61 =	vadd.s32 $0x80, v1;
	s5 =	sadd.s32 $0x40, s5;
	v5 =	vld [tilespmem:$0x1FFF0];
	v14 =	vsub.f32 v46, v14;
	v12 =	vsub.f32 v43, v12  }
0x208: {  	v62 =	vadd.s32 $0x40, v1;
	s12 =	sand.u32 $0x40, s5;
	s16 =	sand.u32 $0xF80, s5;
	v45 =	vld.idx.msk [tilespmem:v57+s4+$0x0], $0xffff;
	v17 =	vsub.f32 v50, v17;
	v20 =	vsub.f32 v41, v20  }
0x209: {  	v63 =	vadd.s32 $0x80, v6;
	s13 =	sand.u32 $0x7C00, s9;
	s11 =	sor.u32 $0x30, s12;
	s30 =	sadd.s32 $0x4800, s16;
	v43 =	vld.idx.msk [tilespmem:v56+s4+$0x0], $0xffff;
	v24 =	vsub.f32 v44, v24;
	v33 =	vsub.f32 v40, v21  }
0x20a: {  	v39 =	vadd.s32 $0xC0, v3;
	s14 =	sor.u32 s11, s13;
	s11 =	sor.u32 s11, s30;
	v44 =	vld.idx.msk [tilespmem:v58+s4+$0x0], $0xffff;
	v25 =	vsub.f32 v42, v25;
	v16 =	vsub.f32 v34, v16  }
0x20b: {  	v41 =	vadd.s32 $0xC0, v6;
	v21 =	vsub.f32 v51, v22;
	v35 =	vsub.f32 v35, v19;
	v34 =	vld [tilespmem:s11+$0x0]  }
0x20c: {  	v40 =	vadd.s32 $0x80, v3;
	v19 =	vsub.f32 v48, v26;
	v23 =	vsub.f32 v49, v23;
	v57 =	vld.idx.msk [tilespmem:v61+s4+$0x0], $0xffff  }
0x20d: {  	v22 =	vsub.f32 v52, v27;
	v29 =	vsub.f32 v53, v29;
	v15 =	vmul.f32 v15, v15;
	v27 =	vld.idx.msk [tilespmem:v62+s4+$0x0], $0xffff  }
0x20e: {  	v58 =	vadd.s32 $0x40, v6;
	v30 =	vsub.f32 v54, v30;
	v31 =	vsub.f32 v55, v31;
	v61 =	vld.idx.msk [tilespmem:v63+s4+$0x0], $0xffff  }
0x20f: {  	v56 =	vadd.f32 $9.999999960e-13, v15;
	v15 =	vsub.f32 v47, v18;
	v18 =	vadd.s32 $0x40, v3;
	v39 =	vld.idx.msk [tilespmem:v39+s4+$0x0], $0xffff  }
0x210: {  	v62 =	vmul.f32 v13, v13;
	v53 =	vmul.f32 v12, v12;
	v52 =	vsub.f32 v45, v2;
	v2 =	vld [tilespmem:$0x1FFE0]  }
0x211: {  	p0 =	por !p0, !p0;
	v32 =	vsub.f32 v59, v32;
	v20 =	vmul.f32 v20, v20;
	v24 =	vmul.f32 v24, v24;
	v41 =	vld.idx.msk [tilespmem:v41+s4+$0x0], $0xffff  }
0x212: {  	s29 =	sor.u32 s12, s13;
	s10 =	sor.u32 $0x20, s12;
	s12 =	sor.u32 $0x10, s12;
	v36 =	vsub.f32 v60, v36;
	v25 =	vmul.f32 v25, v25;
	v23 =	vmul.f32 v23, v23;
	v26 =	vld.idx.msk [tilespmem:v40+s4+$0x0], $0xffff  }
0x213: {  	s15 =	sor.u32 s10, s13;
	s7 =	sor.u32 s12, s13;
	s13 =	rddreg [dreg:$0x5];
	v32 =	vmul.f32 v32, v32;
	v37 =	vsub.f32 v43, v37;
	v63 =	vld.idx.msk [tilespmem:v58+s4+$0x0], $0xffff;
	v5 =	vsub.f32 v57, v5  }
0x214: {  	s13 =	simm.s32 @!p0 $0x0;
	v40 =	vmul.f32 v33, v33;
	v38 =	vsub.f32 v44, v38;
	v55 =	vmul.f32 v52, v52;
	v18 =	vld.idx.msk [tilespmem:v18+s4+$0x0], $0xffff  }
0x215: {  	v13 =	vld [tilespmem:s29+$0x180];
	s13 =	sshll.u32 s13, $0x6;
	v10 =	vsub.f32 v61, v10;
	v61 =	vmul.f32 v36, v36;
	v54 =	vmul.f32 v5, v5  }
0x216: {  	s12 =	sor.u32 s12, s30;
	v12 =	vld [tilespmem:s29+$0x100];
	s31 =	sadd.s32 s13, s9;
	v39 =	vsub.f32 v39, v2;
	v2 =	vmul.f32 v14, v14;
	v41 =	vsub.f32 v41, v7  }
0x217: {  	s6 =	sadd.s32 $0x40, s6;
	v47 =	vld [tilespmem:s12+$0x0];
	s11 =	sadd.s32 $0x10, s31;
	v26 =	vsub.f32 v26, v8;
	v8 =	vsub.f32 v27, v9;
	v9 =	vmul.f32 v15, v15  }
0x218: {  	s10 =	sor.u32 s10, s30;
	s30 =	sor.u32 $0x280, s11;
	v33 =	vld [tilespmem:s6+$0x0];
	v7 =	vmul.f32 v16, v16;
	v16 =	vmul.f32 v17, v17;
	v17 =	vsub.f32 v63, v4  }
0x219: {  	v36 =	vld [tilespmem:s30+$0x0];
	v10 =	vmul.f32 v10, v10;
	v9 =	vadd.f32 $9.999999960e-13, v9;
	v11 =	vsub.f32 v18, v11  }
0x21a: {  	v14 =	vld [tilespmem:s29+$0x80];
	v17 =	vmul.f32 v17, v17;
	v16 =	vadd.f32 $9.999999960e-13, v16;
	v18 =	vadd.f32 v2, v56  }
0x21b: {  	v15 =	vld [tilespmem:s29+$0x0];
	v57 =	vmul.f32 v8, v8;
	v56 =	vadd.f32 $9.999999960e-13, v7;
	v11 =	vmul.f32 v11, v11  }
0x21c: {  	v27 =	vmul.f32 v35, v35;
	v4 =	vld [tilespmem:s14+$0x180];
	v17 =	vadd.f32 v17, v9;
	v18 =	vadd.f32 v53, v18  }
0x21d: {  	v35 =	vld [tilespmem:s10+$0x0];
	v11 =	vadd.f32 v11, v16;
	v16 =	vmul.f32 v26, v26;
	v26 =	vadd.f32 v57, v56  }
0x21e: {  	v41 =	vmul.f32 v41, v41;
	v2 =	vld [tilespmem:s15+$0x180];
	v17 =	vadd.f32 v10, v17;
	v18 =	vadd.f32 v62, v18  }
0x21f: {  	v39 =	vmul.f32 v39, v39;
	v8 =	vld [tilespmem:s15+$0x100];
	v58 =	vadd.f32 v16, v11;
	v26 =	vadd.f32 v54, v26  }
0x220: {  	v59 =	vmul.f32 v37, v37;
	v7 =	vld [tilespmem:s7+$0x180];
	v18 =	vadd.f32 v25, v18;
	v25 =	vadd.f32 v41, v17  }
0x221: {  	v38 =	vmul.f32 v38, v38;
	v9 =	vld [tilespmem:s14+$0x80];
	v60 =	vadd.f32 v39, v58;
	v26 =	vadd.f32 v55, v26  }
0x222: {  	v29 =	vmul.f32 v29, v29;
	v10 =	vld [tilespmem:s7+$0x100];
	v24 =	vadd.f32 v24, v18;
	v25 =	vadd.f32 v59, v25  }
0x223: {  	v31 =	vmul.f32 v31, v31;
	[tilespmem:$0x1FFE0] =	vst v2;
	v2 =	vld [tilespmem:s14+$0x100];
	v62 =	vadd.f32 v38, v60;
	v26 =	vadd.f32 v32, v26  }
0x224: {  	v30 =	vmul.f32 v30, v30;
	v11 =	vld [tilespmem:s15+$0x80];
	v24 =	vadd.f32 v40, v24;
	v25 =	vadd.f32 v61, v25  }
0x225: {  	v22 =	vmul.f32 v22, v22;
	v16 =	vld [tilespmem:s14+$0x0];
	v31 =	vadd.f32 v31, v62;
	v26 =	vadd.f32 v29, v26  }
0x226: {  	v19 =	vmul.f32 v19, v19;
	s16 =	sor.u32 $0x300, s31;
	v17 =	vld [tilespmem:s15+$0x0];
	v50 =	vadd.f32 v20, v24;
	v24 =	vadd.f32 v30, v25  }
0x227: {  	s17 =	sor.u32 $0x280, s31;
	s18 =	sor.u32 $0x200, s31;
	s20 =	sadd.s32 $0x20, s31;
	v18 =	vld [tilespmem:s7+$0x0];
	v25 =	vmul.f32 v21, v21;
	v22 =	vadd.f32 v22, v31;
	v23 =	vadd.f32 v23, v26  }
0x228: {  	s19 =	sadd.s32 $0x30, s31;
	s15 =	sor.u32 $0x380, s31;
	s31 =	sor.u32 $0x200, s20;
	v39 =	vld.idx.msk [tilespmem:v33+s4+$0x0], $0xffff;
	v26 =	vshra.s32 v50, $0x1;
	v42 =	vmul.f32 $5.000000000e-01, v50;
	v51 =	vadd.f32 v19, v24  }
0x229: {  	v38 =	vld [tilespmem:s31+$0x0];
	v30 =	vsub.s32 $0x5F3759DF, v26;
	v49 =	vadd.f32 v25, v22;
	v48 =	vadd.f32 v27, v23  }
0x22a: {  	v20 =	vld [tilespmem:s15+$0x0];
	v23 =	vmul.f32 v30, v42;
	v22 =	vshra.s32 v51, $0x1;
	v43 =	vmul.f32 $5.000000000e-01, v51  }
0x22b: {  	v21 =	vld [tilespmem:s16+$0x0];
	v32 =	vsub.s32 $0x5F3759DF, v22;
	v26 =	vshra.s32 v49, $0x1;
	v46 =	vmul.f32 $5.000000000e-01, v49  }
0x22c: {  	s21 =	sor.u32 $0x380, s19;
	v24 =	vld [tilespmem:s17+$0x0];
	v27 =	vmul.f32 v30, v23;
	v29 =	vmul.f32 v32, v43;
	v63 =	vsub.s32 $0x5F3759DF, v26  }
0x22d: {  	v19 =	vld [tilespmem:s21+$0x0];
	v56 =	vshra.s32 v48, $0x1;
	v52 =	vmul.f32 $5.000000000e-01, v48;
	v31 =	vmul.f32 v63, v46  }
0x22e: {  	s22 =	sor.u32 $0x380, s20;
	v25 =	vld [tilespmem:s18+$0x0];
	v37 =	vsub.s32 $0x5F3759DF, v56;
	v57 =	vsub.f32 $1.500000000e+00, v27;
	v58 =	vmul.f32 v32, v29  }
0x22f: {  	s23 =	sor.u32 $0x300, s19;
	v22 =	vld [tilespmem:s22+$0x0];
	v59 =	vmul.f32 v37, v52;
	v31 =	vmul.f32 v63, v31  }
0x230: {  	s24 =	sor.u32 $0x380, s11;
	v23 =	vld [tilespmem:s23+$0x0];
	v41 =	vmul.f32 v30, v57;
	v60 =	vsub.f32 $1.500000000e+00, v58  }
0x231: {  	s25 =	sor.u32 $0x300, s20;
	v26 =	vld [tilespmem:s24+$0x0];
	v40 =	vmul.f32 v37, v59;
	v61 =	vsub.f32 $1.500000000e+00, v31  }
0x232: {  	s26 =	sor.u32 $0x280, s19;
	v27 =	vld [tilespmem:s25+$0x0];
	v62 =	vmul.f32 v41, v42;
	v45 =	vmul.f32 v32, v60  }
0x233: {  	s28 =	sor.u32 $0x300, s11;
	v29 =	vld [tilespmem:s26+$0x0];
	v53 =	vmul.f32 v63, v61;
	v63 =	vsub.f32 $1.500000000e+00, v40  }
0x234: {  	s29 =	sor.u32 $0x280, s20;
	v30 =	vld [tilespmem:s28+$0x0];
	v40 =	vadd.s32 $0x1C0, v33;
	v44 =	vmul.f32 v62, v41;
	v60 =	vmul.f32 v45, v43  }
0x235: {  	s10 =	sor.u32 $0x200, s19;
	v55 =	vadd.s32 $0x180, v33;
	v31 =	vld [tilespmem:s29+$0x0];
	v56 =	vmul.f32 v53, v46;
	v57 =	vmul.f32 v37, v63  }
0x236: {  	v58 =	vadd.s32 $0x140, v33;
	v32 =	vld [tilespmem:s10+$0x0];
	v44 =	vsub.f32 $1.500000000e+00, v44;
	v54 =	vmul.f32 v60, v45  }
0x237: {  	s11 =	sor.u32 $0x200, s11;
	v59 =	vadd.s32 $0x100, v33;
	v60 =	vld.idx.msk [tilespmem:v0+s8+$0x0], $0xffff;
	v0 =	vmovc v33;
	v56 =	vmul.f32 v56, v53;
	v61 =	vmul.f32 v57, v52  }
0x238: {  	v37 =	vld [tilespmem:s11+$0x0];
	v33 =	vadd.s32 $0xC0, v0;
	v62 =	vmul.f32 v44, v41;
	v44 =	vsub.f32 $1.500000000e+00, v54  }
0x239: {  	v54 =	vadd.s32 $0x80, v0;
	v41 =	vld.idx.msk [tilespmem:v40+s4+$0x0], $0xffff;
	v56 =	vsub.f32 $1.500000000e+00, v56;
	v61 =	vmul.f32 v61, v57  }
0x23a: {  	[tilespmem:$0x1FFF0] =	vst v2;
	v63 =	vadd.s32 $0x40, v0;
	v40 =	vld.idx.msk [tilespmem:v55+s4+$0x0], $0xffff;
	v55 =	vmul.f32 v62, v42;
	v2 =	vmul.f32 v44, v45  }
0x23b: {  	v44 =	vld.idx.msk [tilespmem:v58+s4+$0x0], $0xffff;
	v53 =	vmul.f32 v56, v53;
	v56 =	vsub.f32 $1.500000000e+00, v61  }
0x23c: {  	v42 =	vld.idx.msk [tilespmem:v59+s4+$0x0], $0xffff;
	v55 =	vmul.f32 v55, v62;
	v61 =	vmul.f32 v2, v43  }
0x23d: {  	v45 =	vld.idx.msk [tilespmem:v33+s4+$0x0], $0xffff;
	v33 =	vmul.f32 v56, v57  }
0x23e: {  	v43 =	vld.idx.msk [tilespmem:v54+s4+$0x0], $0xffff;
	v54 =	vsub.f32 $1.500000000e+00, v55;
	v55 =	vmul.f32 v61, v2;
	v61 =	vmul.f32 v53, v46  }
0x23f: {  	v46 =	vld.idx.msk [tilespmem:v63+s4+$0x0], $0xffff;
	v52 =	vmul.f32 v33, v52  }
0x240: {  	v54 =	vmul.f32 v54, v62;
	v55 =	vsub.f32 $1.500000000e+00, v55;
	v56 =	vmul.f32 v61, v53;
	v61 =	vld.idx.msk [tilespmem:v1+s8+$0x0], $0xffff;
	v1 =	vmovc v34  }
0x241: {  	v57 =	vadd.s32 $0x1C0, v35;
	v62 =	vld.idx.msk [tilespmem:v3+s8+$0x0], $0xffff;
	v58 =	vadd.s32 $0x1C0, v1;
	v52 =	vmul.f32 v52, v33  }
0x242: {  	v54 =	vmul.f32 v54, v50;
	v2 =	vmul.f32 v55, v2;
	v55 =	vld.idx.msk [tilespmem:v6+s8+$0x0], $0xffff;
	v56 =	vsub.f32 $1.500000000e+00, v56;
	v6 =	vmovc v47  }
0x243: {  	v34 =	vld.idx.msk [tilespmem:v34+s4+$0x0], $0xffff;
	v63 =	vadd.s32 $0x180, v1;
	v59 =	vadd.s32 $0x1C0, v6;
	v52 =	vsub.f32 $1.500000000e+00, v52  }
0x244: {  	v3 =	vmovc v35;
	v50 =	vld.idx.msk [tilespmem:v35+s4+$0x0], $0xffff;
	v54 =	vadd.f32 $-1.000000010e-01, v54;
	v2 =	vmul.f32 v2, v51;
	v51 =	vmul.f32 v56, v53  }
0x245: {  	v47 =	vld.idx.msk [tilespmem:v47+s4+$0x0], $0xffff;
	v53 =	vadd.s32 $0x180, v3;
	v56 =	vadd.s32 $0x140, v1;
	v33 =	vmul.f32 v52, v33  }
0x246: {  	v35 =	vld.idx.msk [tilespmem:v58+s4+$0x0], $0xffff;
	v52 =	vmax.f32 v54, $0.0e+00;
	v2 =	vadd.f32 $-1.000000010e-01, v2;
	v58 =	vmul.f32 v51, v49  }
0x247: {  	[tilespmem:$0x1FFD0] =	vst v4;
	v5 =	vadd.s32 $0x140, v3;
	v4 =	vadd.s32 $0x180, v6;
	v51 =	vld.idx.msk [tilespmem:v57+s4+$0x0], $0xffff;
	v52 =	vmul.f32 v52, v60  }
0x248: {  	p1 =	sne.s32 s9, $0x4600;
	v49 =	vld.idx.msk [tilespmem:v63+s4+$0x0], $0xffff;
	v2 =	vmax.f32 v2, $0.0e+00;
	v54 =	vadd.f32 $-1.000000010e-01, v58;
	v33 =	vmul.f32 v33, v48  }
.Ltmp4:
0x249: {  	v48 =	vld.idx.msk [tilespmem:v59+s4+$0x0], $0xffff;
	v28 =	vadd.f32 v52, v28;
	v2 =	vmul.f32 v2, v55;
	(pc) =	sbr.rel @p1 .LBB2_9-.Ltmp4, $4  }
0x24a: {  	v57 =	vadd.s32 $0xC0, v1;
	v52 =	vld.idx.msk [tilespmem:v53+s4+$0x0], $0xffff;
	v54 =	vmax.f32 v54, $0.0e+00;
	v33 =	vadd.f32 $-1.000000010e-01, v33  }
0x24b: {  	v60 =	vadd.s32 $0x140, v6;
	v53 =	vld.idx.msk [tilespmem:v56+s4+$0x0], $0xffff;
	v2 =	vadd.f32 v2, v28;
	v28 =	vmul.f32 v54, v62  }
0x24c: {  	v59 =	vadd.s32 $0x100, v1;
	v58 =	vadd.s32 $0x100, v3;
	v54 =	vld.idx.msk [tilespmem:v4+s4+$0x0], $0xffff;
	v4 =	vmax.f32 v33, $0.0e+00  }
0x24d: {  	s9 =	sadd.s32 $0x200, s9;
	v56 =	vadd.s32 $0x100, v6;
	v55 =	vld.idx.msk [tilespmem:v5+s4+$0x0], $0xffff;
	v28 =	vadd.f32 v28, v2;
	v33 =	vmul.f32 v4, v61  }
0x24e: {  	_ =	sdelay $0x3  }
0x24f: {  	v2 =	vadd.s32 $0xC0, v3;
	v4 =	vld.idx.msk [tilespmem:v59+s4+$0x0], $0xffff  }
0x250: {  	v5 =	vsub.f32 v39, v15;
	v15 =	vadd.s32 $0x80, v1;
	v39 =	vld.idx.msk [tilespmem:v60+s4+$0x0], $0xffff  }
0x251: {  	v59 =	vadd.s32 $0xC0, v6;
	v21 =	vsub.f32 v40, v21;
	v40 =	vld.idx.msk [tilespmem:v58+s4+$0x0], $0xffff  }
0x252: {  	v60 =	vadd.s32 $0x80, v3;
	v25 =	vsub.f32 v42, v25;
	v42 =	vld.idx.msk [tilespmem:v57+s4+$0x0], $0xffff  }
0x253: {  	v20 =	vsub.f32 v41, v20;
	v61 =	vadd.s32 $0x40, v1;
	v62 =	vld.idx.msk [tilespmem:v56+s4+$0x0], $0xffff  }
0x254: {  	v24 =	vsub.f32 v44, v24;
	v13 =	vsub.f32 v45, v13;
	v63 =	vadd.s32 $0x80, v6;
	v2 =	vld.idx.msk [tilespmem:v2+s4+$0x0], $0xffff  }
0x255: {  	v14 =	vsub.f32 v46, v14;
	v12 =	vsub.f32 v43, v12;
	v15 =	vld.idx.msk [tilespmem:v15+s4+$0x0], $0xffff  }
0x256: {  	v17 =	vsub.f32 v50, v17;
	v16 =	vsub.f32 v34, v16;
	v41 =	vld.idx.msk [tilespmem:v59+s4+$0x0], $0xffff  }
0x257: {  	v50 =	vadd.s32 $0x40, v3;
	v18 =	vsub.f32 v47, v18;
	v22 =	vsub.f32 v51, v22;
	v57 =	vld.idx.msk [tilespmem:v60+s4+$0x0], $0xffff  }
0x258: {  	v56 =	vadd.s32 $0x40, v6;
	v19 =	vsub.f32 v35, v19;
	v26 =	vsub.f32 v48, v26;
	v58 =	vld.idx.msk [tilespmem:v61+s4+$0x0], $0xffff  }
0x259: {  	v23 =	vsub.f32 v49, v23;
	v5 =	vmul.f32 v5, v5;
	v20 =	vmul.f32 v20, v20;
	v43 =	vld.idx.msk [tilespmem:v63+s4+$0x0], $0xffff  }
0x25a: {  	v27 =	vsub.f32 v52, v27;
	v21 =	vmul.f32 v21, v21;
	v24 =	vmul.f32 v24, v24;
	v60 =	vld [tilespmem:$0x1FFD0]  }
0x25b: {  	v25 =	vmul.f32 v25, v25;
	v13 =	vmul.f32 v13, v13;
	v37 =	vsub.f32 v62, v37;
	v62 =	vld [tilespmem:$0x1FFE0]  }
0x25c: {  	v29 =	vsub.f32 v53, v29;
	v12 =	vmul.f32 v12, v12;
	v14 =	vmul.f32 v14, v14;
	v34 =	vld.idx.msk [tilespmem:v50+s4+$0x0], $0xffff  }
0x25d: {  	v16 =	vmul.f32 v16, v16;
	v18 =	vmul.f32 v18, v18;
	v30 =	vsub.f32 v54, v30;
	v59 =	vld.idx.msk [tilespmem:v56+s4+$0x0], $0xffff  }
0x25e: {  	v17 =	vmul.f32 v17, v17;
	v5 =	vadd.f32 $9.999999960e-13, v5;
	v31 =	vsub.f32 v55, v31;
	v61 =	vld [tilespmem:s7+$0x80]  }
0x25f: {  	v23 =	vmul.f32 v23, v23;
	v16 =	vadd.f32 $9.999999960e-13, v16;
	v36 =	vsub.f32 v39, v36;
	v63 =	vld [tilespmem:$0x1FFF0]  }
0x260: {  	v19 =	vmul.f32 v19, v19;
	v39 =	vsub.f32 v42, v60;
	v42 =	vsub.f32 v2, v62;
	v2 =	vld.idx.msk [tilespmem:v0+s8+$0x0], $0xffff  }
0x261: {  	v47 =	vmul.f32 v29, v29;
	v4 =	vsub.f32 v4, v32;
	v5 =	vadd.f32 v14, v5;
	v0 =	vld.idx.msk [tilespmem:v1+s8+$0x0], $0xffff  }
0x262: {  	s5 =	simm.s32 $0x3;
	v38 =	vsub.f32 v40, v38;
	v54 =	vmul.f32 v30, v30;
	v50 =	vmul.f32 v31, v31;
	v1 =	vld.idx.msk [tilespmem:v3+s8+$0x0], $0xffff  }
0x263: {  	v4 =	vmul.f32 v4, v4;
	v45 =	vmul.f32 v37, v37;
	v5 =	vadd.f32 v12, v5;
	v3 =	vld.idx.msk [tilespmem:v6+s8+$0x0], $0xffff;
	_ =	swait.ge [sflag:s5], $0x200  }
0x264: {  	v46 =	vmul.f32 v38, v38;
	v7 =	vsub.f32 v41, v7;
	v15 =	vsub.f32 v15, v63;
	[sflag:s5] =	ssyncset.done $0x0  }
0x265: {  	s28 =	sshll.u32 s3, $0x4;
	v48 =	vmul.f32 v36, v36;
	v8 =	vsub.f32 v57, v8;
	v9 =	vsub.f32 v58, v9;
	[sflag:s5] =	ssyncadd.s32 $0xFFFFFE00  }
0x266: {  	v10 =	vsub.f32 v43, v10;
	v32 =	vsub.f32 v59, v61;
	v57 =	vmul.f32 v27, v27;
	v41 =	vld [tilespmem:s28+$0x5100]  }
0x267: {  	v11 =	vsub.f32 v34, v11;
	v60 =	vmul.f32 v26, v26;
	v34 =	vmul.f32 v15, v15;
	v43 =	vld [tilespmem:s28+$0x5200]  }
0x268: {  	v17 =	vadd.f32 $9.999999960e-13, v17;
	v35 =	vmul.f32 v39, v39;
	v40 =	vmul.f32 v32, v32  }
0x269: {  	v5 =	vadd.f32 v13, v5;
	v11 =	vmul.f32 v11, v11;
	v9 =	vmul.f32 v9, v9  }
0x26a: {  	v39 =	vadd.f32 $9.999999960e-13, v18;
	v10 =	vmul.f32 v10, v10;
	v8 =	vmul.f32 v8, v8  }
0x26b: {  	v7 =	vmul.f32 v7, v7;
	v9 =	vadd.f32 v9, v16;
	v49 =	vadd.s32 $0x40, v41  }
0x26c: {  	v44 =	vmul.f32 v42, v42;
	v5 =	vadd.f32 v25, v5;
	v51 =	vadd.s32 $0x40, v43  }
0x26d: {  	s29 =	simm.s32 $0x9FC0;
	v6 =	vadd.f32 v40, v39;
	v9 =	vadd.f32 v34, v9;
	v53 =	vadd.s32 $0x80, v41  }
0x26e: {  	v11 =	vadd.f32 v11, v17;
	v5 =	vadd.f32 v24, v5;
	v56 =	vadd.s32 $0x80, v43;
	v52 =	vld.idx.msk [tilespmem:v41+s29+$0x0], $0xffff  }
0x26f: {  	v6 =	vadd.f32 v10, v6;
	v9 =	vadd.f32 v35, v9;
	v58 =	vadd.s32 $0xC0, v41;
	v55 =	vld.idx.msk [tilespmem:v43+s29+$0x0], $0xffff  }
0x270: {  	v8 =	vadd.f32 v8, v11;
	v5 =	vadd.f32 v21, v5;
	v59 =	vadd.s32 $0xC0, v43;
	v11 =	vld.idx.msk [tilespmem:v49+s29+$0x0], $0xffff  }
0x271: {  	v6 =	vadd.f32 v7, v6;
	v61 =	vadd.s32 $0x100, v41;
	v4 =	vadd.f32 v4, v9;
	v9 =	vld.idx.msk [tilespmem:v51+s29+$0x0], $0xffff  }
0x272: {  	v62 =	vmul.f32 v22, v22;
	v8 =	vadd.f32 v44, v8;
	v63 =	vadd.s32 $0x100, v43;
	v15 =	vld.idx.msk [tilespmem:v53+s29+$0x0], $0xffff  }
0x273: {  	v5 =	vadd.f32 v20, v5;
	v31 =	vadd.s32 $0x140, v41;
	v6 =	vadd.f32 v45, v6;
	v30 =	vld.idx.msk [tilespmem:v56+s29+$0x0], $0xffff  }
0x274: {  	v32 =	vadd.s32 $0x140, v43;
	v34 =	vadd.s32 $0x180, v41;
	v8 =	vadd.f32 v46, v8;
	v13 =	vld.idx.msk [tilespmem:v58+s29+$0x0], $0xffff  }
0x275: {  	v36 =	vadd.s32 $0x180, v43;
	v12 =	vadd.s32 $0x1C0, v41;
	v6 =	vadd.f32 v48, v6;
	v16 =	vld.idx.msk [tilespmem:v59+s29+$0x0], $0xffff  }
0x276: {  	v10 =	vadd.s32 $0x1C0, v43;
	v8 =	vadd.f32 v50, v8;
	v4 =	vadd.f32 v47, v4;
	v35 =	vld.idx.msk [tilespmem:v61+s29+$0x0], $0xffff  }
0x277: {  	v29 =	vshra.s32 v5, $0x1;
	v37 =	vld.idx.msk [tilespmem:v63+s29+$0x0], $0xffff;
	v6 =	vadd.f32 v54, v6;
	v7 =	vsub.f32 v52, v55  }
0x278: {  	v24 =	vmul.f32 $5.000000000e-01, v5;
	v38 =	vld.idx.msk [tilespmem:v31+s29+$0x0], $0xffff;
	v8 =	vadd.f32 v57, v8;
	v4 =	vadd.f32 v23, v4  }
0x279: {  	v20 =	vld.idx.msk [tilespmem:v32+s29+$0x0], $0xffff;
	v23 =	vsub.s32 $0x5F3759DF, v29;
	v7 =	vmul.f32 v7, v7;
	v9 =	vsub.f32 v11, v9  }
0x27a: {  	v43 =	vld.idx.msk [tilespmem:v34+s29+$0x0], $0xffff;
	v39 =	vmul.f32 v23, v24;
	v6 =	vadd.f32 v60, v6;
	v8 =	vadd.f32 v62, v8  }
0x27b: {  	v18 =	vld.idx.msk [tilespmem:v36+s29+$0x0], $0xffff;
	v14 =	vsub.f32 v15, v30;
	v7 =	vadd.f32 $9.999999960e-13, v7;
	v9 =	vmul.f32 v9, v9  }
0x27c: {  	v12 =	vld.idx.msk [tilespmem:v12+s29+$0x0], $0xffff;
	v4 =	vadd.f32 v19, v4;
	v48 =	vmul.f32 v23, v39;
	v40 =	vshra.s32 v6, $0x1  }
0x27d: {  	v10 =	vld.idx.msk [tilespmem:v10+s29+$0x0], $0xffff;
	v13 =	vsub.f32 v13, v16;
	v42 =	vmul.f32 v14, v14;
	v7 =	vadd.f32 v9, v7  }
0x27e: {  	v41 =	vmul.f32 $5.000000000e-01, v6;
	v45 =	vshra.s32 v8, $0x1;
	v46 =	vmul.f32 $5.000000000e-01, v8  }
0x27f: {  	v11 =	vsub.f32 v35, v37;
	v47 =	vmul.f32 v13, v13;
	v7 =	vadd.f32 v42, v7  }
0x280: {  	v52 =	vsub.f32 v38, v20;
	v54 =	vshra.s32 v4, $0x1;
	v55 =	vmul.f32 $5.000000000e-01, v4  }
0x281: {  	v57 =	vsub.f32 v43, v18;
	v51 =	vmul.f32 v11, v11;
	v7 =	vadd.f32 v47, v7  }
0x282: {  	v10 =	vsub.f32 v12, v10;
	v44 =	vsub.s32 $0x5F3759DF, v40;
	v50 =	vsub.s32 $0x5F3759DF, v45  }
0x283: {  	v59 =	vsub.s32 $0x5F3759DF, v54;
	v56 =	vmul.f32 v52, v52;
	v7 =	vadd.f32 v51, v7  }
0x284: {  	v49 =	vmul.f32 v44, v41;
	v53 =	vmul.f32 v50, v46;
	v13 =	vsub.f32 $1.500000000e+00, v48  }
0x285: {  	v60 =	vmul.f32 v57, v57;
	v62 =	vmul.f32 v59, v55;
	v7 =	vadd.f32 v56, v7  }
0x286: {  	v58 =	vmul.f32 v44, v49;
	v61 =	vmul.f32 v50, v53  }
0x287: {  	v63 =	vmul.f32 v10, v10;
	v13 =	vmul.f32 v23, v13;
	v7 =	vadd.f32 v60, v7  }
0x288: {  	v12 =	vmul.f32 v59, v62;
	v18 =	vsub.f32 $1.500000000e+00, v58;
	v11 =	vsub.f32 $1.500000000e+00, v61  }
0x289: {  	v20 =	vmul.f32 v13, v24;
	v7 =	vadd.f32 v63, v7  }
0x28a: {  	v27 =	vsub.f32 $1.500000000e+00, v12;
	v23 =	vmul.f32 v44, v18;
	v26 =	vmul.f32 v50, v11  }
0x28b: {  	v14 =	vmul.f32 v20, v13;
	v29 =	vshra.s32 v7, $0x1;
	v30 =	vmul.f32 $5.000000000e-01, v7  }
0x28c: {  	v11 =	vmul.f32 v59, v27;
	v16 =	vmul.f32 v23, v41;
	v12 =	vsub.s32 $0x5F3759DF, v29  }
0x28d: {  	v31 =	vmul.f32 v26, v46;
	v32 =	vmul.f32 v12, v30  }
0x28e: {  	v14 =	vsub.f32 $1.500000000e+00, v14;
	v35 =	vmul.f32 v11, v55;
	v16 =	vmul.f32 v16, v23  }
0x28f: {  	v18 =	vmul.f32 v31, v26;
	v34 =	vmul.f32 v12, v32  }
0x290: {  	v13 =	vmul.f32 v14, v13;
	v38 =	vmul.f32 v35, v11;
	v16 =	vsub.f32 $1.500000000e+00, v16  }
0x291: {  	v37 =	vsub.f32 $1.500000000e+00, v18;
	v36 =	vsub.f32 $1.500000000e+00, v34  }
0x292: {  	v39 =	vmul.f32 v13, v24;
	v40 =	vsub.f32 $1.500000000e+00, v38;
	v9 =	vmul.f32 v16, v23  }
0x293: {  	v10 =	vmul.f32 v37, v26;
	v12 =	vmul.f32 v12, v36  }
0x294: {  	v16 =	vmul.f32 v39, v13;
	v11 =	vmul.f32 v40, v11  }
0x295: {  	v41 =	vmul.f32 v9, v41;
	v42 =	vmul.f32 v12, v30  }
0x296: {  	v16 =	vsub.f32 $1.500000000e+00, v16;
	v44 =	vmul.f32 v10, v46;
	v45 =	vmul.f32 v11, v55  }
0x297: {  	v43 =	vmul.f32 v41, v9;
	v18 =	vmul.f32 v42, v12  }
0x298: {  	v13 =	vmul.f32 v16, v13;
	v46 =	vmul.f32 v44, v10  }
0x299: {  	v14 =	vsub.f32 $1.500000000e+00, v43;
	v47 =	vsub.f32 $1.500000000e+00, v18  }
0x29a: {  	v48 =	vmul.f32 v45, v11;
	v5 =	vmul.f32 v13, v5;
	v49 =	vsub.f32 $1.500000000e+00, v46  }
0x29b: {  	v9 =	vmul.f32 v14, v9;
	v12 =	vmul.f32 v47, v12  }
0x29c: {  	v50 =	vsub.f32 $1.500000000e+00, v48;
	v5 =	vadd.f32 $-1.000000010e-01, v5;
	v51 =	vmul.f32 v49, v10  }
0x29d: {  	v6 =	vmul.f32 v9, v6;
	v52 =	vmul.f32 v12, v30  }
0x29e: {  	v11 =	vmul.f32 v50, v11;
	v5 =	vmax.f32 v5, $0.0e+00  }
0x29f: {  	v8 =	vmul.f32 v51, v8;
	v6 =	vadd.f32 $-1.000000010e-01, v6;
	v53 =	vmul.f32 v52, v12  }
0x2a0: {  	v54 =	vadd.f32 v33, v28;
	v4 =	vmul.f32 v11, v4;
	v2 =	vmul.f32 v5, v2  }
0x2a1: {  	v56 =	vadd.f32 $-1.000000010e-01, v8;
	v55 =	vmax.f32 v6, $0.0e+00;
	v57 =	vsub.f32 $1.500000000e+00, v53  }
0x2a2: {  	v2 =	vadd.f32 v2, v54;
	v3 =	vmul.f32 v55, v3  }
0x2a3: {  	v4 =	vadd.f32 $-1.000000010e-01, v4;
	v58 =	vmax.f32 v56, $0.0e+00;
	v59 =	vmul.f32 v57, v12  }
0x2a4: {  	v1 =	vmul.f32 v58, v1;
	v2 =	vadd.f32 v3, v2  }
0x2a5: {  	v60 =	vmax.f32 v4, $0.0e+00;
	v61 =	vmul.f32 v59, v7  }
0x2a6: {  	v0 =	vmul.f32 v60, v0;
	v1 =	vadd.f32 v1, v2  }
0x2a7: {  	v62 =	vsub.f32 $2.000000000e+00, v61  }
0x2a8: {  	v0 =	vadd.f32 v0, v1  }
0x2a9: {  	v63 =	vmax.f32 v62, $0.0e+00  }
0x2aa: {  	v0 =	vmul.f32 $1.562500000e-02, v0;
	v1 =	vmul.f32 $3.906250000e-03, v63;
	_ =	sdelay $0x1  }
0x2ab: {  	v0 =	vadd.f32 v1, v0;
	_ =	sdelay $0x1  }
0x2ac: {  	s30 =	simm.s32 $0xA240;
	s31 =	simm.s32 $0x4;
	s4 =	sadd.s32 s28, s2;
	[tilespmem:$0xA240] =	vst v0  }
0x2ad: {  	[spmem:s4] =	stream.linear.scatter [tilespmem:s30], [sflag:$0x4], $0x10, $0x38;
	[tilespmem:$0xA450] =	vst v63  }
0x2ae: {  	_ =	swait.ge [sflag:s31], $0x10  }
0x2af: {  	[sflag:s31] =	ssyncset.done $0x0  }
0x2b0: {  	[sflag:s31] =	ssyncadd.s32 $0xFFFFFFF0  }
0x2b1: {  	p0 =	sne.s32 s3, $0x0;
	[bflag:$0x0] =	sbarrier.arrive $0xFFFF  }
0x2b2: {  	_ =	sfence.sel @p0 $0x180000  }
0x2b3: {  	[bflag:$0x0] =	sbarrier.arrive @p0 $0xFFFF  }
0x2b4: {  	_ =	strace @p0 $0x90000047  }
0x2b5: {  	s3 =	simm.s32 @!p0 $0xA2D0;
	[bflag:$0x2] =	sbarrier.arrive @p0 $0xFFFF  }
0x2b6: {  	[tilespmem:s3], [sflag:$0x4] =	stream.linear.gather @!p0 [spmem:s2], $0x100, $0x38;
	[tilespmem:$0xA450] =	vst v63  }
0x2b7: {  	s2 =	simm.s32 @!p0 $0x4  }
0x2b8: {  	_ =	swait.ge @!p0 [sflag:s2], $0x100  }
0x2b9: {  	[sflag:s2] =	ssyncset.done @!p0 $0x0  }
0x2ba: {  	[sflag:s2] =	ssyncadd.s32 @!p0 $0xFFFFFF00  }
0x2bb: {  	v0 =	vld @!p0 [tilespmem:$0xA2D0];
	_ =	sdelay $0x1  }
0x2bc: {  	v1 =	vld @!p0 [tilespmem:$0xA2E0];
	_ =	sdelay $0x1  }
0x2bd: {  	v2 =	vld @!p0 [tilespmem:$0xA2F0]  }
0x2be: {  	v0 =	vadd.f32 @!p0 $0.0e+00, v0  }
0x2bf: {  	v3 =	vld @!p0 [tilespmem:$0xA300]  }
0x2c0: {  	v0 =	vadd.f32 @!p0 v1, v0  }
0x2c1: {  	v1 =	vld @!p0 [tilespmem:$0xA310]  }
0x2c2: {  	v0 =	vadd.f32 @!p0 v2, v0  }
0x2c3: {  	v2 =	vld @!p0 [tilespmem:$0xA320]  }
0x2c4: {  	v0 =	vadd.f32 @!p0 v3, v0  }
0x2c5: {  	v3 =	vld @!p0 [tilespmem:$0xA330]  }
0x2c6: {  	v0 =	vadd.f32 @!p0 v1, v0  }
0x2c7: {  	v1 =	vld @!p0 [tilespmem:$0xA340]  }
0x2c8: {  	v0 =	vadd.f32 @!p0 v2, v0  }
0x2c9: {  	v2 =	vld @!p0 [tilespmem:$0xA350]  }
0x2ca: {  	v0 =	vadd.f32 @!p0 v3, v0  }
0x2cb: {  	v3 =	vld @!p0 [tilespmem:$0xA360]  }
0x2cc: {  	v0 =	vadd.f32 @!p0 v1, v0  }
0x2cd: {  	v1 =	vld @!p0 [tilespmem:$0xA370]  }
0x2ce: {  	v0 =	vadd.f32 @!p0 v2, v0  }
0x2cf: {  	v2 =	vld @!p0 [tilespmem:$0xA380]  }
0x2d0: {  	v0 =	vadd.f32 @!p0 v3, v0  }
0x2d1: {  	v3 =	vld @!p0 [tilespmem:$0xA390]  }
0x2d2: {  	v0 =	vadd.f32 @!p0 v1, v0  }
0x2d3: {  	v1 =	vld @!p0 [tilespmem:$0xA3A0]  }
0x2d4: {  	v0 =	vadd.f32 @!p0 v2, v0  }
0x2d5: {  	v2 =	vld @!p0 [tilespmem:$0xA3B0]  }
0x2d6: {  	v0 =	vadd.f32 @!p0 v3, v0  }
0x2d7: {  	v3 =	vld @!p0 [tilespmem:$0xA3C0]  }
0x2d8: {  	v0 =	vadd.f32 @!p0 v1, v0;
	_ =	sdelay $0x1  }
0x2d9: {  	v0 =	vadd.f32 @!p0 v2, v0;
	_ =	sdelay $0x1  }
0x2da: {  	v0 =	vadd.f32 @!p0 v3, v0;
	_ =	sdelay $0x1  }
0x2db: {  	(xrf2) =	vadd.scan.msk.f32 @!p0 $0xffff, v0;
	_ =	sdelay $0x9  }
0x2dc: {  	v0, _, _ =	vpop @!p0 (xrf2)  }
0x2dd: {  	v0 =	vbroadcast @!p0 v0, $0xF;
	_ =	sdelay $0x1  }
0x2de: {  	s4 =	simm.s32 @!p0 $0xA3D0;
	s3 =	simm.s32 @!p0 $0x0;
	[tilespmem:$0xA3D0] =	vst @!p0 v0  }
0x2df: {  	[hbm4b:s1+s3] =	stream.linear.scatter @!p0 [tilespmem:s4], [sflag:$0x4], $0x80, $0x38;
	[tilespmem:$0xA450] =	vst v63  }
0x2e0: {  	_ =	swait.ge @!p0 [sflag:s2], $0x80  }
0x2e1: {  	[sflag:s2] =	ssyncset.done @!p0 $0x0  }
0x2e2: {  	[sflag:s2] =	ssyncadd.s32 @!p0 $0xFFFFFF80  }
0x2e3: {  	_ =	sfence.sel @!p0 $0x180000  }
0x2e4: {  	[bflag:$0x0] =	sbarrier.arrive @!p0 $0xFFFF  }
0x2e5: {  	_ =	strace @!p0 $0x90000047  }
0x2e6: {  	s0 =	sadd.s32 @!p0 $0x100000, s0;
	[bflag:$0x2] =	sbarrier.arrive @!p0 $0xFFFF  }
0x2e7: {  	[sflag:s0] =	ssyncadd.tile.s32 @!p0 $0x1;
	_ =	shalt  }
.Lfunc_end2:
_tile_overlayer_lowered:
.L_overlay_start_2:
0x2e8: {  	(tag) =	ssettag $0x2  }
0x2e9: {  	s0 =	rddreg [dreg:$0x0];
	s2 =	stileid.u32  }
0x2ea: {  	s1 =	rddreg [dreg:$0x1];
	p0 =	sne.s32 s2, $0x0  }
0x2eb: {  	s3 =	rddreg [dreg:$0x2];
	[bflag:$0x3] =	sbarrier.arrive $0xFFFF;
	s2 =	simm.s32 @!p0 $0x1C04  }
0x2ec: {  	[timem:s3], [sflag:s2] =	dma.local @!p0 [hbm:s0], s1  }
0x2ed: {  	s0 =	simm.s32 @!p0 $0x4  }
0x2ee: {  	_ =	swait.ge @!p0 [sflag:s0], s1  }
0x2ef: {  	s1 =	ssub.s32 @!p0 $0x0, s1;
	[sflag:s0] =	ssyncset.done @!p0 $0x0  }
0x2f0: {  	[sflag:s0] =	ssyncadd.s32 @!p0 s1  }
0x2f1: {  	[bflag:$0x3] =	sbarrier.arrive $0xFFFF  }
0x2f2: {  	_ =	shalt  }

</sc_bundles>
